<compile_context>
chip_gen: v7x
topology: tpu7x:2x2x1
jax: 0.10.2.dev20260603
libtpu: 0.0.44.dev20260713+nightly
codegen_flags: <defaults>
</compile_context>

<pallas_src>
import functools

import jax
import jax.numpy as jnp
from jax import lax
from jax.experimental import pallas as pl
from jax.experimental.pallas import tpu as pltpu
from jax.experimental.pallas import tpu_sc as plsc

_BATCH = 16384
_HIST = 50
_HIDDEN = 32
_B = _BATCH * _HIST
_NC, _NS = 2, 16
_NW = _NC * _NS
_BT = _BATCH // 128
_BT_PER_W = _BT // _NW
_G = 5
_NGRP = _HIST // _G

_mesh = plsc.VectorSubcoreMesh(core_axis_name="c", subcore_axis_name="s")


@functools.partial(
    pl.kernel,
    mesh=_mesh,
    out_type=jax.ShapeDtypeStruct((_BATCH, _HIST * _HIDDEN), jnp.float32),
    compiler_params=pltpu.CompilerParams(use_tc_tiling_on_sc=False),
    scratch_types=[
        pltpu.VMEM((_HIST, 128), jnp.int32),
        pltpu.VMEM((_G * 128, _HIDDEN), jnp.float32),
        pltpu.VMEM((_G * 128, _HIDDEN), jnp.float32),
        pltpu.VMEM((_G * 128, _HIDDEN), jnp.float32),
        pltpu.SemaphoreType.DMA,
        pltpu.SemaphoreType.DMA,
        pltpu.SemaphoreType.DMA,
        pltpu.SemaphoreType.DMA,
        pltpu.SemaphoreType.DMA,
        pltpu.SemaphoreType.DMA,
    ],
)
def _embed(actions_hbm, table_hbm, out_hbm, idx_slab, slot0, slot1, slot2,
           gs0, gs1, gs2, os0, os1, os2):
    wid = lax.axis_index("s") * _NC + lax.axis_index("c")
    slots = (slot0, slot1, slot2)
    gsems = (gs0, gs1, gs2)
    osems = (os0, os1, os2)

    def fire(g, btg, s):
        for j in range(_G):
            h = g * _G + j
            pltpu.async_copy(
                table_hbm.at[idx_slab.at[h]],
                slots[s].at[pl.ds(j * 128, 128)],
                gsems[s],
            )

    def drain_gathers(s):
        pltpu.make_async_copy(
            table_hbm.at[pl.ds(0, _G * 128)], slots[s], gsems[s]
        ).wait()

    def store(g, btg, s):
        for j in range(_G):
            h = g * _G + j
            pltpu.async_copy(
                slots[s].at[pl.ds(j * 128, 128)],
                out_hbm.at[pl.ds(btg * 128, 128), pl.ds(h * _HIDDEN, _HIDDEN)],
                osems[s],
            )

    def wait_store(s):
        pltpu.make_async_copy(
            slots[s],
            out_hbm.at[pl.ds(0, _G * 128), pl.ds(0, _HIDDEN)],
            osems[s],
        ).wait()

    def btile_body(bt, carry):
        btg = wid * _BT_PER_W + bt
        pltpu.sync_copy(
            actions_hbm.at[pl.ds(0, _HIST), pl.ds(btg * 128, 128)], idx_slab)

        fire(0, btg, 0)
        fire(1, btg, 1)
        for g in range(_NGRP):
            s = g % 3
            drain_gathers(s)
            if g + 2 < _NGRP:
                ns = (g + 2) % 3
                if g >= 1:
                    wait_store(ns)
                fire(g + 2, btg, ns)
            store(g, btg, s)
        wait_store(0)
        wait_store(1)
        wait_store(2)
        return carry

    lax.fori_loop(0, _BT_PER_W, btile_body, 0)


def kernel(actions, embedding_table):
    actions_t = jnp.transpose(actions).astype(jnp.int32)
    out2 = _embed(actions_t, embedding_table)
    return out2.reshape(_BATCH, _HIST, _HIDDEN)

# --- scband reference (transcript-rebuilt; emitter-appended) ---
"""Pipeline reference for scband-action-embedder-14851996909985 (READ-ONLY COPY).

The authoritative reference and input builder live on the scoring server;
editing this copy changes nothing except your own understanding.
"""

import jax, jax.numpy as jnp
import numpy as np

NUM_ACTIONS = 1000000
HIDDEN_SIZE = 32
BATCH = 16384
HIST = 50

def setup_inputs(seed: int = 0) -> dict:
    key = jax.random.key(seed)
    k1, k2 = jax.random.split(key)
    actions = jax.random.randint(k1, (BATCH, HIST), 0, NUM_ACTIONS, dtype=jnp.int64 if jax.config.jax_enable_x64 else jnp.int32)
    # nn.Embedding default init: N(0, 1)
    embedding_table = jax.random.normal(k2, (NUM_ACTIONS, HIDDEN_SIZE), dtype=jnp.float32)
    return {"actions": actions, "embedding_table": embedding_table}

def reference(actions, embedding_table):
    # Faithful translation of nn.Embedding lookup
    embeddings = jnp.take(embedding_table, actions, axis=0)
    return embeddings

if __name__ == "__main__":
    import jax
    _d = setup_inputs()
    print(jax.jit(kernel)(*tuple(_d.values())))

</pallas_src>

<mosaic_0001>
#map = affine_map<(d0, d1) -> (0, 0)>
module attributes {stable_mosaic.version = 14 : i64} {
  func.func @_embed(%arg0: i32, %arg1: i32, %arg2: memref<50x16384xi32, #tpu.memory_space<hbm>>, %arg3: memref<1000000x32xf32, #tpu.memory_space<hbm>>, %arg4: memref<16384x1600xf32, #tpu.memory_space<hbm>>, %arg5: memref<50x128xi32, #tpu.memory_space<vmem>>, %arg6: memref<640x32xf32, #tpu.memory_space<vmem>>, %arg7: memref<640x32xf32, #tpu.memory_space<vmem>>, %arg8: memref<640x32xf32, #tpu.memory_space<vmem>>, %arg9: memref<!tpu.dma_semaphore, #tpu.memory_space<semaphore_mem>>, %arg10: memref<!tpu.dma_semaphore, #tpu.memory_space<semaphore_mem>>, %arg11: memref<!tpu.dma_semaphore, #tpu.memory_space<semaphore_mem>>, %arg12: memref<!tpu.dma_semaphore, #tpu.memory_space<semaphore_mem>>, %arg13: memref<!tpu.dma_semaphore, #tpu.memory_space<semaphore_mem>>, %arg14: memref<!tpu.dma_semaphore, #tpu.memory_space<semaphore_mem>>) attributes {dimension_semantics = [#tpu.dimension_semantics<core_parallel>, #tpu.dimension_semantics<subcore_parallel>], iteration_bounds = array<i64: 2, 16>, scalar_prefetch = 0 : i64, scratch_operands = 10 : i64, tpu.core_type = #tpu.core_type<sc_vector_subcore>, window_params = [{transform_indices = #map}, {transform_indices = #map}, {transform_indices = #map}]} {
    %mul3A = arith.constant 2 : i32
    %mul3A_0 = arith.muli %arg1, %mul3A : i32
    %add3A = arith.addi %mul3A_0, %arg0 : i32
    %scan3A = arith.constant 0 : i32
    %scan3A_1 = arith.constant 0 : i32
    %scan3A_2 = arith.constant 4 : i32
    %scan3A_3 = arith.addi %scan3A_1, %scan3A_2 : i32
    %scan3A_4 = arith.constant 1 : i32
    scf.for %scan3A_6 = %scan3A_1 to %scan3A_3 step %scan3A_4  : i32 {
      %mul3A_7 = arith.constant 4 : i32
      %mul3A_8 = arith.muli %add3A, %mul3A_7 : i32
      %add3A_9 = arith.addi %mul3A_8, %scan3A_6 : i32
      %mul3A_10 = arith.constant 128 : i32
      %mul3A_11 = arith.muli %add3A_9, %mul3A_10 : i32
      "tpu.region"() ({
        %run_scoped3A = tpu.sem_alloc : memref<!tpu.dma_semaphore, #tpu.memory_space<semaphore_mem>>
        %dma_start3A_1230 = arith.constant 0 : i32
        %dma_start3A_1231 = tpu.memref_slice %arg2[%dma_start3A_1230, %mul3A_11] : memref<50x16384xi32, #tpu.memory_space<hbm>> -> memref<50x128xi32, #tpu.memory_space<hbm>>
        %dma_start3A_1232 = arith.constant 0 : i32
        %dma_start3A_1233 = tpu.memref_slice %arg2[%dma_start3A_1232, %mul3A_11] : memref<50x16384xi32, #tpu.memory_space<hbm>> -> memref<50x128xi32, #tpu.memory_space<hbm>>
        tpu.enqueue_dma source(%dma_start3A_1233 : memref<50x128xi32, #tpu.memory_space<hbm>>) target(%arg5 : memref<50x128xi32, #tpu.memory_space<vmem>>) target_semaphore(%run_scoped3A : memref<!tpu.dma_semaphore, #tpu.memory_space<semaphore_mem>>)
        %dma_wait3A_1234 = arith.constant 0 : i32
        %dma_wait3A_1235 = tpu.memref_slice %arg2[%dma_wait3A_1234, %mul3A_11] : memref<50x16384xi32, #tpu.memory_space<hbm>> -> memref<50x128xi32, #tpu.memory_space<hbm>>
        %dma_wait3A_1236 = arith.constant 0 : i32
        %dma_wait3A_1237 = tpu.memref_slice %arg2[%dma_wait3A_1236, %mul3A_11] : memref<50x16384xi32, #tpu.memory_space<hbm>> -> memref<50x128xi32, #tpu.memory_space<hbm>>
        tpu.wait_dma2 semaphore(%run_scoped3A : memref<!tpu.dma_semaphore, #tpu.memory_space<semaphore_mem>>) src(%dma_wait3A_1237 : memref<50x128xi32, #tpu.memory_space<hbm>>) dst(%arg5 : memref<50x128xi32, #tpu.memory_space<vmem>>)
        tpu.yield
      }) : () -> ()
      %dma_start3A = arith.constant 0 : i32
      %dma_start3A_12 = arith.constant 0 : i32
      %dma_start3A_13 = arith.constant 0 : i32
      %dma_start3A_14 = tpu.memref_slice %arg6[%dma_start3A_12, %dma_start3A_13] : memref<640x32xf32, #tpu.memory_space<vmem>> -> memref<128x32xf32, #tpu.memory_space<vmem>>
      %dma_start3A_15 = arith.constant 0 : i32
      %dma_start3A_16 = tpu.memref_slice %arg5[%dma_start3A, %dma_start3A_15] : memref<50x128xi32, #tpu.memory_space<vmem>> -> memref<1x128xi32, #tpu.memory_space<vmem>>
      %dma_start3A_17 = tpu.memref_squeeze %dma_start3A_16 : memref<1x128xi32, #tpu.memory_space<vmem>> -> memref<128xi32, #tpu.memory_space<vmem>>
      %dma_start3A_18 = arith.constant 0 : i32
      %dma_start3A_19 = arith.constant 0 : i32
      %dma_start3A_20 = tpu.memref_slice %arg3[%dma_start3A_18, %dma_start3A_19] : memref<1000000x32xf32, #tpu.memory_space<hbm>> -> memref<1000000x32xf32, #tpu.memory_space<hbm>>
      tpu.enqueue_indirect_dma source(%dma_start3A_20 : memref<1000000x32xf32, #tpu.memory_space<hbm>>) target(%dma_start3A_14 : memref<128x32xf32, #tpu.memory_space<vmem>>) offsets(%dma_start3A_17 : memref<128xi32, #tpu.memory_space<vmem>>) semaphore(%arg9 : memref<!tpu.dma_semaphore, #tpu.memory_space<semaphore_mem>>)
      %dma_start3A_21 = arith.constant 1 : i32
      %dma_start3A_22 = arith.constant 128 : i32
      %dma_start3A_23 = arith.constant 0 : i32
      %dma_start3A_24 = tpu.memref_slice %arg6[%dma_start3A_22, %dma_start3A_23] : memref<640x32xf32, #tpu.memory_space<vmem>> -> memref<128x32xf32, #tpu.memory_space<vmem>>
      %dma_start3A_25 = arith.constant 0 : i32
      %dma_start3A_26 = tpu.memref_slice %arg5[%dma_start3A_21, %dma_start3A_25] : memref<50x128xi32, #tpu.memory_space<vmem>> -> memref<1x128xi32, #tpu.memory_space<vmem>>
      %dma_start3A_27 = tpu.memref_squeeze %dma_start3A_26 : memref<1x128xi32, #tpu.memory_space<vmem>> -> memref<128xi32, #tpu.memory_space<vmem>>
      %dma_start3A_28 = arith.constant 0 : i32
      %dma_start3A_29 = arith.constant 0 : i32
      %dma_start3A_30 = tpu.memref_slice %arg3[%dma_start3A_28, %dma_start3A_29] : memref<1000000x32xf32, #tpu.memory_space<hbm>> -> memref<1000000x32xf32, #tpu.memory_space<hbm>>
      tpu.enqueue_indirect_dma source(%dma_start3A_30 : memref<1000000x32xf32, #tpu.memory_space<hbm>>) target(%dma_start3A_24 : memref<128x32xf32, #tpu.memory_space<vmem>>) offsets(%dma_start3A_27 : memref<128xi32, #tpu.memory_space<vmem>>) semaphore(%arg9 : memref<!tpu.dma_semaphore, #tpu.memory_space<semaphore_mem>>)
      %dma_start3A_31 = arith.constant 2 : i32
      %dma_start3A_32 = arith.constant 256 : i32
      %dma_start3A_33 = arith.constant 0 : i32
      %dma_start3A_34 = tpu.memref_slice %arg6[%dma_start3A_32, %dma_start3A_33] : memref<640x32xf32, #tpu.memory_space<vmem>> -> memref<128x32xf32, #tpu.memory_space<vmem>>
      %dma_start3A_35 = arith.constant 0 : i32
      %dma_start3A_36 = tpu.memref_slice %arg5[%dma_start3A_31, %dma_start3A_35] : memref<50x128xi32, #tpu.memory_space<vmem>> -> memref<1x128xi32, #tpu.memory_space<vmem>>
      %dma_start3A_37 = tpu.memref_squeeze %dma_start3A_36 : memref<1x128xi32, #tpu.memory_space<vmem>> -> memref<128xi32, #tpu.memory_space<vmem>>
      %dma_start3A_38 = arith.constant 0 : i32
      %dma_start3A_39 = arith.constant 0 : i32
      %dma_start3A_40 = tpu.memref_slice %arg3[%dma_start3A_38, %dma_start3A_39] : memref<1000000x32xf32, #tpu.memory_space<hbm>> -> memref<1000000x32xf32, #tpu.memory_space<hbm>>
      tpu.enqueue_indirect_dma source(%dma_start3A_40 : memref<1000000x32xf32, #tpu.memory_space<hbm>>) target(%dma_start3A_34 : memref<128x32xf32, #tpu.memory_space<vmem>>) offsets(%dma_start3A_37 : memref<128xi32, #tpu.memory_space<vmem>>) semaphore(%arg9 : memref<!tpu.dma_semaphore, #tpu.memory_space<semaphore_mem>>)
      %dma_start3A_41 = arith.constant 3 : i32
      %dma_start3A_42 = arith.constant 384 : i32
      %dma_start3A_43 = arith.constant 0 : i32
      %dma_start3A_44 = tpu.memref_slice %arg6[%dma_start3A_42, %dma_start3A_43] : memref<640x32xf32, #tpu.memory_space<vmem>> -> memref<128x32xf32, #tpu.memory_space<vmem>>
      %dma_start3A_45 = arith.constant 0 : i32
      %dma_start3A_46 = tpu.memref_slice %arg5[%dma_start3A_41, %dma_start3A_45] : memref<50x128xi32, #tpu.memory_space<vmem>> -> memref<1x128xi32, #tpu.memory_space<vmem>>
      %dma_start3A_47 = tpu.memref_squeeze %dma_start3A_46 : memref<1x128xi32, #tpu.memory_space<vmem>> -> memref<128xi32, #tpu.memory_space<vmem>>
      %dma_start3A_48 = arith.constant 0 : i32
      %dma_start3A_49 = arith.constant 0 : i32
      %dma_start3A_50 = tpu.memref_slice %arg3[%dma_start3A_48, %dma_start3A_49] : memref<1000000x32xf32, #tpu.memory_space<hbm>> -> memref<1000000x32xf32, #tpu.memory_space<hbm>>
      tpu.enqueue_indirect_dma source(%dma_start3A_50 : memref<1000000x32xf32, #tpu.memory_space<hbm>>) target(%dma_start3A_44 : memref<128x32xf32, #tpu.memory_space<vmem>>) offsets(%dma_start3A_47 : memref<128xi32, #tpu.memory_space<vmem>>) semaphore(%arg9 : memref<!tpu.dma_semaphore, #tpu.memory_space<semaphore_mem>>)
      %dma_start3A_51 = arith.constant 4 : i32
      %dma_start3A_52 = arith.constant 512 : i32
      %dma_start3A_53 = arith.constant 0 : i32
      %dma_start3A_54 = tpu.memref_slice %arg6[%dma_start3A_52, %dma_start3A_53] : memref<640x32xf32, #tpu.memory_space<vmem>> -> memref<128x32xf32, #tpu.memory_space<vmem>>
      %dma_start3A_55 = arith.constant 0 : i32
      %dma_start3A_56 = tpu.memref_slice %arg5[%dma_start3A_51, %dma_start3A_55] : memref<50x128xi32, #tpu.memory_space<vmem>> -> memref<1x128xi32, #tpu.memory_space<vmem>>
      %dma_start3A_57 = tpu.memref_squeeze %dma_start3A_56 : memref<1x128xi32, #tpu.memory_space<vmem>> -> memref<128xi32, #tpu.memory_space<vmem>>
      %dma_start3A_58 = arith.constant 0 : i32
      %dma_start3A_59 = arith.constant 0 : i32
      %dma_start3A_60 = tpu.memref_slice %arg3[%dma_start3A_58, %dma_start3A_59] : memref<1000000x32xf32, #tpu.memory_space<hbm>> -> memref<1000000x32xf32, #tpu.memory_space<hbm>>
      tpu.enqueue_indirect_dma source(%dma_start3A_60 : memref<1000000x32xf32, #tpu.memory_space<hbm>>) target(%dma_start3A_54 : memref<128x32xf32, #tpu.memory_space<vmem>>) offsets(%dma_start3A_57 : memref<128xi32, #tpu.memory_space<vmem>>) semaphore(%arg9 : memref<!tpu.dma_semaphore, #tpu.memory_space<semaphore_mem>>)
      %dma_start3A_61 = arith.constant 5 : i32
      %dma_start3A_62 = arith.constant 0 : i32
      %dma_start3A_63 = arith.constant 0 : i32
      %dma_start3A_64 = tpu.memref_slice %arg7[%dma_start3A_62, %dma_start3A_63] : memref<640x32xf32, #tpu.memory_space<vmem>> -> memref<128x32xf32, #tpu.memory_space<vmem>>
      %dma_start3A_65 = arith.constant 0 : i32
      %dma_start3A_66 = tpu.memref_slice %arg5[%dma_start3A_61, %dma_start3A_65] : memref<50x128xi32, #tpu.memory_space<vmem>> -> memref<1x128xi32, #tpu.memory_space<vmem>>
      %dma_start3A_67 = tpu.memref_squeeze %dma_start3A_66 : memref<1x128xi32, #tpu.memory_space<vmem>> -> memref<128xi32, #tpu.memory_space<vmem>>
      %dma_start3A_68 = arith.constant 0 : i32
      %dma_start3A_69 = arith.constant 0 : i32
      %dma_start3A_70 = tpu.memref_slice %arg3[%dma_start3A_68, %dma_start3A_69] : memref<1000000x32xf32, #tpu.memory_space<hbm>> -> memref<1000000x32xf32, #tpu.memory_space<hbm>>
      tpu.enqueue_indirect_dma source(%dma_start3A_70 : memref<1000000x32xf32, #tpu.memory_space<hbm>>) target(%dma_start3A_64 : memref<128x32xf32, #tpu.memory_space<vmem>>) offsets(%dma_start3A_67 : memref<128xi32, #tpu.memory_space<vmem>>) semaphore(%arg10 : memref<!tpu.dma_semaphore, #tpu.memory_space<semaphore_mem>>)
      %dma_start3A_71 = arith.constant 6 : i32
      %dma_start3A_72 = arith.constant 128 : i32
      %dma_start3A_73 = arith.constant 0 : i32
      %dma_start3A_74 = tpu.memref_slice %arg7[%dma_start3A_72, %dma_start3A_73] : memref<640x32xf32, #tpu.memory_space<vmem>> -> memref<128x32xf32, #tpu.memory_space<vmem>>
      %dma_start3A_75 = arith.constant 0 : i32
      %dma_start3A_76 = tpu.memref_slice %arg5[%dma_start3A_71, %dma_start3A_75] : memref<50x128xi32, #tpu.memory_space<vmem>> -> memref<1x128xi32, #tpu.memory_space<vmem>>
      %dma_start3A_77 = tpu.memref_squeeze %dma_start3A_76 : memref<1x128xi32, #tpu.memory_space<vmem>> -> memref<128xi32, #tpu.memory_space<vmem>>
      %dma_start3A_78 = arith.constant 0 : i32
      %dma_start3A_79 = arith.constant 0 : i32
      %dma_start3A_80 = tpu.memref_slice %arg3[%dma_start3A_78, %dma_start3A_79] : memref<1000000x32xf32, #tpu.memory_space<hbm>> -> memref<1000000x32xf32, #tpu.memory_space<hbm>>
      tpu.enqueue_indirect_dma source(%dma_start3A_80 : memref<1000000x32xf32, #tpu.memory_space<hbm>>) target(%dma_start3A_74 : memref<128x32xf32, #tpu.memory_space<vmem>>) offsets(%dma_start3A_77 : memref<128xi32, #tpu.memory_space<vmem>>) semaphore(%arg10 : memref<!tpu.dma_semaphore, #tpu.memory_space<semaphore_mem>>)
      %dma_start3A_81 = arith.constant 7 : i32
      %dma_start3A_82 = arith.constant 256 : i32
      %dma_start3A_83 = arith.constant 0 : i32
      %dma_start3A_84 = tpu.memref_slice %arg7[%dma_start3A_82, %dma_start3A_83] : memref<640x32xf32, #tpu.memory_space<vmem>> -> memref<128x32xf32, #tpu.memory_space<vmem>>
      %dma_start3A_85 = arith.constant 0 : i32
      %dma_start3A_86 = tpu.memref_slice %arg5[%dma_start3A_81, %dma_start3A_85] : memref<50x128xi32, #tpu.memory_space<vmem>> -> memref<1x128xi32, #tpu.memory_space<vmem>>
      %dma_start3A_87 = tpu.memref_squeeze %dma_start3A_86 : memref<1x128xi32, #tpu.memory_space<vmem>> -> memref<128xi32, #tpu.memory_space<vmem>>
      %dma_start3A_88 = arith.constant 0 : i32
      %dma_start3A_89 = arith.constant 0 : i32
      %dma_start3A_90 = tpu.memref_slice %arg3[%dma_start3A_88, %dma_start3A_89] : memref<1000000x32xf32, #tpu.memory_space<hbm>> -> memref<1000000x32xf32, #tpu.memory_space<hbm>>
      tpu.enqueue_indirect_dma source(%dma_start3A_90 : memref<1000000x32xf32, #tpu.memory_space<hbm>>) target(%dma_start3A_84 : memref<128x32xf32, #tpu.memory_space<vmem>>) offsets(%dma_start3A_87 : memref<128xi32, #tpu.memory_space<vmem>>) semaphore(%arg10 : memref<!tpu.dma_semaphore, #tpu.memory_space<semaphore_mem>>)
      %dma_start3A_91 = arith.constant 8 : i32
      %dma_start3A_92 = arith.constant 384 : i32
      %dma_start3A_93 = arith.constant 0 : i32
      %dma_start3A_94 = tpu.memref_slice %arg7[%dma_start3A_92, %dma_start3A_93] : memref<640x32xf32, #tpu.memory_space<vmem>> -> memref<128x32xf32, #tpu.memory_space<vmem>>
      %dma_start3A_95 = arith.constant 0 : i32
      %dma_start3A_96 = tpu.memref_slice %arg5[%dma_start3A_91, %dma_start3A_95] : memref<50x128xi32, #tpu.memory_space<vmem>> -> memref<1x128xi32, #tpu.memory_space<vmem>>
      %dma_start3A_97 = tpu.memref_squeeze %dma_start3A_96 : memref<1x128xi32, #tpu.memory_space<vmem>> -> memref<128xi32, #tpu.memory_space<vmem>>
      %dma_start3A_98 = arith.constant 0 : i32
      %dma_start3A_99 = arith.constant 0 : i32
      %dma_start3A_100 = tpu.memref_slice %arg3[%dma_start3A_98, %dma_start3A_99] : memref<1000000x32xf32, #tpu.memory_space<hbm>> -> memref<1000000x32xf32, #tpu.memory_space<hbm>>
      tpu.enqueue_indirect_dma source(%dma_start3A_100 : memref<1000000x32xf32, #tpu.memory_space<hbm>>) target(%dma_start3A_94 : memref<128x32xf32, #tpu.memory_space<vmem>>) offsets(%dma_start3A_97 : memref<128xi32, #tpu.memory_space<vmem>>) semaphore(%arg10 : memref<!tpu.dma_semaphore, #tpu.memory_space<semaphore_mem>>)
      %dma_start3A_101 = arith.constant 9 : i32
      %dma_start3A_102 = arith.constant 512 : i32
      %dma_start3A_103 = arith.constant 0 : i32
      %dma_start3A_104 = tpu.memref_slice %arg7[%dma_start3A_102, %dma_start3A_103] : memref<640x32xf32, #tpu.memory_space<vmem>> -> memref<128x32xf32, #tpu.memory_space<vmem>>
      %dma_start3A_105 = arith.constant 0 : i32
      %dma_start3A_106 = tpu.memref_slice %arg5[%dma_start3A_101, %dma_start3A_105] : memref<50x128xi32, #tpu.memory_space<vmem>> -> memref<1x128xi32, #tpu.memory_space<vmem>>
      %dma_start3A_107 = tpu.memref_squeeze %dma_start3A_106 : memref<1x128xi32, #tpu.memory_space<vmem>> -> memref<128xi32, #tpu.memory_space<vmem>>
      %dma_start3A_108 = arith.constant 0 : i32
      %dma_start3A_109 = arith.constant 0 : i32
      %dma_start3A_110 = tpu.memref_slice %arg3[%dma_start3A_108, %dma_start3A_109] : memref<1000000x32xf32, #tpu.memory_space<hbm>> -> memref<1000000x32xf32, #tpu.memory_space<hbm>>
      tpu.enqueue_indirect_dma source(%dma_start3A_110 : memref<1000000x32xf32, #tpu.memory_space<hbm>>) target(%dma_start3A_104 : memref<128x32xf32, #tpu.memory_space<vmem>>) offsets(%dma_start3A_107 : memref<128xi32, #tpu.memory_space<vmem>>) semaphore(%arg10 : memref<!tpu.dma_semaphore, #tpu.memory_space<semaphore_mem>>)
      %dma_wait3A = arith.constant 0 : i32
      %dma_wait3A_111 = arith.constant 0 : i32
      %dma_wait3A_112 = tpu.memref_slice %arg3[%dma_wait3A, %dma_wait3A_111] : memref<1000000x32xf32, #tpu.memory_space<hbm>> -> memref<640x32xf32, #tpu.memory_space<hbm>>
      %dma_wait3A_113 = arith.constant 0 : i32
      %dma_wait3A_114 = arith.constant 0 : i32
      %dma_wait3A_115 = tpu.memref_slice %arg3[%dma_wait3A_113, %dma_wait3A_114] : memref<1000000x32xf32, #tpu.memory_space<hbm>> -> memref<640x32xf32, #tpu.memory_space<hbm>>
      tpu.wait_dma2 semaphore(%arg9 : memref<!tpu.dma_semaphore, #tpu.memory_space<semaphore_mem>>) src(%dma_wait3A_115 : memref<640x32xf32, #tpu.memory_space<hbm>>) dst(%arg6 : memref<640x32xf32, #tpu.memory_space<vmem>>)
      %dma_start3A_116 = arith.constant 10 : i32
      %dma_start3A_117 = arith.constant 0 : i32
      %dma_start3A_118 = arith.constant 0 : i32
      %dma_start3A_119 = tpu.memref_slice %arg8[%dma_start3A_117, %dma_start3A_118] : memref<640x32xf32, #tpu.memory_space<vmem>> -> memref<128x32xf32, #tpu.memory_space<vmem>>
      %dma_start3A_120 = arith.constant 0 : i32
      %dma_start3A_121 = tpu.memref_slice %arg5[%dma_start3A_116, %dma_start3A_120] : memref<50x128xi32, #tpu.memory_space<vmem>> -> memref<1x128xi32, #tpu.memory_space<vmem>>
      %dma_start3A_122 = tpu.memref_squeeze %dma_start3A_121 : memref<1x128xi32, #tpu.memory_space<vmem>> -> memref<128xi32, #tpu.memory_space<vmem>>
      %dma_start3A_123 = arith.constant 0 : i32
      %dma_start3A_124 = arith.constant 0 : i32
      %dma_start3A_125 = tpu.memref_slice %arg3[%dma_start3A_123, %dma_start3A_124] : memref<1000000x32xf32, #tpu.memory_space<hbm>> -> memref<1000000x32xf32, #tpu.memory_space<hbm>>
      tpu.enqueue_indirect_dma source(%dma_start3A_125 : memref<1000000x32xf32, #tpu.memory_space<hbm>>) target(%dma_start3A_119 : memref<128x32xf32, #tpu.memory_space<vmem>>) offsets(%dma_start3A_122 : memref<128xi32, #tpu.memory_space<vmem>>) semaphore(%arg11 : memref<!tpu.dma_semaphore, #tpu.memory_space<semaphore_mem>>)
      %dma_start3A_126 = arith.constant 11 : i32
      %dma_start3A_127 = arith.constant 128 : i32
      %dma_start3A_128 = arith.constant 0 : i32
      %dma_start3A_129 = tpu.memref_slice %arg8[%dma_start3A_127, %dma_start3A_128] : memref<640x32xf32, #tpu.memory_space<vmem>> -> memref<128x32xf32, #tpu.memory_space<vmem>>
      %dma_start3A_130 = arith.constant 0 : i32
      %dma_start3A_131 = tpu.memref_slice %arg5[%dma_start3A_126, %dma_start3A_130] : memref<50x128xi32, #tpu.memory_space<vmem>> -> memref<1x128xi32, #tpu.memory_space<vmem>>
      %dma_start3A_132 = tpu.memref_squeeze %dma_start3A_131 : memref<1x128xi32, #tpu.memory_space<vmem>> -> memref<128xi32, #tpu.memory_space<vmem>>
      %dma_start3A_133 = arith.constant 0 : i32
      %dma_start3A_134 = arith.constant 0 : i32
      %dma_start3A_135 = tpu.memref_slice %arg3[%dma_start3A_133, %dma_start3A_134] : memref<1000000x32xf32, #tpu.memory_space<hbm>> -> memref<1000000x32xf32, #tpu.memory_space<hbm>>
      tpu.enqueue_indirect_dma source(%dma_start3A_135 : memref<1000000x32xf32, #tpu.memory_space<hbm>>) target(%dma_start3A_129 : memref<128x32xf32, #tpu.memory_space<vmem>>) offsets(%dma_start3A_132 : memref<128xi32, #tpu.memory_space<vmem>>) semaphore(%arg11 : memref<!tpu.dma_semaphore, #tpu.memory_space<semaphore_mem>>)
      %dma_start3A_136 = arith.constant 12 : i32
      %dma_start3A_137 = arith.constant 256 : i32
      %dma_start3A_138 = arith.constant 0 : i32
      %dma_start3A_139 = tpu.memref_slice %arg8[%dma_start3A_137, %dma_start3A_138] : memref<640x32xf32, #tpu.memory_space<vmem>> -> memref<128x32xf32, #tpu.memory_space<vmem>>
      %dma_start3A_140 = arith.constant 0 : i32
      %dma_start3A_141 = tpu.memref_slice %arg5[%dma_start3A_136, %dma_start3A_140] : memref<50x128xi32, #tpu.memory_space<vmem>> -> memref<1x128xi32, #tpu.memory_space<vmem>>
      %dma_start3A_142 = tpu.memref_squeeze %dma_start3A_141 : memref<1x128xi32, #tpu.memory_space<vmem>> -> memref<128xi32, #tpu.memory_space<vmem>>
      %dma_start3A_143 = arith.constant 0 : i32
      %dma_start3A_144 = arith.constant 0 : i32
      %dma_start3A_145 = tpu.memref_slice %arg3[%dma_start3A_143, %dma_start3A_144] : memref<1000000x32xf32, #tpu.memory_space<hbm>> -> memref<1000000x32xf32, #tpu.memory_space<hbm>>
      tpu.enqueue_indirect_dma source(%dma_start3A_145 : memref<1000000x32xf32, #tpu.memory_space<hbm>>) target(%dma_start3A_139 : memref<128x32xf32, #tpu.memory_space<vmem>>) offsets(%dma_start3A_142 : memref<128xi32, #tpu.memory_space<vmem>>) semaphore(%arg11 : memref<!tpu.dma_semaphore, #tpu.memory_space<semaphore_mem>>)
      %dma_start3A_146 = arith.constant 13 : i32
      %dma_start3A_147 = arith.constant 384 : i32
      %dma_start3A_148 = arith.constant 0 : i32
      %dma_start3A_149 = tpu.memref_slice %arg8[%dma_start3A_147, %dma_start3A_148] : memref<640x32xf32, #tpu.memory_space<vmem>> -> memref<128x32xf32, #tpu.memory_space<vmem>>
      %dma_start3A_150 = arith.constant 0 : i32
      %dma_start3A_151 = tpu.memref_slice %arg5[%dma_start3A_146, %dma_start3A_150] : memref<50x128xi32, #tpu.memory_space<vmem>> -> memref<1x128xi32, #tpu.memory_space<vmem>>
      %dma_start3A_152 = tpu.memref_squeeze %dma_start3A_151 : memref<1x128xi32, #tpu.memory_space<vmem>> -> memref<128xi32, #tpu.memory_space<vmem>>
      %dma_start3A_153 = arith.constant 0 : i32
      %dma_start3A_154 = arith.constant 0 : i32
      %dma_start3A_155 = tpu.memref_slice %arg3[%dma_start3A_153, %dma_start3A_154] : memref<1000000x32xf32, #tpu.memory_space<hbm>> -> memref<1000000x32xf32, #tpu.memory_space<hbm>>
      tpu.enqueue_indirect_dma source(%dma_start3A_155 : memref<1000000x32xf32, #tpu.memory_space<hbm>>) target(%dma_start3A_149 : memref<128x32xf32, #tpu.memory_space<vmem>>) offsets(%dma_start3A_152 : memref<128xi32, #tpu.memory_space<vmem>>) semaphore(%arg11 : memref<!tpu.dma_semaphore, #tpu.memory_space<semaphore_mem>>)
      %dma_start3A_156 = arith.constant 14 : i32
      %dma_start3A_157 = arith.constant 512 : i32
      %dma_start3A_158 = arith.constant 0 : i32
      %dma_start3A_159 = tpu.memref_slice %arg8[%dma_start3A_157, %dma_start3A_158] : memref<640x32xf32, #tpu.memory_space<vmem>> -> memref<128x32xf32, #tpu.memory_space<vmem>>
      %dma_start3A_160 = arith.constant 0 : i32
      %dma_start3A_161 = tpu.memref_slice %arg5[%dma_start3A_156, %dma_start3A_160] : memref<50x128xi32, #tpu.memory_space<vmem>> -> memref<1x128xi32, #tpu.memory_space<vmem>>
      %dma_start3A_162 = tpu.memref_squeeze %dma_start3A_161 : memref<1x128xi32, #tpu.memory_space<vmem>> -> memref<128xi32, #tpu.memory_space<vmem>>
      %dma_start3A_163 = arith.constant 0 : i32
      %dma_start3A_164 = arith.constant 0 : i32
      %dma_start3A_165 = tpu.memref_slice %arg3[%dma_start3A_163, %dma_start3A_164] : memref<1000000x32xf32, #tpu.memory_space<hbm>> -> memref<1000000x32xf32, #tpu.memory_space<hbm>>
      tpu.enqueue_indirect_dma source(%dma_start3A_165 : memref<1000000x32xf32, #tpu.memory_space<hbm>>) target(%dma_start3A_159 : memref<128x32xf32, #tpu.memory_space<vmem>>) offsets(%dma_start3A_162 : memref<128xi32, #tpu.memory_space<vmem>>) semaphore(%arg11 : memref<!tpu.dma_semaphore, #tpu.memory_space<semaphore_mem>>)
      %mul3A_166 = arith.constant 128 : i32
      %mul3A_167 = arith.muli %add3A_9, %mul3A_166 : i32
      %dma_start3A_168 = arith.constant 0 : i32
      %dma_start3A_169 = arith.constant 0 : i32
      %dma_start3A_170 = tpu.memref_slice %arg6[%dma_start3A_168, %dma_start3A_169] : memref<640x32xf32, #tpu.memory_space<vmem>> -> memref<128x32xf32, #tpu.memory_space<vmem>>
      %dma_start3A_171 = arith.constant 0 : i32
      %dma_start3A_172 = tpu.memref_slice %arg4[%mul3A_167, %dma_start3A_171] : memref<16384x1600xf32, #tpu.memory_space<hbm>> -> memref<128x32xf32, #tpu.memory_space<hbm>>
      %dma_start3A_173 = arith.constant 0 : i32
      %dma_start3A_174 = tpu.memref_slice %arg4[%mul3A_167, %dma_start3A_173] : memref<16384x1600xf32, #tpu.memory_space<hbm>> -> memref<128x32xf32, #tpu.memory_space<hbm>>
      %dma_start3A_175 = arith.constant 0 : i32
      %dma_start3A_176 = arith.constant 0 : i32
      %dma_start3A_177 = tpu.memref_slice %arg6[%dma_start3A_175, %dma_start3A_176] : memref<640x32xf32, #tpu.memory_space<vmem>> -> memref<128x32xf32, #tpu.memory_space<vmem>>
      tpu.enqueue_dma source(%dma_start3A_177 : memref<128x32xf32, #tpu.memory_space<vmem>>) target(%dma_start3A_174 : memref<128x32xf32, #tpu.memory_space<hbm>>) target_semaphore(%arg12 : memref<!tpu.dma_semaphore, #tpu.memory_space<semaphore_mem>>)
      %mul3A_178 = arith.constant 128 : i32
      %mul3A_179 = arith.muli %add3A_9, %mul3A_178 : i32
      %dma_start3A_180 = arith.constant 128 : i32
      %dma_start3A_181 = arith.constant 0 : i32
      %dma_start3A_182 = tpu.memref_slice %arg6[%dma_start3A_180, %dma_start3A_181] : memref<640x32xf32, #tpu.memory_space<vmem>> -> memref<128x32xf32, #tpu.memory_space<vmem>>
      %dma_start3A_183 = arith.constant 32 : i32
      %dma_start3A_184 = tpu.memref_slice %arg4[%mul3A_179, %dma_start3A_183] : memref<16384x1600xf32, #tpu.memory_space<hbm>> -> memref<128x32xf32, #tpu.memory_space<hbm>>
      %dma_start3A_185 = arith.constant 32 : i32
      %dma_start3A_186 = tpu.memref_slice %arg4[%mul3A_179, %dma_start3A_185] : memref<16384x1600xf32, #tpu.memory_space<hbm>> -> memref<128x32xf32, #tpu.memory_space<hbm>>
      %dma_start3A_187 = arith.constant 128 : i32
      %dma_start3A_188 = arith.constant 0 : i32
      %dma_start3A_189 = tpu.memref_slice %arg6[%dma_start3A_187, %dma_start3A_188] : memref<640x32xf32, #tpu.memory_space<vmem>> -> memref<128x32xf32, #tpu.memory_space<vmem>>
      tpu.enqueue_dma source(%dma_start3A_189 : memref<128x32xf32, #tpu.memory_space<vmem>>) target(%dma_start3A_186 : memref<128x32xf32, #tpu.memory_space<hbm>>) target_semaphore(%arg12 : memref<!tpu.dma_semaphore, #tpu.memory_space<semaphore_mem>>)
      %mul3A_190 = arith.constant 128 : i32
      %mul3A_191 = arith.muli %add3A_9, %mul3A_190 : i32
      %dma_start3A_192 = arith.constant 256 : i32
      %dma_start3A_193 = arith.constant 0 : i32
      %dma_start3A_194 = tpu.memref_slice %arg6[%dma_start3A_192, %dma_start3A_193] : memref<640x32xf32, #tpu.memory_space<vmem>> -> memref<128x32xf32, #tpu.memory_space<vmem>>
      %dma_start3A_195 = arith.constant 64 : i32
      %dma_start3A_196 = tpu.memref_slice %arg4[%mul3A_191, %dma_start3A_195] : memref<16384x1600xf32, #tpu.memory_space<hbm>> -> memref<128x32xf32, #tpu.memory_space<hbm>>
      %dma_start3A_197 = arith.constant 64 : i32
      %dma_start3A_198 = tpu.memref_slice %arg4[%mul3A_191, %dma_start3A_197] : memref<16384x1600xf32, #tpu.memory_space<hbm>> -> memref<128x32xf32, #tpu.memory_space<hbm>>
      %dma_start3A_199 = arith.constant 256 : i32
      %dma_start3A_200 = arith.constant 0 : i32
      %dma_start3A_201 = tpu.memref_slice %arg6[%dma_start3A_199, %dma_start3A_200] : memref<640x32xf32, #tpu.memory_space<vmem>> -> memref<128x32xf32, #tpu.memory_space<vmem>>
      tpu.enqueue_dma source(%dma_start3A_201 : memref<128x32xf32, #tpu.memory_space<vmem>>) target(%dma_start3A_198 : memref<128x32xf32, #tpu.memory_space<hbm>>) target_semaphore(%arg12 : memref<!tpu.dma_semaphore, #tpu.memory_space<semaphore_mem>>)
      %mul3A_202 = arith.constant 128 : i32
      %mul3A_203 = arith.muli %add3A_9, %mul3A_202 : i32
      %dma_start3A_204 = arith.constant 384 : i32
      %dma_start3A_205 = arith.constant 0 : i32
      %dma_start3A_206 = tpu.memref_slice %arg6[%dma_start3A_204, %dma_start3A_205] : memref<640x32xf32, #tpu.memory_space<vmem>> -> memref<128x32xf32, #tpu.memory_space<vmem>>
      %dma_start3A_207 = arith.constant 96 : i32
      %dma_start3A_208 = tpu.memref_slice %arg4[%mul3A_203, %dma_start3A_207] : memref<16384x1600xf32, #tpu.memory_space<hbm>> -> memref<128x32xf32, #tpu.memory_space<hbm>>
      %dma_start3A_209 = arith.constant 96 : i32
      %dma_start3A_210 = tpu.memref_slice %arg4[%mul3A_203, %dma_start3A_209] : memref<16384x1600xf32, #tpu.memory_space<hbm>> -> memref<128x32xf32, #tpu.memory_space<hbm>>
      %dma_start3A_211 = arith.constant 384 : i32
      %dma_start3A_212 = arith.constant 0 : i32
      %dma_start3A_213 = tpu.memref_slice %arg6[%dma_start3A_211, %dma_start3A_212] : memref<640x32xf32, #tpu.memory_space<vmem>> -> memref<128x32xf32, #tpu.memory_space<vmem>>
      tpu.enqueue_dma source(%dma_start3A_213 : memref<128x32xf32, #tpu.memory_space<vmem>>) target(%dma_start3A_210 : memref<128x32xf32, #tpu.memory_space<hbm>>) target_semaphore(%arg12 : memref<!tpu.dma_semaphore, #tpu.memory_space<semaphore_mem>>)
      %mul3A_214 = arith.constant 128 : i32
      %mul3A_215 = arith.muli %add3A_9, %mul3A_214 : i32
      %dma_start3A_216 = arith.constant 512 : i32
      %dma_start3A_217 = arith.constant 0 : i32
      %dma_start3A_218 = tpu.memref_slice %arg6[%dma_start3A_216, %dma_start3A_217] : memref<640x32xf32, #tpu.memory_space<vmem>> -> memref<128x32xf32, #tpu.memory_space<vmem>>
      %dma_start3A_219 = arith.constant 128 : i32
      %dma_start3A_220 = tpu.memref_slice %arg4[%mul3A_215, %dma_start3A_219] : memref<16384x1600xf32, #tpu.memory_space<hbm>> -> memref<128x32xf32, #tpu.memory_space<hbm>>
      %dma_start3A_221 = arith.constant 128 : i32
      %dma_start3A_222 = tpu.memref_slice %arg4[%mul3A_215, %dma_start3A_221] : memref<16384x1600xf32, #tpu.memory_space<hbm>> -> memref<128x32xf32, #tpu.memory_space<hbm>>
      %dma_start3A_223 = arith.constant 512 : i32
      %dma_start3A_224 = arith.constant 0 : i32
      %dma_start3A_225 = tpu.memref_slice %arg6[%dma_start3A_223, %dma_start3A_224] : memref<640x32xf32, #tpu.memory_space<vmem>> -> memref<128x32xf32, #tpu.memory_space<vmem>>
      tpu.enqueue_dma source(%dma_start3A_225 : memref<128x32xf32, #tpu.memory_space<vmem>>) target(%dma_start3A_222 : memref<128x32xf32, #tpu.memory_space<hbm>>) target_semaphore(%arg12 : memref<!tpu.dma_semaphore, #tpu.memory_space<semaphore_mem>>)
      %dma_wait3A_226 = arith.constant 0 : i32
      %dma_wait3A_227 = arith.constant 0 : i32
      %dma_wait3A_228 = tpu.memref_slice %arg3[%dma_wait3A_226, %dma_wait3A_227] : memref<1000000x32xf32, #tpu.memory_space<hbm>> -> memref<640x32xf32, #tpu.memory_space<hbm>>
      %dma_wait3A_229 = arith.constant 0 : i32
      %dma_wait3A_230 = arith.constant 0 : i32
      %dma_wait3A_231 = tpu.memref_slice %arg3[%dma_wait3A_229, %dma_wait3A_230] : memref<1000000x32xf32, #tpu.memory_space<hbm>> -> memref<640x32xf32, #tpu.memory_space<hbm>>
      tpu.wait_dma2 semaphore(%arg10 : memref<!tpu.dma_semaphore, #tpu.memory_space<semaphore_mem>>) src(%dma_wait3A_231 : memref<640x32xf32, #tpu.memory_space<hbm>>) dst(%arg7 : memref<640x32xf32, #tpu.memory_space<vmem>>)
      %dma_wait3A_232 = arith.constant 0 : i32
      %dma_wait3A_233 = arith.constant 0 : i32
      %dma_wait3A_234 = tpu.memref_slice %arg4[%dma_wait3A_232, %dma_wait3A_233] : memref<16384x1600xf32, #tpu.memory_space<hbm>> -> memref<640x32xf32, #tpu.memory_space<hbm>>
      %dma_wait3A_235 = arith.constant 0 : i32
      %dma_wait3A_236 = arith.constant 0 : i32
      %dma_wait3A_237 = tpu.memref_slice %arg4[%dma_wait3A_235, %dma_wait3A_236] : memref<16384x1600xf32, #tpu.memory_space<hbm>> -> memref<640x32xf32, #tpu.memory_space<hbm>>
      tpu.wait_dma2 semaphore(%arg12 : memref<!tpu.dma_semaphore, #tpu.memory_space<semaphore_mem>>) src(%arg6 : memref<640x32xf32, #tpu.memory_space<vmem>>) dst(%dma_wait3A_237 : memref<640x32xf32, #tpu.memory_space<hbm>>)
      %dma_start3A_238 = arith.constant 15 : i32
      %dma_start3A_239 = arith.constant 0 : i32
      %dma_start3A_240 = arith.constant 0 : i32
      %dma_start3A_241 = tpu.memref_slice %arg6[%dma_start3A_239, %dma_start3A_240] : memref<640x32xf32, #tpu.memory_space<vmem>> -> memref<128x32xf32, #tpu.memory_space<vmem>>
      %dma_start3A_242 = arith.constant 0 : i32
      %dma_start3A_243 = tpu.memref_slice %arg5[%dma_start3A_238, %dma_start3A_242] : memref<50x128xi32, #tpu.memory_space<vmem>> -> memref<1x128xi32, #tpu.memory_space<vmem>>
      %dma_start3A_244 = tpu.memref_squeeze %dma_start3A_243 : memref<1x128xi32, #tpu.memory_space<vmem>> -> memref<128xi32, #tpu.memory_space<vmem>>
      %dma_start3A_245 = arith.constant 0 : i32
      %dma_start3A_246 = arith.constant 0 : i32
      %dma_start3A_247 = tpu.memref_slice %arg3[%dma_start3A_245, %dma_start3A_246] : memref<1000000x32xf32, #tpu.memory_space<hbm>> -> memref<1000000x32xf32, #tpu.memory_space<hbm>>
      tpu.enqueue_indirect_dma source(%dma_start3A_247 : memref<1000000x32xf32, #tpu.memory_space<hbm>>) target(%dma_start3A_241 : memref<128x32xf32, #tpu.memory_space<vmem>>) offsets(%dma_start3A_244 : memref<128xi32, #tpu.memory_space<vmem>>) semaphore(%arg9 : memref<!tpu.dma_semaphore, #tpu.memory_space<semaphore_mem>>)
      %dma_start3A_248 = arith.constant 16 : i32
      %dma_start3A_249 = arith.constant 128 : i32
      %dma_start3A_250 = arith.constant 0 : i32
      %dma_start3A_251 = tpu.memref_slice %arg6[%dma_start3A_249, %dma_start3A_250] : memref<640x32xf32, #tpu.memory_space<vmem>> -> memref<128x32xf32, #tpu.memory_space<vmem>>
      %dma_start3A_252 = arith.constant 0 : i32
      %dma_start3A_253 = tpu.memref_slice %arg5[%dma_start3A_248, %dma_start3A_252] : memref<50x128xi32, #tpu.memory_space<vmem>> -> memref<1x128xi32, #tpu.memory_space<vmem>>
      %dma_start3A_254 = tpu.memref_squeeze %dma_start3A_253 : memref<1x128xi32, #tpu.memory_space<vmem>> -> memref<128xi32, #tpu.memory_space<vmem>>
      %dma_start3A_255 = arith.constant 0 : i32
      %dma_start3A_256 = arith.constant 0 : i32
      %dma_start3A_257 = tpu.memref_slice %arg3[%dma_start3A_255, %dma_start3A_256] : memref<1000000x32xf32, #tpu.memory_space<hbm>> -> memref<1000000x32xf32, #tpu.memory_space<hbm>>
      tpu.enqueue_indirect_dma source(%dma_start3A_257 : memref<1000000x32xf32, #tpu.memory_space<hbm>>) target(%dma_start3A_251 : memref<128x32xf32, #tpu.memory_space<vmem>>) offsets(%dma_start3A_254 : memref<128xi32, #tpu.memory_space<vmem>>) semaphore(%arg9 : memref<!tpu.dma_semaphore, #tpu.memory_space<semaphore_mem>>)
      %dma_start3A_258 = arith.constant 17 : i32
      %dma_start3A_259 = arith.constant 256 : i32
      %dma_start3A_260 = arith.constant 0 : i32
      %dma_start3A_261 = tpu.memref_slice %arg6[%dma_start3A_259, %dma_start3A_260] : memref<640x32xf32, #tpu.memory_space<vmem>> -> memref<128x32xf32, #tpu.memory_space<vmem>>
      %dma_start3A_262 = arith.constant 0 : i32
      %dma_start3A_263 = tpu.memref_slice %arg5[%dma_start3A_258, %dma_start3A_262] : memref<50x128xi32, #tpu.memory_space<vmem>> -> memref<1x128xi32, #tpu.memory_space<vmem>>
      %dma_start3A_264 = tpu.memref_squeeze %dma_start3A_263 : memref<1x128xi32, #tpu.memory_space<vmem>> -> memref<128xi32, #tpu.memory_space<vmem>>
      %dma_start3A_265 = arith.constant 0 : i32
      %dma_start3A_266 = arith.constant 0 : i32
      %dma_start3A_267 = tpu.memref_slice %arg3[%dma_start3A_265, %dma_start3A_266] : memref<1000000x32xf32, #tpu.memory_space<hbm>> -> memref<1000000x32xf32, #tpu.memory_space<hbm>>
      tpu.enqueue_indirect_dma source(%dma_start3A_267 : memref<1000000x32xf32, #tpu.memory_space<hbm>>) target(%dma_start3A_261 : memref<128x32xf32, #tpu.memory_space<vmem>>) offsets(%dma_start3A_264 : memref<128xi32, #tpu.memory_space<vmem>>) semaphore(%arg9 : memref<!tpu.dma_semaphore, #tpu.memory_space<semaphore_mem>>)
      %dma_start3A_268 = arith.constant 18 : i32
      %dma_start3A_269 = arith.constant 384 : i32
      %dma_start3A_270 = arith.constant 0 : i32
      %dma_start3A_271 = tpu.memref_slice %arg6[%dma_start3A_269, %dma_start3A_270] : memref<640x32xf32, #tpu.memory_space<vmem>> -> memref<128x32xf32, #tpu.memory_space<vmem>>
      %dma_start3A_272 = arith.constant 0 : i32
      %dma_start3A_273 = tpu.memref_slice %arg5[%dma_start3A_268, %dma_start3A_272] : memref<50x128xi32, #tpu.memory_space<vmem>> -> memref<1x128xi32, #tpu.memory_space<vmem>>
      %dma_start3A_274 = tpu.memref_squeeze %dma_start3A_273 : memref<1x128xi32, #tpu.memory_space<vmem>> -> memref<128xi32, #tpu.memory_space<vmem>>
      %dma_start3A_275 = arith.constant 0 : i32
      %dma_start3A_276 = arith.constant 0 : i32
      %dma_start3A_277 = tpu.memref_slice %arg3[%dma_start3A_275, %dma_start3A_276] : memref<1000000x32xf32, #tpu.memory_space<hbm>> -> memref<1000000x32xf32, #tpu.memory_space<hbm>>
      tpu.enqueue_indirect_dma source(%dma_start3A_277 : memref<1000000x32xf32, #tpu.memory_space<hbm>>) target(%dma_start3A_271 : memref<128x32xf32, #tpu.memory_space<vmem>>) offsets(%dma_start3A_274 : memref<128xi32, #tpu.memory_space<vmem>>) semaphore(%arg9 : memref<!tpu.dma_semaphore, #tpu.memory_space<semaphore_mem>>)
      %dma_start3A_278 = arith.constant 19 : i32
      %dma_start3A_279 = arith.constant 512 : i32
      %dma_start3A_280 = arith.constant 0 : i32
      %dma_start3A_281 = tpu.memref_slice %arg6[%dma_start3A_279, %dma_start3A_280] : memref<640x32xf32, #tpu.memory_space<vmem>> -> memref<128x32xf32, #tpu.memory_space<vmem>>
      %dma_start3A_282 = arith.constant 0 : i32
      %dma_start3A_283 = tpu.memref_slice %arg5[%dma_start3A_278, %dma_start3A_282] : memref<50x128xi32, #tpu.memory_space<vmem>> -> memref<1x128xi32, #tpu.memory_space<vmem>>
      %dma_start3A_284 = tpu.memref_squeeze %dma_start3A_283 : memref<1x128xi32, #tpu.memory_space<vmem>> -> memref<128xi32, #tpu.memory_space<vmem>>
      %dma_start3A_285 = arith.constant 0 : i32
      %dma_start3A_286 = arith.constant 0 : i32
      %dma_start3A_287 = tpu.memref_slice %arg3[%dma_start3A_285, %dma_start3A_286] : memref<1000000x32xf32, #tpu.memory_space<hbm>> -> memref<1000000x32xf32, #tpu.memory_space<hbm>>
      tpu.enqueue_indirect_dma source(%dma_start3A_287 : memref<1000000x32xf32, #tpu.memory_space<hbm>>) target(%dma_start3A_281 : memref<128x32xf32, #tpu.memory_space<vmem>>) offsets(%dma_start3A_284 : memref<128xi32, #tpu.memory_space<vmem>>) semaphore(%arg9 : memref<!tpu.dma_semaphore, #tpu.memory_space<semaphore_mem>>)
      %mul3A_288 = arith.constant 128 : i32
      %mul3A_289 = arith.muli %add3A_9, %mul3A_288 : i32
      %dma_start3A_290 = arith.constant 0 : i32
      %dma_start3A_291 = arith.constant 0 : i32
      %dma_start3A_292 = tpu.memref_slice %arg7[%dma_start3A_290, %dma_start3A_291] : memref<640x32xf32, #tpu.memory_space<vmem>> -> memref<128x32xf32, #tpu.memory_space<vmem>>
      %dma_start3A_293 = arith.constant 160 : i32
      %dma_start3A_294 = tpu.memref_slice %arg4[%mul3A_289, %dma_start3A_293] : memref<16384x1600xf32, #tpu.memory_space<hbm>> -> memref<128x32xf32, #tpu.memory_space<hbm>>
      %dma_start3A_295 = arith.constant 160 : i32
      %dma_start3A_296 = tpu.memref_slice %arg4[%mul3A_289, %dma_start3A_295] : memref<16384x1600xf32, #tpu.memory_space<hbm>> -> memref<128x32xf32, #tpu.memory_space<hbm>>
      %dma_start3A_297 = arith.constant 0 : i32
      %dma_start3A_298 = arith.constant 0 : i32
      %dma_start3A_299 = tpu.memref_slice %arg7[%dma_start3A_297, %dma_start3A_298] : memref<640x32xf32, #tpu.memory_space<vmem>> -> memref<128x32xf32, #tpu.memory_space<vmem>>
      tpu.enqueue_dma source(%dma_start3A_299 : memref<128x32xf32, #tpu.memory_space<vmem>>) target(%dma_start3A_296 : memref<128x32xf32, #tpu.memory_space<hbm>>) target_semaphore(%arg13 : memref<!tpu.dma_semaphore, #tpu.memory_space<semaphore_mem>>)
      %mul3A_300 = arith.constant 128 : i32
      %mul3A_301 = arith.muli %add3A_9, %mul3A_300 : i32
      %dma_start3A_302 = arith.constant 128 : i32
      %dma_start3A_303 = arith.constant 0 : i32
      %dma_start3A_304 = tpu.memref_slice %arg7[%dma_start3A_302, %dma_start3A_303] : memref<640x32xf32, #tpu.memory_space<vmem>> -> memref<128x32xf32, #tpu.memory_space<vmem>>
      %dma_start3A_305 = arith.constant 192 : i32
      %dma_start3A_306 = tpu.memref_slice %arg4[%mul3A_301, %dma_start3A_305] : memref<16384x1600xf32, #tpu.memory_space<hbm>> -> memref<128x32xf32, #tpu.memory_space<hbm>>
      %dma_start3A_307 = arith.constant 192 : i32
      %dma_start3A_308 = tpu.memref_slice %arg4[%mul3A_301, %dma_start3A_307] : memref<16384x1600xf32, #tpu.memory_space<hbm>> -> memref<128x32xf32, #tpu.memory_space<hbm>>
      %dma_start3A_309 = arith.constant 128 : i32
      %dma_start3A_310 = arith.constant 0 : i32
      %dma_start3A_311 = tpu.memref_slice %arg7[%dma_start3A_309, %dma_start3A_310] : memref<640x32xf32, #tpu.memory_space<vmem>> -> memref<128x32xf32, #tpu.memory_space<vmem>>
      tpu.enqueue_dma source(%dma_start3A_311 : memref<128x32xf32, #tpu.memory_space<vmem>>) target(%dma_start3A_308 : memref<128x32xf32, #tpu.memory_space<hbm>>) target_semaphore(%arg13 : memref<!tpu.dma_semaphore, #tpu.memory_space<semaphore_mem>>)
      %mul3A_312 = arith.constant 128 : i32
      %mul3A_313 = arith.muli %add3A_9, %mul3A_312 : i32
      %dma_start3A_314 = arith.constant 256 : i32
      %dma_start3A_315 = arith.constant 0 : i32
      %dma_start3A_316 = tpu.memref_slice %arg7[%dma_start3A_314, %dma_start3A_315] : memref<640x32xf32, #tpu.memory_space<vmem>> -> memref<128x32xf32, #tpu.memory_space<vmem>>
      %dma_start3A_317 = arith.constant 224 : i32
      %dma_start3A_318 = tpu.memref_slice %arg4[%mul3A_313, %dma_start3A_317] : memref<16384x1600xf32, #tpu.memory_space<hbm>> -> memref<128x32xf32, #tpu.memory_space<hbm>>
      %dma_start3A_319 = arith.constant 224 : i32
      %dma_start3A_320 = tpu.memref_slice %arg4[%mul3A_313, %dma_start3A_319] : memref<16384x1600xf32, #tpu.memory_space<hbm>> -> memref<128x32xf32, #tpu.memory_space<hbm>>
      %dma_start3A_321 = arith.constant 256 : i32
      %dma_start3A_322 = arith.constant 0 : i32
      %dma_start3A_323 = tpu.memref_slice %arg7[%dma_start3A_321, %dma_start3A_322] : memref<640x32xf32, #tpu.memory_space<vmem>> -> memref<128x32xf32, #tpu.memory_space<vmem>>
      tpu.enqueue_dma source(%dma_start3A_323 : memref<128x32xf32, #tpu.memory_space<vmem>>) target(%dma_start3A_320 : memref<128x32xf32, #tpu.memory_space<hbm>>) target_semaphore(%arg13 : memref<!tpu.dma_semaphore, #tpu.memory_space<semaphore_mem>>)
      %mul3A_324 = arith.constant 128 : i32
      %mul3A_325 = arith.muli %add3A_9, %mul3A_324 : i32
      %dma_start3A_326 = arith.constant 384 : i32
      %dma_start3A_327 = arith.constant 0 : i32
      %dma_start3A_328 = tpu.memref_slice %arg7[%dma_start3A_326, %dma_start3A_327] : memref<640x32xf32, #tpu.memory_space<vmem>> -> memref<128x32xf32, #tpu.memory_space<vmem>>
      %dma_start3A_329 = arith.constant 256 : i32
      %dma_start3A_330 = tpu.memref_slice %arg4[%mul3A_325, %dma_start3A_329] : memref<16384x1600xf32, #tpu.memory_space<hbm>> -> memref<128x32xf32, #tpu.memory_space<hbm>>
      %dma_start3A_331 = arith.constant 256 : i32
      %dma_start3A_332 = tpu.memref_slice %arg4[%mul3A_325, %dma_start3A_331] : memref<16384x1600xf32, #tpu.memory_space<hbm>> -> memref<128x32xf32, #tpu.memory_space<hbm>>
      %dma_start3A_333 = arith.constant 384 : i32
      %dma_start3A_334 = arith.constant 0 : i32
      %dma_start3A_335 = tpu.memref_slice %arg7[%dma_start3A_333, %dma_start3A_334] : memref<640x32xf32, #tpu.memory_space<vmem>> -> memref<128x32xf32, #tpu.memory_space<vmem>>
      tpu.enqueue_dma source(%dma_start3A_335 : memref<128x32xf32, #tpu.memory_space<vmem>>) target(%dma_start3A_332 : memref<128x32xf32, #tpu.memory_space<hbm>>) target_semaphore(%arg13 : memref<!tpu.dma_semaphore, #tpu.memory_space<semaphore_mem>>)
      %mul3A_336 = arith.constant 128 : i32
      %mul3A_337 = arith.muli %add3A_9, %mul3A_336 : i32
      %dma_start3A_338 = arith.constant 512 : i32
      %dma_start3A_339 = arith.constant 0 : i32
      %dma_start3A_340 = tpu.memref_slice %arg7[%dma_start3A_338, %dma_start3A_339] : memref<640x32xf32, #tpu.memory_space<vmem>> -> memref<128x32xf32, #tpu.memory_space<vmem>>
      %dma_start3A_341 = arith.constant 288 : i32
      %dma_start3A_342 = tpu.memref_slice %arg4[%mul3A_337, %dma_start3A_341] : memref<16384x1600xf32, #tpu.memory_space<hbm>> -> memref<128x32xf32, #tpu.memory_space<hbm>>
      %dma_start3A_343 = arith.constant 288 : i32
      %dma_start3A_344 = tpu.memref_slice %arg4[%mul3A_337, %dma_start3A_343] : memref<16384x1600xf32, #tpu.memory_space<hbm>> -> memref<128x32xf32, #tpu.memory_space<hbm>>
      %dma_start3A_345 = arith.constant 512 : i32
      %dma_start3A_346 = arith.constant 0 : i32
      %dma_start3A_347 = tpu.memref_slice %arg7[%dma_start3A_345, %dma_start3A_346] : memref<640x32xf32, #tpu.memory_space<vmem>> -> memref<128x32xf32, #tpu.memory_space<vmem>>
      tpu.enqueue_dma source(%dma_start3A_347 : memref<128x32xf32, #tpu.memory_space<vmem>>) target(%dma_start3A_344 : memref<128x32xf32, #tpu.memory_space<hbm>>) target_semaphore(%arg13 : memref<!tpu.dma_semaphore, #tpu.memory_space<semaphore_mem>>)
      %dma_wait3A_348 = arith.constant 0 : i32
      %dma_wait3A_349 = arith.constant 0 : i32
      %dma_wait3A_350 = tpu.memref_slice %arg3[%dma_wait3A_348, %dma_wait3A_349] : memref<1000000x32xf32, #tpu.memory_space<hbm>> -> memref<640x32xf32, #tpu.memory_space<hbm>>
      %dma_wait3A_351 = arith.constant 0 : i32
      %dma_wait3A_352 = arith.constant 0 : i32
      %dma_wait3A_353 = tpu.memref_slice %arg3[%dma_wait3A_351, %dma_wait3A_352] : memref<1000000x32xf32, #tpu.memory_space<hbm>> -> memref<640x32xf32, #tpu.memory_space<hbm>>
      tpu.wait_dma2 semaphore(%arg11 : memref<!tpu.dma_semaphore, #tpu.memory_space<semaphore_mem>>) src(%dma_wait3A_353 : memref<640x32xf32, #tpu.memory_space<hbm>>) dst(%arg8 : memref<640x32xf32, #tpu.memory_space<vmem>>)
      %dma_wait3A_354 = arith.constant 0 : i32
      %dma_wait3A_355 = arith.constant 0 : i32
      %dma_wait3A_356 = tpu.memref_slice %arg4[%dma_wait3A_354, %dma_wait3A_355] : memref<16384x1600xf32, #tpu.memory_space<hbm>> -> memref<640x32xf32, #tpu.memory_space<hbm>>
      %dma_wait3A_357 = arith.constant 0 : i32
      %dma_wait3A_358 = arith.constant 0 : i32
      %dma_wait3A_359 = tpu.memref_slice %arg4[%dma_wait3A_357, %dma_wait3A_358] : memref<16384x1600xf32, #tpu.memory_space<hbm>> -> memref<640x32xf32, #tpu.memory_space<hbm>>
      tpu.wait_dma2 semaphore(%arg13 : memref<!tpu.dma_semaphore, #tpu.memory_space<semaphore_mem>>) src(%arg7 : memref<640x32xf32, #tpu.memory_space<vmem>>) dst(%dma_wait3A_359 : memref<640x32xf32, #tpu.memory_space<hbm>>)
      %dma_start3A_360 = arith.constant 20 : i32
      %dma_start3A_361 = arith.constant 0 : i32
      %dma_start3A_362 = arith.constant 0 : i32
      %dma_start3A_363 = tpu.memref_slice %arg7[%dma_start3A_361, %dma_start3A_362] : memref<640x32xf32, #tpu.memory_space<vmem>> -> memref<128x32xf32, #tpu.memory_space<vmem>>
      %dma_start3A_364 = arith.constant 0 : i32
      %dma_start3A_365 = tpu.memref_slice %arg5[%dma_start3A_360, %dma_start3A_364] : memref<50x128xi32, #tpu.memory_space<vmem>> -> memref<1x128xi32, #tpu.memory_space<vmem>>
      %dma_start3A_366 = tpu.memref_squeeze %dma_start3A_365 : memref<1x128xi32, #tpu.memory_space<vmem>> -> memref<128xi32, #tpu.memory_space<vmem>>
      %dma_start3A_367 = arith.constant 0 : i32
      %dma_start3A_368 = arith.constant 0 : i32
      %dma_start3A_369 = tpu.memref_slice %arg3[%dma_start3A_367, %dma_start3A_368] : memref<1000000x32xf32, #tpu.memory_space<hbm>> -> memref<1000000x32xf32, #tpu.memory_space<hbm>>
      tpu.enqueue_indirect_dma source(%dma_start3A_369 : memref<1000000x32xf32, #tpu.memory_space<hbm>>) target(%dma_start3A_363 : memref<128x32xf32, #tpu.memory_space<vmem>>) offsets(%dma_start3A_366 : memref<128xi32, #tpu.memory_space<vmem>>) semaphore(%arg10 : memref<!tpu.dma_semaphore, #tpu.memory_space<semaphore_mem>>)
      %dma_start3A_370 = arith.constant 21 : i32
      %dma_start3A_371 = arith.constant 128 : i32
      %dma_start3A_372 = arith.constant 0 : i32
      %dma_start3A_373 = tpu.memref_slice %arg7[%dma_start3A_371, %dma_start3A_372] : memref<640x32xf32, #tpu.memory_space<vmem>> -> memref<128x32xf32, #tpu.memory_space<vmem>>
      %dma_start3A_374 = arith.constant 0 : i32
      %dma_start3A_375 = tpu.memref_slice %arg5[%dma_start3A_370, %dma_start3A_374] : memref<50x128xi32, #tpu.memory_space<vmem>> -> memref<1x128xi32, #tpu.memory_space<vmem>>
      %dma_start3A_376 = tpu.memref_squeeze %dma_start3A_375 : memref<1x128xi32, #tpu.memory_space<vmem>> -> memref<128xi32, #tpu.memory_space<vmem>>
      %dma_start3A_377 = arith.constant 0 : i32
      %dma_start3A_378 = arith.constant 0 : i32
      %dma_start3A_379 = tpu.memref_slice %arg3[%dma_start3A_377, %dma_start3A_378] : memref<1000000x32xf32, #tpu.memory_space<hbm>> -> memref<1000000x32xf32, #tpu.memory_space<hbm>>
      tpu.enqueue_indirect_dma source(%dma_start3A_379 : memref<1000000x32xf32, #tpu.memory_space<hbm>>) target(%dma_start3A_373 : memref<128x32xf32, #tpu.memory_space<vmem>>) offsets(%dma_start3A_376 : memref<128xi32, #tpu.memory_space<vmem>>) semaphore(%arg10 : memref<!tpu.dma_semaphore, #tpu.memory_space<semaphore_mem>>)
      %dma_start3A_380 = arith.constant 22 : i32
      %dma_start3A_381 = arith.constant 256 : i32
      %dma_start3A_382 = arith.constant 0 : i32
      %dma_start3A_383 = tpu.memref_slice %arg7[%dma_start3A_381, %dma_start3A_382] : memref<640x32xf32, #tpu.memory_space<vmem>> -> memref<128x32xf32, #tpu.memory_space<vmem>>
      %dma_start3A_384 = arith.constant 0 : i32
      %dma_start3A_385 = tpu.memref_slice %arg5[%dma_start3A_380, %dma_start3A_384] : memref<50x128xi32, #tpu.memory_space<vmem>> -> memref<1x128xi32, #tpu.memory_space<vmem>>
      %dma_start3A_386 = tpu.memref_squeeze %dma_start3A_385 : memref<1x128xi32, #tpu.memory_space<vmem>> -> memref<128xi32, #tpu.memory_space<vmem>>
      %dma_start3A_387 = arith.constant 0 : i32
      %dma_start3A_388 = arith.constant 0 : i32
      %dma_start3A_389 = tpu.memref_slice %arg3[%dma_start3A_387, %dma_start3A_388] : memref<1000000x32xf32, #tpu.memory_space<hbm>> -> memref<1000000x32xf32, #tpu.memory_space<hbm>>
      tpu.enqueue_indirect_dma source(%dma_start3A_389 : memref<1000000x32xf32, #tpu.memory_space<hbm>>) target(%dma_start3A_383 : memref<128x32xf32, #tpu.memory_space<vmem>>) offsets(%dma_start3A_386 : memref<128xi32, #tpu.memory_space<vmem>>) semaphore(%arg10 : memref<!tpu.dma_semaphore, #tpu.memory_space<semaphore_mem>>)
      %dma_start3A_390 = arith.constant 23 : i32
      %dma_start3A_391 = arith.constant 384 : i32
      %dma_start3A_392 = arith.constant 0 : i32
      %dma_start3A_393 = tpu.memref_slice %arg7[%dma_start3A_391, %dma_start3A_392] : memref<640x32xf32, #tpu.memory_space<vmem>> -> memref<128x32xf32, #tpu.memory_space<vmem>>
      %dma_start3A_394 = arith.constant 0 : i32
      %dma_start3A_395 = tpu.memref_slice %arg5[%dma_start3A_390, %dma_start3A_394] : memref<50x128xi32, #tpu.memory_space<vmem>> -> memref<1x128xi32, #tpu.memory_space<vmem>>
      %dma_start3A_396 = tpu.memref_squeeze %dma_start3A_395 : memref<1x128xi32, #tpu.memory_space<vmem>> -> memref<128xi32, #tpu.memory_space<vmem>>
      %dma_start3A_397 = arith.constant 0 : i32
      %dma_start3A_398 = arith.constant 0 : i32
      %dma_start3A_399 = tpu.memref_slice %arg3[%dma_start3A_397, %dma_start3A_398] : memref<1000000x32xf32, #tpu.memory_space<hbm>> -> memref<1000000x32xf32, #tpu.memory_space<hbm>>
      tpu.enqueue_indirect_dma source(%dma_start3A_399 : memref<1000000x32xf32, #tpu.memory_space<hbm>>) target(%dma_start3A_393 : memref<128x32xf32, #tpu.memory_space<vmem>>) offsets(%dma_start3A_396 : memref<128xi32, #tpu.memory_space<vmem>>) semaphore(%arg10 : memref<!tpu.dma_semaphore, #tpu.memory_space<semaphore_mem>>)
      %dma_start3A_400 = arith.constant 24 : i32
      %dma_start3A_401 = arith.constant 512 : i32
      %dma_start3A_402 = arith.constant 0 : i32
      %dma_start3A_403 = tpu.memref_slice %arg7[%dma_start3A_401, %dma_start3A_402] : memref<640x32xf32, #tpu.memory_space<vmem>> -> memref<128x32xf32, #tpu.memory_space<vmem>>
      %dma_start3A_404 = arith.constant 0 : i32
      %dma_start3A_405 = tpu.memref_slice %arg5[%dma_start3A_400, %dma_start3A_404] : memref<50x128xi32, #tpu.memory_space<vmem>> -> memref<1x128xi32, #tpu.memory_space<vmem>>
      %dma_start3A_406 = tpu.memref_squeeze %dma_start3A_405 : memref<1x128xi32, #tpu.memory_space<vmem>> -> memref<128xi32, #tpu.memory_space<vmem>>
      %dma_start3A_407 = arith.constant 0 : i32
      %dma_start3A_408 = arith.constant 0 : i32
      %dma_start3A_409 = tpu.memref_slice %arg3[%dma_start3A_407, %dma_start3A_408] : memref<1000000x32xf32, #tpu.memory_space<hbm>> -> memref<1000000x32xf32, #tpu.memory_space<hbm>>
      tpu.enqueue_indirect_dma source(%dma_start3A_409 : memref<1000000x32xf32, #tpu.memory_space<hbm>>) target(%dma_start3A_403 : memref<128x32xf32, #tpu.memory_space<vmem>>) offsets(%dma_start3A_406 : memref<128xi32, #tpu.memory_space<vmem>>) semaphore(%arg10 : memref<!tpu.dma_semaphore, #tpu.memory_space<semaphore_mem>>)
      %mul3A_410 = arith.constant 128 : i32
      %mul3A_411 = arith.muli %add3A_9, %mul3A_410 : i32
      %dma_start3A_412 = arith.constant 0 : i32
      %dma_start3A_413 = arith.constant 0 : i32
      %dma_start3A_414 = tpu.memref_slice %arg8[%dma_start3A_412, %dma_start3A_413] : memref<640x32xf32, #tpu.memory_space<vmem>> -> memref<128x32xf32, #tpu.memory_space<vmem>>
      %dma_start3A_415 = arith.constant 320 : i32
      %dma_start3A_416 = tpu.memref_slice %arg4[%mul3A_411, %dma_start3A_415] : memref<16384x1600xf32, #tpu.memory_space<hbm>> -> memref<128x32xf32, #tpu.memory_space<hbm>>
      %dma_start3A_417 = arith.constant 320 : i32
      %dma_start3A_418 = tpu.memref_slice %arg4[%mul3A_411, %dma_start3A_417] : memref<16384x1600xf32, #tpu.memory_space<hbm>> -> memref<128x32xf32, #tpu.memory_space<hbm>>
      %dma_start3A_419 = arith.constant 0 : i32
      %dma_start3A_420 = arith.constant 0 : i32
      %dma_start3A_421 = tpu.memref_slice %arg8[%dma_start3A_419, %dma_start3A_420] : memref<640x32xf32, #tpu.memory_space<vmem>> -> memref<128x32xf32, #tpu.memory_space<vmem>>
      tpu.enqueue_dma source(%dma_start3A_421 : memref<128x32xf32, #tpu.memory_space<vmem>>) target(%dma_start3A_418 : memref<128x32xf32, #tpu.memory_space<hbm>>) target_semaphore(%arg14 : memref<!tpu.dma_semaphore, #tpu.memory_space<semaphore_mem>>)
      %mul3A_422 = arith.constant 128 : i32
      %mul3A_423 = arith.muli %add3A_9, %mul3A_422 : i32
      %dma_start3A_424 = arith.constant 128 : i32
      %dma_start3A_425 = arith.constant 0 : i32
      %dma_start3A_426 = tpu.memref_slice %arg8[%dma_start3A_424, %dma_start3A_425] : memref<640x32xf32, #tpu.memory_space<vmem>> -> memref<128x32xf32, #tpu.memory_space<vmem>>
      %dma_start3A_427 = arith.constant 352 : i32
      %dma_start3A_428 = tpu.memref_slice %arg4[%mul3A_423, %dma_start3A_427] : memref<16384x1600xf32, #tpu.memory_space<hbm>> -> memref<128x32xf32, #tpu.memory_space<hbm>>
      %dma_start3A_429 = arith.constant 352 : i32
      %dma_start3A_430 = tpu.memref_slice %arg4[%mul3A_423, %dma_start3A_429] : memref<16384x1600xf32, #tpu.memory_space<hbm>> -> memref<128x32xf32, #tpu.memory_space<hbm>>
      %dma_start3A_431 = arith.constant 128 : i32
      %dma_start3A_432 = arith.constant 0 : i32
      %dma_start3A_433 = tpu.memref_slice %arg8[%dma_start3A_431, %dma_start3A_432] : memref<640x32xf32, #tpu.memory_space<vmem>> -> memref<128x32xf32, #tpu.memory_space<vmem>>
      tpu.enqueue_dma source(%dma_start3A_433 : memref<128x32xf32, #tpu.memory_space<vmem>>) target(%dma_start3A_430 : memref<128x32xf32, #tpu.memory_space<hbm>>) target_semaphore(%arg14 : memref<!tpu.dma_semaphore, #tpu.memory_space<semaphore_mem>>)
      %mul3A_434 = arith.constant 128 : i32
      %mul3A_435 = arith.muli %add3A_9, %mul3A_434 : i32
      %dma_start3A_436 = arith.constant 256 : i32
      %dma_start3A_437 = arith.constant 0 : i32
      %dma_start3A_438 = tpu.memref_slice %arg8[%dma_start3A_436, %dma_start3A_437] : memref<640x32xf32, #tpu.memory_space<vmem>> -> memref<128x32xf32, #tpu.memory_space<vmem>>
      %dma_start3A_439 = arith.constant 384 : i32
      %dma_start3A_440 = tpu.memref_slice %arg4[%mul3A_435, %dma_start3A_439] : memref<16384x1600xf32, #tpu.memory_space<hbm>> -> memref<128x32xf32, #tpu.memory_space<hbm>>
      %dma_start3A_441 = arith.constant 384 : i32
      %dma_start3A_442 = tpu.memref_slice %arg4[%mul3A_435, %dma_start3A_441] : memref<16384x1600xf32, #tpu.memory_space<hbm>> -> memref<128x32xf32, #tpu.memory_space<hbm>>
      %dma_start3A_443 = arith.constant 256 : i32
      %dma_start3A_444 = arith.constant 0 : i32
      %dma_start3A_445 = tpu.memref_slice %arg8[%dma_start3A_443, %dma_start3A_444] : memref<640x32xf32, #tpu.memory_space<vmem>> -> memref<128x32xf32, #tpu.memory_space<vmem>>
      tpu.enqueue_dma source(%dma_start3A_445 : memref<128x32xf32, #tpu.memory_space<vmem>>) target(%dma_start3A_442 : memref<128x32xf32, #tpu.memory_space<hbm>>) target_semaphore(%arg14 : memref<!tpu.dma_semaphore, #tpu.memory_space<semaphore_mem>>)
      %mul3A_446 = arith.constant 128 : i32
      %mul3A_447 = arith.muli %add3A_9, %mul3A_446 : i32
      %dma_start3A_448 = arith.constant 384 : i32
      %dma_start3A_449 = arith.constant 0 : i32
      %dma_start3A_450 = tpu.memref_slice %arg8[%dma_start3A_448, %dma_start3A_449] : memref<640x32xf32, #tpu.memory_space<vmem>> -> memref<128x32xf32, #tpu.memory_space<vmem>>
      %dma_start3A_451 = arith.constant 416 : i32
      %dma_start3A_452 = tpu.memref_slice %arg4[%mul3A_447, %dma_start3A_451] : memref<16384x1600xf32, #tpu.memory_space<hbm>> -> memref<128x32xf32, #tpu.memory_space<hbm>>
      %dma_start3A_453 = arith.constant 416 : i32
      %dma_start3A_454 = tpu.memref_slice %arg4[%mul3A_447, %dma_start3A_453] : memref<16384x1600xf32, #tpu.memory_space<hbm>> -> memref<128x32xf32, #tpu.memory_space<hbm>>
      %dma_start3A_455 = arith.constant 384 : i32
      %dma_start3A_456 = arith.constant 0 : i32
      %dma_start3A_457 = tpu.memref_slice %arg8[%dma_start3A_455, %dma_start3A_456] : memref<640x32xf32, #tpu.memory_space<vmem>> -> memref<128x32xf32, #tpu.memory_space<vmem>>
      tpu.enqueue_dma source(%dma_start3A_457 : memref<128x32xf32, #tpu.memory_space<vmem>>) target(%dma_start3A_454 : memref<128x32xf32, #tpu.memory_space<hbm>>) target_semaphore(%arg14 : memref<!tpu.dma_semaphore, #tpu.memory_space<semaphore_mem>>)
      %mul3A_458 = arith.constant 128 : i32
      %mul3A_459 = arith.muli %add3A_9, %mul3A_458 : i32
      %dma_start3A_460 = arith.constant 512 : i32
      %dma_start3A_461 = arith.constant 0 : i32
      %dma_start3A_462 = tpu.memref_slice %arg8[%dma_start3A_460, %dma_start3A_461] : memref<640x32xf32, #tpu.memory_space<vmem>> -> memref<128x32xf32, #tpu.memory_space<vmem>>
      %dma_start3A_463 = arith.constant 448 : i32
      %dma_start3A_464 = tpu.memref_slice %arg4[%mul3A_459, %dma_start3A_463] : memref<16384x1600xf32, #tpu.memory_space<hbm>> -> memref<128x32xf32, #tpu.memory_space<hbm>>
      %dma_start3A_465 = arith.constant 448 : i32
      %dma_start3A_466 = tpu.memref_slice %arg4[%mul3A_459, %dma_start3A_465] : memref<16384x1600xf32, #tpu.memory_space<hbm>> -> memref<128x32xf32, #tpu.memory_space<hbm>>
      %dma_start3A_467 = arith.constant 512 : i32
      %dma_start3A_468 = arith.constant 0 : i32
      %dma_start3A_469 = tpu.memref_slice %arg8[%dma_start3A_467, %dma_start3A_468] : memref<640x32xf32, #tpu.memory_space<vmem>> -> memref<128x32xf32, #tpu.memory_space<vmem>>
      tpu.enqueue_dma source(%dma_start3A_469 : memref<128x32xf32, #tpu.memory_space<vmem>>) target(%dma_start3A_466 : memref<128x32xf32, #tpu.memory_space<hbm>>) target_semaphore(%arg14 : memref<!tpu.dma_semaphore, #tpu.memory_space<semaphore_mem>>)
      %dma_wait3A_470 = arith.constant 0 : i32
      %dma_wait3A_471 = arith.constant 0 : i32
      %dma_wait3A_472 = tpu.memref_slice %arg3[%dma_wait3A_470, %dma_wait3A_471] : memref<1000000x32xf32, #tpu.memory_space<hbm>> -> memref<640x32xf32, #tpu.memory_space<hbm>>
      %dma_wait3A_473 = arith.constant 0 : i32
      %dma_wait3A_474 = arith.constant 0 : i32
      %dma_wait3A_475 = tpu.memref_slice %arg3[%dma_wait3A_473, %dma_wait3A_474] : memref<1000000x32xf32, #tpu.memory_space<hbm>> -> memref<640x32xf32, #tpu.memory_space<hbm>>
      tpu.wait_dma2 semaphore(%arg9 : memref<!tpu.dma_semaphore, #tpu.memory_space<semaphore_mem>>) src(%dma_wait3A_475 : memref<640x32xf32, #tpu.memory_space<hbm>>) dst(%arg6 : memref<640x32xf32, #tpu.memory_space<vmem>>)
      %dma_wait3A_476 = arith.constant 0 : i32
      %dma_wait3A_477 = arith.constant 0 : i32
      %dma_wait3A_478 = tpu.memref_slice %arg4[%dma_wait3A_476, %dma_wait3A_477] : memref<16384x1600xf32, #tpu.memory_space<hbm>> -> memref<640x32xf32, #tpu.memory_space<hbm>>
      %dma_wait3A_479 = arith.constant 0 : i32
      %dma_wait3A_480 = arith.constant 0 : i32
      %dma_wait3A_481 = tpu.memref_slice %arg4[%dma_wait3A_479, %dma_wait3A_480] : memref<16384x1600xf32, #tpu.memory_space<hbm>> -> memref<640x32xf32, #tpu.memory_space<hbm>>
      tpu.wait_dma2 semaphore(%arg14 : memref<!tpu.dma_semaphore, #tpu.memory_space<semaphore_mem>>) src(%arg8 : memref<640x32xf32, #tpu.memory_space<vmem>>) dst(%dma_wait3A_481 : memref<640x32xf32, #tpu.memory_space<hbm>>)
      %dma_start3A_482 = arith.constant 25 : i32
      %dma_start3A_483 = arith.constant 0 : i32
      %dma_start3A_484 = arith.constant 0 : i32
      %dma_start3A_485 = tpu.memref_slice %arg8[%dma_start3A_483, %dma_start3A_484] : memref<640x32xf32, #tpu.memory_space<vmem>> -> memref<128x32xf32, #tpu.memory_space<vmem>>
      %dma_start3A_486 = arith.constant 0 : i32
      %dma_start3A_487 = tpu.memref_slice %arg5[%dma_start3A_482, %dma_start3A_486] : memref<50x128xi32, #tpu.memory_space<vmem>> -> memref<1x128xi32, #tpu.memory_space<vmem>>
      %dma_start3A_488 = tpu.memref_squeeze %dma_start3A_487 : memref<1x128xi32, #tpu.memory_space<vmem>> -> memref<128xi32, #tpu.memory_space<vmem>>
      %dma_start3A_489 = arith.constant 0 : i32
      %dma_start3A_490 = arith.constant 0 : i32
      %dma_start3A_491 = tpu.memref_slice %arg3[%dma_start3A_489, %dma_start3A_490] : memref<1000000x32xf32, #tpu.memory_space<hbm>> -> memref<1000000x32xf32, #tpu.memory_space<hbm>>
      tpu.enqueue_indirect_dma source(%dma_start3A_491 : memref<1000000x32xf32, #tpu.memory_space<hbm>>) target(%dma_start3A_485 : memref<128x32xf32, #tpu.memory_space<vmem>>) offsets(%dma_start3A_488 : memref<128xi32, #tpu.memory_space<vmem>>) semaphore(%arg11 : memref<!tpu.dma_semaphore, #tpu.memory_space<semaphore_mem>>)
      %dma_start3A_492 = arith.constant 26 : i32
      %dma_start3A_493 = arith.constant 128 : i32
      %dma_start3A_494 = arith.constant 0 : i32
      %dma_start3A_495 = tpu.memref_slice %arg8[%dma_start3A_493, %dma_start3A_494] : memref<640x32xf32, #tpu.memory_space<vmem>> -> memref<128x32xf32, #tpu.memory_space<vmem>>
      %dma_start3A_496 = arith.constant 0 : i32
      %dma_start3A_497 = tpu.memref_slice %arg5[%dma_start3A_492, %dma_start3A_496] : memref<50x128xi32, #tpu.memory_space<vmem>> -> memref<1x128xi32, #tpu.memory_space<vmem>>
      %dma_start3A_498 = tpu.memref_squeeze %dma_start3A_497 : memref<1x128xi32, #tpu.memory_space<vmem>> -> memref<128xi32, #tpu.memory_space<vmem>>
      %dma_start3A_499 = arith.constant 0 : i32
      %dma_start3A_500 = arith.constant 0 : i32
      %dma_start3A_501 = tpu.memref_slice %arg3[%dma_start3A_499, %dma_start3A_500] : memref<1000000x32xf32, #tpu.memory_space<hbm>> -> memref<1000000x32xf32, #tpu.memory_space<hbm>>
      tpu.enqueue_indirect_dma source(%dma_start3A_501 : memref<1000000x32xf32, #tpu.memory_space<hbm>>) target(%dma_start3A_495 : memref<128x32xf32, #tpu.memory_space<vmem>>) offsets(%dma_start3A_498 : memref<128xi32, #tpu.memory_space<vmem>>) semaphore(%arg11 : memref<!tpu.dma_semaphore, #tpu.memory_space<semaphore_mem>>)
      %dma_start3A_502 = arith.constant 27 : i32
      %dma_start3A_503 = arith.constant 256 : i32
      %dma_start3A_504 = arith.constant 0 : i32
      %dma_start3A_505 = tpu.memref_slice %arg8[%dma_start3A_503, %dma_start3A_504] : memref<640x32xf32, #tpu.memory_space<vmem>> -> memref<128x32xf32, #tpu.memory_space<vmem>>
      %dma_start3A_506 = arith.constant 0 : i32
      %dma_start3A_507 = tpu.memref_slice %arg5[%dma_start3A_502, %dma_start3A_506] : memref<50x128xi32, #tpu.memory_space<vmem>> -> memref<1x128xi32, #tpu.memory_space<vmem>>
      %dma_start3A_508 = tpu.memref_squeeze %dma_start3A_507 : memref<1x128xi32, #tpu.memory_space<vmem>> -> memref<128xi32, #tpu.memory_space<vmem>>
      %dma_start3A_509 = arith.constant 0 : i32
      %dma_start3A_510 = arith.constant 0 : i32
      %dma_start3A_511 = tpu.memref_slice %arg3[%dma_start3A_509, %dma_start3A_510] : memref<1000000x32xf32, #tpu.memory_space<hbm>> -> memref<1000000x32xf32, #tpu.memory_space<hbm>>
      tpu.enqueue_indirect_dma source(%dma_start3A_511 : memref<1000000x32xf32, #tpu.memory_space<hbm>>) target(%dma_start3A_505 : memref<128x32xf32, #tpu.memory_space<vmem>>) offsets(%dma_start3A_508 : memref<128xi32, #tpu.memory_space<vmem>>) semaphore(%arg11 : memref<!tpu.dma_semaphore, #tpu.memory_space<semaphore_mem>>)
      %dma_start3A_512 = arith.constant 28 : i32
      %dma_start3A_513 = arith.constant 384 : i32
      %dma_start3A_514 = arith.constant 0 : i32
      %dma_start3A_515 = tpu.memref_slice %arg8[%dma_start3A_513, %dma_start3A_514] : memref<640x32xf32, #tpu.memory_space<vmem>> -> memref<128x32xf32, #tpu.memory_space<vmem>>
      %dma_start3A_516 = arith.constant 0 : i32
      %dma_start3A_517 = tpu.memref_slice %arg5[%dma_start3A_512, %dma_start3A_516] : memref<50x128xi32, #tpu.memory_space<vmem>> -> memref<1x128xi32, #tpu.memory_space<vmem>>
      %dma_start3A_518 = tpu.memref_squeeze %dma_start3A_517 : memref<1x128xi32, #tpu.memory_space<vmem>> -> memref<128xi32, #tpu.memory_space<vmem>>
      %dma_start3A_519 = arith.constant 0 : i32
      %dma_start3A_520 = arith.constant 0 : i32
      %dma_start3A_521 = tpu.memref_slice %arg3[%dma_start3A_519, %dma_start3A_520] : memref<1000000x32xf32, #tpu.memory_space<hbm>> -> memref<1000000x32xf32, #tpu.memory_space<hbm>>
      tpu.enqueue_indirect_dma source(%dma_start3A_521 : memref<1000000x32xf32, #tpu.memory_space<hbm>>) target(%dma_start3A_515 : memref<128x32xf32, #tpu.memory_space<vmem>>) offsets(%dma_start3A_518 : memref<128xi32, #tpu.memory_space<vmem>>) semaphore(%arg11 : memref<!tpu.dma_semaphore, #tpu.memory_space<semaphore_mem>>)
      %dma_start3A_522 = arith.constant 29 : i32
      %dma_start3A_523 = arith.constant 512 : i32
      %dma_start3A_524 = arith.constant 0 : i32
      %dma_start3A_525 = tpu.memref_slice %arg8[%dma_start3A_523, %dma_start3A_524] : memref<640x32xf32, #tpu.memory_space<vmem>> -> memref<128x32xf32, #tpu.memory_space<vmem>>
      %dma_start3A_526 = arith.constant 0 : i32
      %dma_start3A_527 = tpu.memref_slice %arg5[%dma_start3A_522, %dma_start3A_526] : memref<50x128xi32, #tpu.memory_space<vmem>> -> memref<1x128xi32, #tpu.memory_space<vmem>>
      %dma_start3A_528 = tpu.memref_squeeze %dma_start3A_527 : memref<1x128xi32, #tpu.memory_space<vmem>> -> memref<128xi32, #tpu.memory_space<vmem>>
      %dma_start3A_529 = arith.constant 0 : i32
      %dma_start3A_530 = arith.constant 0 : i32
      %dma_start3A_531 = tpu.memref_slice %arg3[%dma_start3A_529, %dma_start3A_530] : memref<1000000x32xf32, #tpu.memory_space<hbm>> -> memref<1000000x32xf32, #tpu.memory_space<hbm>>
      tpu.enqueue_indirect_dma source(%dma_start3A_531 : memref<1000000x32xf32, #tpu.memory_space<hbm>>) target(%dma_start3A_525 : memref<128x32xf32, #tpu.memory_space<vmem>>) offsets(%dma_start3A_528 : memref<128xi32, #tpu.memory_space<vmem>>) semaphore(%arg11 : memref<!tpu.dma_semaphore, #tpu.memory_space<semaphore_mem>>)
      %mul3A_532 = arith.constant 128 : i32
      %mul3A_533 = arith.muli %add3A_9, %mul3A_532 : i32
      %dma_start3A_534 = arith.constant 0 : i32
      %dma_start3A_535 = arith.constant 0 : i32
      %dma_start3A_536 = tpu.memref_slice %arg6[%dma_start3A_534, %dma_start3A_535] : memref<640x32xf32, #tpu.memory_space<vmem>> -> memref<128x32xf32, #tpu.memory_space<vmem>>
      %dma_start3A_537 = arith.constant 480 : i32
      %dma_start3A_538 = tpu.memref_slice %arg4[%mul3A_533, %dma_start3A_537] : memref<16384x1600xf32, #tpu.memory_space<hbm>> -> memref<128x32xf32, #tpu.memory_space<hbm>>
      %dma_start3A_539 = arith.constant 480 : i32
      %dma_start3A_540 = tpu.memref_slice %arg4[%mul3A_533, %dma_start3A_539] : memref<16384x1600xf32, #tpu.memory_space<hbm>> -> memref<128x32xf32, #tpu.memory_space<hbm>>
      %dma_start3A_541 = arith.constant 0 : i32
      %dma_start3A_542 = arith.constant 0 : i32
      %dma_start3A_543 = tpu.memref_slice %arg6[%dma_start3A_541, %dma_start3A_542] : memref<640x32xf32, #tpu.memory_space<vmem>> -> memref<128x32xf32, #tpu.memory_space<vmem>>
      tpu.enqueue_dma source(%dma_start3A_543 : memref<128x32xf32, #tpu.memory_space<vmem>>) target(%dma_start3A_540 : memref<128x32xf32, #tpu.memory_space<hbm>>) target_semaphore(%arg12 : memref<!tpu.dma_semaphore, #tpu.memory_space<semaphore_mem>>)
      %mul3A_544 = arith.constant 128 : i32
      %mul3A_545 = arith.muli %add3A_9, %mul3A_544 : i32
      %dma_start3A_546 = arith.constant 128 : i32
      %dma_start3A_547 = arith.constant 0 : i32
      %dma_start3A_548 = tpu.memref_slice %arg6[%dma_start3A_546, %dma_start3A_547] : memref<640x32xf32, #tpu.memory_space<vmem>> -> memref<128x32xf32, #tpu.memory_space<vmem>>
      %dma_start3A_549 = arith.constant 512 : i32
      %dma_start3A_550 = tpu.memref_slice %arg4[%mul3A_545, %dma_start3A_549] : memref<16384x1600xf32, #tpu.memory_space<hbm>> -> memref<128x32xf32, #tpu.memory_space<hbm>>
      %dma_start3A_551 = arith.constant 512 : i32
      %dma_start3A_552 = tpu.memref_slice %arg4[%mul3A_545, %dma_start3A_551] : memref<16384x1600xf32, #tpu.memory_space<hbm>> -> memref<128x32xf32, #tpu.memory_space<hbm>>
      %dma_start3A_553 = arith.constant 128 : i32
      %dma_start3A_554 = arith.constant 0 : i32
      %dma_start3A_555 = tpu.memref_slice %arg6[%dma_start3A_553, %dma_start3A_554] : memref<640x32xf32, #tpu.memory_space<vmem>> -> memref<128x32xf32, #tpu.memory_space<vmem>>
      tpu.enqueue_dma source(%dma_start3A_555 : memref<128x32xf32, #tpu.memory_space<vmem>>) target(%dma_start3A_552 : memref<128x32xf32, #tpu.memory_space<hbm>>) target_semaphore(%arg12 : memref<!tpu.dma_semaphore, #tpu.memory_space<semaphore_mem>>)
      %mul3A_556 = arith.constant 128 : i32
      %mul3A_557 = arith.muli %add3A_9, %mul3A_556 : i32
      %dma_start3A_558 = arith.constant 256 : i32
      %dma_start3A_559 = arith.constant 0 : i32
      %dma_start3A_560 = tpu.memref_slice %arg6[%dma_start3A_558, %dma_start3A_559] : memref<640x32xf32, #tpu.memory_space<vmem>> -> memref<128x32xf32, #tpu.memory_space<vmem>>
      %dma_start3A_561 = arith.constant 544 : i32
      %dma_start3A_562 = tpu.memref_slice %arg4[%mul3A_557, %dma_start3A_561] : memref<16384x1600xf32, #tpu.memory_space<hbm>> -> memref<128x32xf32, #tpu.memory_space<hbm>>
      %dma_start3A_563 = arith.constant 544 : i32
      %dma_start3A_564 = tpu.memref_slice %arg4[%mul3A_557, %dma_start3A_563] : memref<16384x1600xf32, #tpu.memory_space<hbm>> -> memref<128x32xf32, #tpu.memory_space<hbm>>
      %dma_start3A_565 = arith.constant 256 : i32
      %dma_start3A_566 = arith.constant 0 : i32
      %dma_start3A_567 = tpu.memref_slice %arg6[%dma_start3A_565, %dma_start3A_566] : memref<640x32xf32, #tpu.memory_space<vmem>> -> memref<128x32xf32, #tpu.memory_space<vmem>>
      tpu.enqueue_dma source(%dma_start3A_567 : memref<128x32xf32, #tpu.memory_space<vmem>>) target(%dma_start3A_564 : memref<128x32xf32, #tpu.memory_space<hbm>>) target_semaphore(%arg12 : memref<!tpu.dma_semaphore, #tpu.memory_space<semaphore_mem>>)
      %mul3A_568 = arith.constant 128 : i32
      %mul3A_569 = arith.muli %add3A_9, %mul3A_568 : i32
      %dma_start3A_570 = arith.constant 384 : i32
      %dma_start3A_571 = arith.constant 0 : i32
      %dma_start3A_572 = tpu.memref_slice %arg6[%dma_start3A_570, %dma_start3A_571] : memref<640x32xf32, #tpu.memory_space<vmem>> -> memref<128x32xf32, #tpu.memory_space<vmem>>
      %dma_start3A_573 = arith.constant 576 : i32
      %dma_start3A_574 = tpu.memref_slice %arg4[%mul3A_569, %dma_start3A_573] : memref<16384x1600xf32, #tpu.memory_space<hbm>> -> memref<128x32xf32, #tpu.memory_space<hbm>>
      %dma_start3A_575 = arith.constant 576 : i32
      %dma_start3A_576 = tpu.memref_slice %arg4[%mul3A_569, %dma_start3A_575] : memref<16384x1600xf32, #tpu.memory_space<hbm>> -> memref<128x32xf32, #tpu.memory_space<hbm>>
      %dma_start3A_577 = arith.constant 384 : i32
      %dma_start3A_578 = arith.constant 0 : i32
      %dma_start3A_579 = tpu.memref_slice %arg6[%dma_start3A_577, %dma_start3A_578] : memref<640x32xf32, #tpu.memory_space<vmem>> -> memref<128x32xf32, #tpu.memory_space<vmem>>
      tpu.enqueue_dma source(%dma_start3A_579 : memref<128x32xf32, #tpu.memory_space<vmem>>) target(%dma_start3A_576 : memref<128x32xf32, #tpu.memory_space<hbm>>) target_semaphore(%arg12 : memref<!tpu.dma_semaphore, #tpu.memory_space<semaphore_mem>>)
      %mul3A_580 = arith.constant 128 : i32
      %mul3A_581 = arith.muli %add3A_9, %mul3A_580 : i32
      %dma_start3A_582 = arith.constant 512 : i32
      %dma_start3A_583 = arith.constant 0 : i32
      %dma_start3A_584 = tpu.memref_slice %arg6[%dma_start3A_582, %dma_start3A_583] : memref<640x32xf32, #tpu.memory_space<vmem>> -> memref<128x32xf32, #tpu.memory_space<vmem>>
      %dma_start3A_585 = arith.constant 608 : i32
      %dma_start3A_586 = tpu.memref_slice %arg4[%mul3A_581, %dma_start3A_585] : memref<16384x1600xf32, #tpu.memory_space<hbm>> -> memref<128x32xf32, #tpu.memory_space<hbm>>
      %dma_start3A_587 = arith.constant 608 : i32
      %dma_start3A_588 = tpu.memref_slice %arg4[%mul3A_581, %dma_start3A_587] : memref<16384x1600xf32, #tpu.memory_space<hbm>> -> memref<128x32xf32, #tpu.memory_space<hbm>>
      %dma_start3A_589 = arith.constant 512 : i32
      %dma_start3A_590 = arith.constant 0 : i32
      %dma_start3A_591 = tpu.memref_slice %arg6[%dma_start3A_589, %dma_start3A_590] : memref<640x32xf32, #tpu.memory_space<vmem>> -> memref<128x32xf32, #tpu.memory_space<vmem>>
      tpu.enqueue_dma source(%dma_start3A_591 : memref<128x32xf32, #tpu.memory_space<vmem>>) target(%dma_start3A_588 : memref<128x32xf32, #tpu.memory_space<hbm>>) target_semaphore(%arg12 : memref<!tpu.dma_semaphore, #tpu.memory_space<semaphore_mem>>)
      %dma_wait3A_592 = arith.constant 0 : i32
      %dma_wait3A_593 = arith.constant 0 : i32
      %dma_wait3A_594 = tpu.memref_slice %arg3[%dma_wait3A_592, %dma_wait3A_593] : memref<1000000x32xf32, #tpu.memory_space<hbm>> -> memref<640x32xf32, #tpu.memory_space<hbm>>
      %dma_wait3A_595 = arith.constant 0 : i32
      %dma_wait3A_596 = arith.constant 0 : i32
      %dma_wait3A_597 = tpu.memref_slice %arg3[%dma_wait3A_595, %dma_wait3A_596] : memref<1000000x32xf32, #tpu.memory_space<hbm>> -> memref<640x32xf32, #tpu.memory_space<hbm>>
      tpu.wait_dma2 semaphore(%arg10 : memref<!tpu.dma_semaphore, #tpu.memory_space<semaphore_mem>>) src(%dma_wait3A_597 : memref<640x32xf32, #tpu.memory_space<hbm>>) dst(%arg7 : memref<640x32xf32, #tpu.memory_space<vmem>>)
      %dma_wait3A_598 = arith.constant 0 : i32
      %dma_wait3A_599 = arith.constant 0 : i32
      %dma_wait3A_600 = tpu.memref_slice %arg4[%dma_wait3A_598, %dma_wait3A_599] : memref<16384x1600xf32, #tpu.memory_space<hbm>> -> memref<640x32xf32, #tpu.memory_space<hbm>>
      %dma_wait3A_601 = arith.constant 0 : i32
      %dma_wait3A_602 = arith.constant 0 : i32
      %dma_wait3A_603 = tpu.memref_slice %arg4[%dma_wait3A_601, %dma_wait3A_602] : memref<16384x1600xf32, #tpu.memory_space<hbm>> -> memref<640x32xf32, #tpu.memory_space<hbm>>
      tpu.wait_dma2 semaphore(%arg12 : memref<!tpu.dma_semaphore, #tpu.memory_space<semaphore_mem>>) src(%arg6 : memref<640x32xf32, #tpu.memory_space<vmem>>) dst(%dma_wait3A_603 : memref<640x32xf32, #tpu.memory_space<hbm>>)
      %dma_start3A_604 = arith.constant 30 : i32
      %dma_start3A_605 = arith.constant 0 : i32
      %dma_start3A_606 = arith.constant 0 : i32
      %dma_start3A_607 = tpu.memref_slice %arg6[%dma_start3A_605, %dma_start3A_606] : memref<640x32xf32, #tpu.memory_space<vmem>> -> memref<128x32xf32, #tpu.memory_space<vmem>>
      %dma_start3A_608 = arith.constant 0 : i32
      %dma_start3A_609 = tpu.memref_slice %arg5[%dma_start3A_604, %dma_start3A_608] : memref<50x128xi32, #tpu.memory_space<vmem>> -> memref<1x128xi32, #tpu.memory_space<vmem>>
      %dma_start3A_610 = tpu.memref_squeeze %dma_start3A_609 : memref<1x128xi32, #tpu.memory_space<vmem>> -> memref<128xi32, #tpu.memory_space<vmem>>
      %dma_start3A_611 = arith.constant 0 : i32
      %dma_start3A_612 = arith.constant 0 : i32
      %dma_start3A_613 = tpu.memref_slice %arg3[%dma_start3A_611, %dma_start3A_612] : memref<1000000x32xf32, #tpu.memory_space<hbm>> -> memref<1000000x32xf32, #tpu.memory_space<hbm>>
      tpu.enqueue_indirect_dma source(%dma_start3A_613 : memref<1000000x32xf32, #tpu.memory_space<hbm>>) target(%dma_start3A_607 : memref<128x32xf32, #tpu.memory_space<vmem>>) offsets(%dma_start3A_610 : memref<128xi32, #tpu.memory_space<vmem>>) semaphore(%arg9 : memref<!tpu.dma_semaphore, #tpu.memory_space<semaphore_mem>>)
      %dma_start3A_614 = arith.constant 31 : i32
      %dma_start3A_615 = arith.constant 128 : i32
      %dma_start3A_616 = arith.constant 0 : i32
      %dma_start3A_617 = tpu.memref_slice %arg6[%dma_start3A_615, %dma_start3A_616] : memref<640x32xf32, #tpu.memory_space<vmem>> -> memref<128x32xf32, #tpu.memory_space<vmem>>
      %dma_start3A_618 = arith.constant 0 : i32
      %dma_start3A_619 = tpu.memref_slice %arg5[%dma_start3A_614, %dma_start3A_618] : memref<50x128xi32, #tpu.memory_space<vmem>> -> memref<1x128xi32, #tpu.memory_space<vmem>>
      %dma_start3A_620 = tpu.memref_squeeze %dma_start3A_619 : memref<1x128xi32, #tpu.memory_space<vmem>> -> memref<128xi32, #tpu.memory_space<vmem>>
      %dma_start3A_621 = arith.constant 0 : i32
      %dma_start3A_622 = arith.constant 0 : i32
      %dma_start3A_623 = tpu.memref_slice %arg3[%dma_start3A_621, %dma_start3A_622] : memref<1000000x32xf32, #tpu.memory_space<hbm>> -> memref<1000000x32xf32, #tpu.memory_space<hbm>>
      tpu.enqueue_indirect_dma source(%dma_start3A_623 : memref<1000000x32xf32, #tpu.memory_space<hbm>>) target(%dma_start3A_617 : memref<128x32xf32, #tpu.memory_space<vmem>>) offsets(%dma_start3A_620 : memref<128xi32, #tpu.memory_space<vmem>>) semaphore(%arg9 : memref<!tpu.dma_semaphore, #tpu.memory_space<semaphore_mem>>)
      %dma_start3A_624 = arith.constant 32 : i32
      %dma_start3A_625 = arith.constant 256 : i32
      %dma_start3A_626 = arith.constant 0 : i32
      %dma_start3A_627 = tpu.memref_slice %arg6[%dma_start3A_625, %dma_start3A_626] : memref<640x32xf32, #tpu.memory_space<vmem>> -> memref<128x32xf32, #tpu.memory_space<vmem>>
      %dma_start3A_628 = arith.constant 0 : i32
      %dma_start3A_629 = tpu.memref_slice %arg5[%dma_start3A_624, %dma_start3A_628] : memref<50x128xi32, #tpu.memory_space<vmem>> -> memref<1x128xi32, #tpu.memory_space<vmem>>
      %dma_start3A_630 = tpu.memref_squeeze %dma_start3A_629 : memref<1x128xi32, #tpu.memory_space<vmem>> -> memref<128xi32, #tpu.memory_space<vmem>>
      %dma_start3A_631 = arith.constant 0 : i32
      %dma_start3A_632 = arith.constant 0 : i32
      %dma_start3A_633 = tpu.memref_slice %arg3[%dma_start3A_631, %dma_start3A_632] : memref<1000000x32xf32, #tpu.memory_space<hbm>> -> memref<1000000x32xf32, #tpu.memory_space<hbm>>
      tpu.enqueue_indirect_dma source(%dma_start3A_633 : memref<1000000x32xf32, #tpu.memory_space<hbm>>) target(%dma_start3A_627 : memref<128x32xf32, #tpu.memory_space<vmem>>) offsets(%dma_start3A_630 : memref<128xi32, #tpu.memory_space<vmem>>) semaphore(%arg9 : memref<!tpu.dma_semaphore, #tpu.memory_space<semaphore_mem>>)
      %dma_start3A_634 = arith.constant 33 : i32
      %dma_start3A_635 = arith.constant 384 : i32
      %dma_start3A_636 = arith.constant 0 : i32
      %dma_start3A_637 = tpu.memref_slice %arg6[%dma_start3A_635, %dma_start3A_636] : memref<640x32xf32, #tpu.memory_space<vmem>> -> memref<128x32xf32, #tpu.memory_space<vmem>>
      %dma_start3A_638 = arith.constant 0 : i32
      %dma_start3A_639 = tpu.memref_slice %arg5[%dma_start3A_634, %dma_start3A_638] : memref<50x128xi32, #tpu.memory_space<vmem>> -> memref<1x128xi32, #tpu.memory_space<vmem>>
      %dma_start3A_640 = tpu.memref_squeeze %dma_start3A_639 : memref<1x128xi32, #tpu.memory_space<vmem>> -> memref<128xi32, #tpu.memory_space<vmem>>
      %dma_start3A_641 = arith.constant 0 : i32
      %dma_start3A_642 = arith.constant 0 : i32
      %dma_start3A_643 = tpu.memref_slice %arg3[%dma_start3A_641, %dma_start3A_642] : memref<1000000x32xf32, #tpu.memory_space<hbm>> -> memref<1000000x32xf32, #tpu.memory_space<hbm>>
      tpu.enqueue_indirect_dma source(%dma_start3A_643 : memref<1000000x32xf32, #tpu.memory_space<hbm>>) target(%dma_start3A_637 : memref<128x32xf32, #tpu.memory_space<vmem>>) offsets(%dma_start3A_640 : memref<128xi32, #tpu.memory_space<vmem>>) semaphore(%arg9 : memref<!tpu.dma_semaphore, #tpu.memory_space<semaphore_mem>>)
      %dma_start3A_644 = arith.constant 34 : i32
      %dma_start3A_645 = arith.constant 512 : i32
      %dma_start3A_646 = arith.constant 0 : i32
      %dma_start3A_647 = tpu.memref_slice %arg6[%dma_start3A_645, %dma_start3A_646] : memref<640x32xf32, #tpu.memory_space<vmem>> -> memref<128x32xf32, #tpu.memory_space<vmem>>
      %dma_start3A_648 = arith.constant 0 : i32
      %dma_start3A_649 = tpu.memref_slice %arg5[%dma_start3A_644, %dma_start3A_648] : memref<50x128xi32, #tpu.memory_space<vmem>> -> memref<1x128xi32, #tpu.memory_space<vmem>>
      %dma_start3A_650 = tpu.memref_squeeze %dma_start3A_649 : memref<1x128xi32, #tpu.memory_space<vmem>> -> memref<128xi32, #tpu.memory_space<vmem>>
      %dma_start3A_651 = arith.constant 0 : i32
      %dma_start3A_652 = arith.constant 0 : i32
      %dma_start3A_653 = tpu.memref_slice %arg3[%dma_start3A_651, %dma_start3A_652] : memref<1000000x32xf32, #tpu.memory_space<hbm>> -> memref<1000000x32xf32, #tpu.memory_space<hbm>>
      tpu.enqueue_indirect_dma source(%dma_start3A_653 : memref<1000000x32xf32, #tpu.memory_space<hbm>>) target(%dma_start3A_647 : memref<128x32xf32, #tpu.memory_space<vmem>>) offsets(%dma_start3A_650 : memref<128xi32, #tpu.memory_space<vmem>>) semaphore(%arg9 : memref<!tpu.dma_semaphore, #tpu.memory_space<semaphore_mem>>)
      %mul3A_654 = arith.constant 128 : i32
      %mul3A_655 = arith.muli %add3A_9, %mul3A_654 : i32
      %dma_start3A_656 = arith.constant 0 : i32
      %dma_start3A_657 = arith.constant 0 : i32
      %dma_start3A_658 = tpu.memref_slice %arg7[%dma_start3A_656, %dma_start3A_657] : memref<640x32xf32, #tpu.memory_space<vmem>> -> memref<128x32xf32, #tpu.memory_space<vmem>>
      %dma_start3A_659 = arith.constant 640 : i32
      %dma_start3A_660 = tpu.memref_slice %arg4[%mul3A_655, %dma_start3A_659] : memref<16384x1600xf32, #tpu.memory_space<hbm>> -> memref<128x32xf32, #tpu.memory_space<hbm>>
      %dma_start3A_661 = arith.constant 640 : i32
      %dma_start3A_662 = tpu.memref_slice %arg4[%mul3A_655, %dma_start3A_661] : memref<16384x1600xf32, #tpu.memory_space<hbm>> -> memref<128x32xf32, #tpu.memory_space<hbm>>
      %dma_start3A_663 = arith.constant 0 : i32
      %dma_start3A_664 = arith.constant 0 : i32
      %dma_start3A_665 = tpu.memref_slice %arg7[%dma_start3A_663, %dma_start3A_664] : memref<640x32xf32, #tpu.memory_space<vmem>> -> memref<128x32xf32, #tpu.memory_space<vmem>>
      tpu.enqueue_dma source(%dma_start3A_665 : memref<128x32xf32, #tpu.memory_space<vmem>>) target(%dma_start3A_662 : memref<128x32xf32, #tpu.memory_space<hbm>>) target_semaphore(%arg13 : memref<!tpu.dma_semaphore, #tpu.memory_space<semaphore_mem>>)
      %mul3A_666 = arith.constant 128 : i32
      %mul3A_667 = arith.muli %add3A_9, %mul3A_666 : i32
      %dma_start3A_668 = arith.constant 128 : i32
      %dma_start3A_669 = arith.constant 0 : i32
      %dma_start3A_670 = tpu.memref_slice %arg7[%dma_start3A_668, %dma_start3A_669] : memref<640x32xf32, #tpu.memory_space<vmem>> -> memref<128x32xf32, #tpu.memory_space<vmem>>
      %dma_start3A_671 = arith.constant 672 : i32
      %dma_start3A_672 = tpu.memref_slice %arg4[%mul3A_667, %dma_start3A_671] : memref<16384x1600xf32, #tpu.memory_space<hbm>> -> memref<128x32xf32, #tpu.memory_space<hbm>>
      %dma_start3A_673 = arith.constant 672 : i32
      %dma_start3A_674 = tpu.memref_slice %arg4[%mul3A_667, %dma_start3A_673] : memref<16384x1600xf32, #tpu.memory_space<hbm>> -> memref<128x32xf32, #tpu.memory_space<hbm>>
      %dma_start3A_675 = arith.constant 128 : i32
      %dma_start3A_676 = arith.constant 0 : i32
      %dma_start3A_677 = tpu.memref_slice %arg7[%dma_start3A_675, %dma_start3A_676] : memref<640x32xf32, #tpu.memory_space<vmem>> -> memref<128x32xf32, #tpu.memory_space<vmem>>
      tpu.enqueue_dma source(%dma_start3A_677 : memref<128x32xf32, #tpu.memory_space<vmem>>) target(%dma_start3A_674 : memref<128x32xf32, #tpu.memory_space<hbm>>) target_semaphore(%arg13 : memref<!tpu.dma_semaphore, #tpu.memory_space<semaphore_mem>>)
      %mul3A_678 = arith.constant 128 : i32
      %mul3A_679 = arith.muli %add3A_9, %mul3A_678 : i32
      %dma_start3A_680 = arith.constant 256 : i32
      %dma_start3A_681 = arith.constant 0 : i32
      %dma_start3A_682 = tpu.memref_slice %arg7[%dma_start3A_680, %dma_start3A_681] : memref<640x32xf32, #tpu.memory_space<vmem>> -> memref<128x32xf32, #tpu.memory_space<vmem>>
      %dma_start3A_683 = arith.constant 704 : i32
      %dma_start3A_684 = tpu.memref_slice %arg4[%mul3A_679, %dma_start3A_683] : memref<16384x1600xf32, #tpu.memory_space<hbm>> -> memref<128x32xf32, #tpu.memory_space<hbm>>
      %dma_start3A_685 = arith.constant 704 : i32
      %dma_start3A_686 = tpu.memref_slice %arg4[%mul3A_679, %dma_start3A_685] : memref<16384x1600xf32, #tpu.memory_space<hbm>> -> memref<128x32xf32, #tpu.memory_space<hbm>>
      %dma_start3A_687 = arith.constant 256 : i32
      %dma_start3A_688 = arith.constant 0 : i32
      %dma_start3A_689 = tpu.memref_slice %arg7[%dma_start3A_687, %dma_start3A_688] : memref<640x32xf32, #tpu.memory_space<vmem>> -> memref<128x32xf32, #tpu.memory_space<vmem>>
      tpu.enqueue_dma source(%dma_start3A_689 : memref<128x32xf32, #tpu.memory_space<vmem>>) target(%dma_start3A_686 : memref<128x32xf32, #tpu.memory_space<hbm>>) target_semaphore(%arg13 : memref<!tpu.dma_semaphore, #tpu.memory_space<semaphore_mem>>)
      %mul3A_690 = arith.constant 128 : i32
      %mul3A_691 = arith.muli %add3A_9, %mul3A_690 : i32
      %dma_start3A_692 = arith.constant 384 : i32
      %dma_start3A_693 = arith.constant 0 : i32
      %dma_start3A_694 = tpu.memref_slice %arg7[%dma_start3A_692, %dma_start3A_693] : memref<640x32xf32, #tpu.memory_space<vmem>> -> memref<128x32xf32, #tpu.memory_space<vmem>>
      %dma_start3A_695 = arith.constant 736 : i32
      %dma_start3A_696 = tpu.memref_slice %arg4[%mul3A_691, %dma_start3A_695] : memref<16384x1600xf32, #tpu.memory_space<hbm>> -> memref<128x32xf32, #tpu.memory_space<hbm>>
      %dma_start3A_697 = arith.constant 736 : i32
      %dma_start3A_698 = tpu.memref_slice %arg4[%mul3A_691, %dma_start3A_697] : memref<16384x1600xf32, #tpu.memory_space<hbm>> -> memref<128x32xf32, #tpu.memory_space<hbm>>
      %dma_start3A_699 = arith.constant 384 : i32
      %dma_start3A_700 = arith.constant 0 : i32
      %dma_start3A_701 = tpu.memref_slice %arg7[%dma_start3A_699, %dma_start3A_700] : memref<640x32xf32, #tpu.memory_space<vmem>> -> memref<128x32xf32, #tpu.memory_space<vmem>>
      tpu.enqueue_dma source(%dma_start3A_701 : memref<128x32xf32, #tpu.memory_space<vmem>>) target(%dma_start3A_698 : memref<128x32xf32, #tpu.memory_space<hbm>>) target_semaphore(%arg13 : memref<!tpu.dma_semaphore, #tpu.memory_space<semaphore_mem>>)
      %mul3A_702 = arith.constant 128 : i32
      %mul3A_703 = arith.muli %add3A_9, %mul3A_702 : i32
      %dma_start3A_704 = arith.constant 512 : i32
      %dma_start3A_705 = arith.constant 0 : i32
      %dma_start3A_706 = tpu.memref_slice %arg7[%dma_start3A_704, %dma_start3A_705] : memref<640x32xf32, #tpu.memory_space<vmem>> -> memref<128x32xf32, #tpu.memory_space<vmem>>
      %dma_start3A_707 = arith.constant 768 : i32
      %dma_start3A_708 = tpu.memref_slice %arg4[%mul3A_703, %dma_start3A_707] : memref<16384x1600xf32, #tpu.memory_space<hbm>> -> memref<128x32xf32, #tpu.memory_space<hbm>>
      %dma_start3A_709 = arith.constant 768 : i32
      %dma_start3A_710 = tpu.memref_slice %arg4[%mul3A_703, %dma_start3A_709] : memref<16384x1600xf32, #tpu.memory_space<hbm>> -> memref<128x32xf32, #tpu.memory_space<hbm>>
      %dma_start3A_711 = arith.constant 512 : i32
      %dma_start3A_712 = arith.constant 0 : i32
      %dma_start3A_713 = tpu.memref_slice %arg7[%dma_start3A_711, %dma_start3A_712] : memref<640x32xf32, #tpu.memory_space<vmem>> -> memref<128x32xf32, #tpu.memory_space<vmem>>
      tpu.enqueue_dma source(%dma_start3A_713 : memref<128x32xf32, #tpu.memory_space<vmem>>) target(%dma_start3A_710 : memref<128x32xf32, #tpu.memory_space<hbm>>) target_semaphore(%arg13 : memref<!tpu.dma_semaphore, #tpu.memory_space<semaphore_mem>>)
      %dma_wait3A_714 = arith.constant 0 : i32
      %dma_wait3A_715 = arith.constant 0 : i32
      %dma_wait3A_716 = tpu.memref_slice %arg3[%dma_wait3A_714, %dma_wait3A_715] : memref<1000000x32xf32, #tpu.memory_space<hbm>> -> memref<640x32xf32, #tpu.memory_space<hbm>>
      %dma_wait3A_717 = arith.constant 0 : i32
      %dma_wait3A_718 = arith.constant 0 : i32
      %dma_wait3A_719 = tpu.memref_slice %arg3[%dma_wait3A_717, %dma_wait3A_718] : memref<1000000x32xf32, #tpu.memory_space<hbm>> -> memref<640x32xf32, #tpu.memory_space<hbm>>
      tpu.wait_dma2 semaphore(%arg11 : memref<!tpu.dma_semaphore, #tpu.memory_space<semaphore_mem>>) src(%dma_wait3A_719 : memref<640x32xf32, #tpu.memory_space<hbm>>) dst(%arg8 : memref<640x32xf32, #tpu.memory_space<vmem>>)
      %dma_wait3A_720 = arith.constant 0 : i32
      %dma_wait3A_721 = arith.constant 0 : i32
      %dma_wait3A_722 = tpu.memref_slice %arg4[%dma_wait3A_720, %dma_wait3A_721] : memref<16384x1600xf32, #tpu.memory_space<hbm>> -> memref<640x32xf32, #tpu.memory_space<hbm>>
      %dma_wait3A_723 = arith.constant 0 : i32
      %dma_wait3A_724 = arith.constant 0 : i32
      %dma_wait3A_725 = tpu.memref_slice %arg4[%dma_wait3A_723, %dma_wait3A_724] : memref<16384x1600xf32, #tpu.memory_space<hbm>> -> memref<640x32xf32, #tpu.memory_space<hbm>>
      tpu.wait_dma2 semaphore(%arg13 : memref<!tpu.dma_semaphore, #tpu.memory_space<semaphore_mem>>) src(%arg7 : memref<640x32xf32, #tpu.memory_space<vmem>>) dst(%dma_wait3A_725 : memref<640x32xf32, #tpu.memory_space<hbm>>)
      %dma_start3A_726 = arith.constant 35 : i32
      %dma_start3A_727 = arith.constant 0 : i32
      %dma_start3A_728 = arith.constant 0 : i32
      %dma_start3A_729 = tpu.memref_slice %arg7[%dma_start3A_727, %dma_start3A_728] : memref<640x32xf32, #tpu.memory_space<vmem>> -> memref<128x32xf32, #tpu.memory_space<vmem>>
      %dma_start3A_730 = arith.constant 0 : i32
      %dma_start3A_731 = tpu.memref_slice %arg5[%dma_start3A_726, %dma_start3A_730] : memref<50x128xi32, #tpu.memory_space<vmem>> -> memref<1x128xi32, #tpu.memory_space<vmem>>
      %dma_start3A_732 = tpu.memref_squeeze %dma_start3A_731 : memref<1x128xi32, #tpu.memory_space<vmem>> -> memref<128xi32, #tpu.memory_space<vmem>>
      %dma_start3A_733 = arith.constant 0 : i32
      %dma_start3A_734 = arith.constant 0 : i32
      %dma_start3A_735 = tpu.memref_slice %arg3[%dma_start3A_733, %dma_start3A_734] : memref<1000000x32xf32, #tpu.memory_space<hbm>> -> memref<1000000x32xf32, #tpu.memory_space<hbm>>
      tpu.enqueue_indirect_dma source(%dma_start3A_735 : memref<1000000x32xf32, #tpu.memory_space<hbm>>) target(%dma_start3A_729 : memref<128x32xf32, #tpu.memory_space<vmem>>) offsets(%dma_start3A_732 : memref<128xi32, #tpu.memory_space<vmem>>) semaphore(%arg10 : memref<!tpu.dma_semaphore, #tpu.memory_space<semaphore_mem>>)
      %dma_start3A_736 = arith.constant 36 : i32
      %dma_start3A_737 = arith.constant 128 : i32
      %dma_start3A_738 = arith.constant 0 : i32
      %dma_start3A_739 = tpu.memref_slice %arg7[%dma_start3A_737, %dma_start3A_738] : memref<640x32xf32, #tpu.memory_space<vmem>> -> memref<128x32xf32, #tpu.memory_space<vmem>>
      %dma_start3A_740 = arith.constant 0 : i32
      %dma_start3A_741 = tpu.memref_slice %arg5[%dma_start3A_736, %dma_start3A_740] : memref<50x128xi32, #tpu.memory_space<vmem>> -> memref<1x128xi32, #tpu.memory_space<vmem>>
      %dma_start3A_742 = tpu.memref_squeeze %dma_start3A_741 : memref<1x128xi32, #tpu.memory_space<vmem>> -> memref<128xi32, #tpu.memory_space<vmem>>
      %dma_start3A_743 = arith.constant 0 : i32
      %dma_start3A_744 = arith.constant 0 : i32
      %dma_start3A_745 = tpu.memref_slice %arg3[%dma_start3A_743, %dma_start3A_744] : memref<1000000x32xf32, #tpu.memory_space<hbm>> -> memref<1000000x32xf32, #tpu.memory_space<hbm>>
      tpu.enqueue_indirect_dma source(%dma_start3A_745 : memref<1000000x32xf32, #tpu.memory_space<hbm>>) target(%dma_start3A_739 : memref<128x32xf32, #tpu.memory_space<vmem>>) offsets(%dma_start3A_742 : memref<128xi32, #tpu.memory_space<vmem>>) semaphore(%arg10 : memref<!tpu.dma_semaphore, #tpu.memory_space<semaphore_mem>>)
      %dma_start3A_746 = arith.constant 37 : i32
      %dma_start3A_747 = arith.constant 256 : i32
      %dma_start3A_748 = arith.constant 0 : i32
      %dma_start3A_749 = tpu.memref_slice %arg7[%dma_start3A_747, %dma_start3A_748] : memref<640x32xf32, #tpu.memory_space<vmem>> -> memref<128x32xf32, #tpu.memory_space<vmem>>
      %dma_start3A_750 = arith.constant 0 : i32
      %dma_start3A_751 = tpu.memref_slice %arg5[%dma_start3A_746, %dma_start3A_750] : memref<50x128xi32, #tpu.memory_space<vmem>> -> memref<1x128xi32, #tpu.memory_space<vmem>>
      %dma_start3A_752 = tpu.memref_squeeze %dma_start3A_751 : memref<1x128xi32, #tpu.memory_space<vmem>> -> memref<128xi32, #tpu.memory_space<vmem>>
      %dma_start3A_753 = arith.constant 0 : i32
      %dma_start3A_754 = arith.constant 0 : i32
      %dma_start3A_755 = tpu.memref_slice %arg3[%dma_start3A_753, %dma_start3A_754] : memref<1000000x32xf32, #tpu.memory_space<hbm>> -> memref<1000000x32xf32, #tpu.memory_space<hbm>>
      tpu.enqueue_indirect_dma source(%dma_start3A_755 : memref<1000000x32xf32, #tpu.memory_space<hbm>>) target(%dma_start3A_749 : memref<128x32xf32, #tpu.memory_space<vmem>>) offsets(%dma_start3A_752 : memref<128xi32, #tpu.memory_space<vmem>>) semaphore(%arg10 : memref<!tpu.dma_semaphore, #tpu.memory_space<semaphore_mem>>)
      %dma_start3A_756 = arith.constant 38 : i32
      %dma_start3A_757 = arith.constant 384 : i32
      %dma_start3A_758 = arith.constant 0 : i32
      %dma_start3A_759 = tpu.memref_slice %arg7[%dma_start3A_757, %dma_start3A_758] : memref<640x32xf32, #tpu.memory_space<vmem>> -> memref<128x32xf32, #tpu.memory_space<vmem>>
      %dma_start3A_760 = arith.constant 0 : i32
      %dma_start3A_761 = tpu.memref_slice %arg5[%dma_start3A_756, %dma_start3A_760] : memref<50x128xi32, #tpu.memory_space<vmem>> -> memref<1x128xi32, #tpu.memory_space<vmem>>
      %dma_start3A_762 = tpu.memref_squeeze %dma_start3A_761 : memref<1x128xi32, #tpu.memory_space<vmem>> -> memref<128xi32, #tpu.memory_space<vmem>>
      %dma_start3A_763 = arith.constant 0 : i32
      %dma_start3A_764 = arith.constant 0 : i32
      %dma_start3A_765 = tpu.memref_slice %arg3[%dma_start3A_763, %dma_start3A_764] : memref<1000000x32xf32, #tpu.memory_space<hbm>> -> memref<1000000x32xf32, #tpu.memory_space<hbm>>
      tpu.enqueue_indirect_dma source(%dma_start3A_765 : memref<1000000x32xf32, #tpu.memory_space<hbm>>) target(%dma_start3A_759 : memref<128x32xf32, #tpu.memory_space<vmem>>) offsets(%dma_start3A_762 : memref<128xi32, #tpu.memory_space<vmem>>) semaphore(%arg10 : memref<!tpu.dma_semaphore, #tpu.memory_space<semaphore_mem>>)
      %dma_start3A_766 = arith.constant 39 : i32
      %dma_start3A_767 = arith.constant 512 : i32
      %dma_start3A_768 = arith.constant 0 : i32
      %dma_start3A_769 = tpu.memref_slice %arg7[%dma_start3A_767, %dma_start3A_768] : memref<640x32xf32, #tpu.memory_space<vmem>> -> memref<128x32xf32, #tpu.memory_space<vmem>>
      %dma_start3A_770 = arith.constant 0 : i32
      %dma_start3A_771 = tpu.memref_slice %arg5[%dma_start3A_766, %dma_start3A_770] : memref<50x128xi32, #tpu.memory_space<vmem>> -> memref<1x128xi32, #tpu.memory_space<vmem>>
      %dma_start3A_772 = tpu.memref_squeeze %dma_start3A_771 : memref<1x128xi32, #tpu.memory_space<vmem>> -> memref<128xi32, #tpu.memory_space<vmem>>
      %dma_start3A_773 = arith.constant 0 : i32
      %dma_start3A_774 = arith.constant 0 : i32
      %dma_start3A_775 = tpu.memref_slice %arg3[%dma_start3A_773, %dma_start3A_774] : memref<1000000x32xf32, #tpu.memory_space<hbm>> -> memref<1000000x32xf32, #tpu.memory_space<hbm>>
      tpu.enqueue_indirect_dma source(%dma_start3A_775 : memref<1000000x32xf32, #tpu.memory_space<hbm>>) target(%dma_start3A_769 : memref<128x32xf32, #tpu.memory_space<vmem>>) offsets(%dma_start3A_772 : memref<128xi32, #tpu.memory_space<vmem>>) semaphore(%arg10 : memref<!tpu.dma_semaphore, #tpu.memory_space<semaphore_mem>>)
      %mul3A_776 = arith.constant 128 : i32
      %mul3A_777 = arith.muli %add3A_9, %mul3A_776 : i32
      %dma_start3A_778 = arith.constant 0 : i32
      %dma_start3A_779 = arith.constant 0 : i32
      %dma_start3A_780 = tpu.memref_slice %arg8[%dma_start3A_778, %dma_start3A_779] : memref<640x32xf32, #tpu.memory_space<vmem>> -> memref<128x32xf32, #tpu.memory_space<vmem>>
      %dma_start3A_781 = arith.constant 800 : i32
      %dma_start3A_782 = tpu.memref_slice %arg4[%mul3A_777, %dma_start3A_781] : memref<16384x1600xf32, #tpu.memory_space<hbm>> -> memref<128x32xf32, #tpu.memory_space<hbm>>
      %dma_start3A_783 = arith.constant 800 : i32
      %dma_start3A_784 = tpu.memref_slice %arg4[%mul3A_777, %dma_start3A_783] : memref<16384x1600xf32, #tpu.memory_space<hbm>> -> memref<128x32xf32, #tpu.memory_space<hbm>>
      %dma_start3A_785 = arith.constant 0 : i32
      %dma_start3A_786 = arith.constant 0 : i32
      %dma_start3A_787 = tpu.memref_slice %arg8[%dma_start3A_785, %dma_start3A_786] : memref<640x32xf32, #tpu.memory_space<vmem>> -> memref<128x32xf32, #tpu.memory_space<vmem>>
      tpu.enqueue_dma source(%dma_start3A_787 : memref<128x32xf32, #tpu.memory_space<vmem>>) target(%dma_start3A_784 : memref<128x32xf32, #tpu.memory_space<hbm>>) target_semaphore(%arg14 : memref<!tpu.dma_semaphore, #tpu.memory_space<semaphore_mem>>)
      %mul3A_788 = arith.constant 128 : i32
      %mul3A_789 = arith.muli %add3A_9, %mul3A_788 : i32
      %dma_start3A_790 = arith.constant 128 : i32
      %dma_start3A_791 = arith.constant 0 : i32
      %dma_start3A_792 = tpu.memref_slice %arg8[%dma_start3A_790, %dma_start3A_791] : memref<640x32xf32, #tpu.memory_space<vmem>> -> memref<128x32xf32, #tpu.memory_space<vmem>>
      %dma_start3A_793 = arith.constant 832 : i32
      %dma_start3A_794 = tpu.memref_slice %arg4[%mul3A_789, %dma_start3A_793] : memref<16384x1600xf32, #tpu.memory_space<hbm>> -> memref<128x32xf32, #tpu.memory_space<hbm>>
      %dma_start3A_795 = arith.constant 832 : i32
      %dma_start3A_796 = tpu.memref_slice %arg4[%mul3A_789, %dma_start3A_795] : memref<16384x1600xf32, #tpu.memory_space<hbm>> -> memref<128x32xf32, #tpu.memory_space<hbm>>
      %dma_start3A_797 = arith.constant 128 : i32
      %dma_start3A_798 = arith.constant 0 : i32
      %dma_start3A_799 = tpu.memref_slice %arg8[%dma_start3A_797, %dma_start3A_798] : memref<640x32xf32, #tpu.memory_space<vmem>> -> memref<128x32xf32, #tpu.memory_space<vmem>>
      tpu.enqueue_dma source(%dma_start3A_799 : memref<128x32xf32, #tpu.memory_space<vmem>>) target(%dma_start3A_796 : memref<128x32xf32, #tpu.memory_space<hbm>>) target_semaphore(%arg14 : memref<!tpu.dma_semaphore, #tpu.memory_space<semaphore_mem>>)
      %mul3A_800 = arith.constant 128 : i32
      %mul3A_801 = arith.muli %add3A_9, %mul3A_800 : i32
      %dma_start3A_802 = arith.constant 256 : i32
      %dma_start3A_803 = arith.constant 0 : i32
      %dma_start3A_804 = tpu.memref_slice %arg8[%dma_start3A_802, %dma_start3A_803] : memref<640x32xf32, #tpu.memory_space<vmem>> -> memref<128x32xf32, #tpu.memory_space<vmem>>
      %dma_start3A_805 = arith.constant 864 : i32
      %dma_start3A_806 = tpu.memref_slice %arg4[%mul3A_801, %dma_start3A_805] : memref<16384x1600xf32, #tpu.memory_space<hbm>> -> memref<128x32xf32, #tpu.memory_space<hbm>>
      %dma_start3A_807 = arith.constant 864 : i32
      %dma_start3A_808 = tpu.memref_slice %arg4[%mul3A_801, %dma_start3A_807] : memref<16384x1600xf32, #tpu.memory_space<hbm>> -> memref<128x32xf32, #tpu.memory_space<hbm>>
      %dma_start3A_809 = arith.constant 256 : i32
      %dma_start3A_810 = arith.constant 0 : i32
      %dma_start3A_811 = tpu.memref_slice %arg8[%dma_start3A_809, %dma_start3A_810] : memref<640x32xf32, #tpu.memory_space<vmem>> -> memref<128x32xf32, #tpu.memory_space<vmem>>
      tpu.enqueue_dma source(%dma_start3A_811 : memref<128x32xf32, #tpu.memory_space<vmem>>) target(%dma_start3A_808 : memref<128x32xf32, #tpu.memory_space<hbm>>) target_semaphore(%arg14 : memref<!tpu.dma_semaphore, #tpu.memory_space<semaphore_mem>>)
      %mul3A_812 = arith.constant 128 : i32
      %mul3A_813 = arith.muli %add3A_9, %mul3A_812 : i32
      %dma_start3A_814 = arith.constant 384 : i32
      %dma_start3A_815 = arith.constant 0 : i32
      %dma_start3A_816 = tpu.memref_slice %arg8[%dma_start3A_814, %dma_start3A_815] : memref<640x32xf32, #tpu.memory_space<vmem>> -> memref<128x32xf32, #tpu.memory_space<vmem>>
      %dma_start3A_817 = arith.constant 896 : i32
      %dma_start3A_818 = tpu.memref_slice %arg4[%mul3A_813, %dma_start3A_817] : memref<16384x1600xf32, #tpu.memory_space<hbm>> -> memref<128x32xf32, #tpu.memory_space<hbm>>
      %dma_start3A_819 = arith.constant 896 : i32
      %dma_start3A_820 = tpu.memref_slice %arg4[%mul3A_813, %dma_start3A_819] : memref<16384x1600xf32, #tpu.memory_space<hbm>> -> memref<128x32xf32, #tpu.memory_space<hbm>>
      %dma_start3A_821 = arith.constant 384 : i32
      %dma_start3A_822 = arith.constant 0 : i32
      %dma_start3A_823 = tpu.memref_slice %arg8[%dma_start3A_821, %dma_start3A_822] : memref<640x32xf32, #tpu.memory_space<vmem>> -> memref<128x32xf32, #tpu.memory_space<vmem>>
      tpu.enqueue_dma source(%dma_start3A_823 : memref<128x32xf32, #tpu.memory_space<vmem>>) target(%dma_start3A_820 : memref<128x32xf32, #tpu.memory_space<hbm>>) target_semaphore(%arg14 : memref<!tpu.dma_semaphore, #tpu.memory_space<semaphore_mem>>)
      %mul3A_824 = arith.constant 128 : i32
      %mul3A_825 = arith.muli %add3A_9, %mul3A_824 : i32
      %dma_start3A_826 = arith.constant 512 : i32
      %dma_start3A_827 = arith.constant 0 : i32
      %dma_start3A_828 = tpu.memref_slice %arg8[%dma_start3A_826, %dma_start3A_827] : memref<640x32xf32, #tpu.memory_space<vmem>> -> memref<128x32xf32, #tpu.memory_space<vmem>>
      %dma_start3A_829 = arith.constant 928 : i32
      %dma_start3A_830 = tpu.memref_slice %arg4[%mul3A_825, %dma_start3A_829] : memref<16384x1600xf32, #tpu.memory_space<hbm>> -> memref<128x32xf32, #tpu.memory_space<hbm>>
      %dma_start3A_831 = arith.constant 928 : i32
      %dma_start3A_832 = tpu.memref_slice %arg4[%mul3A_825, %dma_start3A_831] : memref<16384x1600xf32, #tpu.memory_space<hbm>> -> memref<128x32xf32, #tpu.memory_space<hbm>>
      %dma_start3A_833 = arith.constant 512 : i32
      %dma_start3A_834 = arith.constant 0 : i32
      %dma_start3A_835 = tpu.memref_slice %arg8[%dma_start3A_833, %dma_start3A_834] : memref<640x32xf32, #tpu.memory_space<vmem>> -> memref<128x32xf32, #tpu.memory_space<vmem>>
      tpu.enqueue_dma source(%dma_start3A_835 : memref<128x32xf32, #tpu.memory_space<vmem>>) target(%dma_start3A_832 : memref<128x32xf32, #tpu.memory_space<hbm>>) target_semaphore(%arg14 : memref<!tpu.dma_semaphore, #tpu.memory_space<semaphore_mem>>)
      %dma_wait3A_836 = arith.constant 0 : i32
      %dma_wait3A_837 = arith.constant 0 : i32
      %dma_wait3A_838 = tpu.memref_slice %arg3[%dma_wait3A_836, %dma_wait3A_837] : memref<1000000x32xf32, #tpu.memory_space<hbm>> -> memref<640x32xf32, #tpu.memory_space<hbm>>
      %dma_wait3A_839 = arith.constant 0 : i32
      %dma_wait3A_840 = arith.constant 0 : i32
      %dma_wait3A_841 = tpu.memref_slice %arg3[%dma_wait3A_839, %dma_wait3A_840] : memref<1000000x32xf32, #tpu.memory_space<hbm>> -> memref<640x32xf32, #tpu.memory_space<hbm>>
      tpu.wait_dma2 semaphore(%arg9 : memref<!tpu.dma_semaphore, #tpu.memory_space<semaphore_mem>>) src(%dma_wait3A_841 : memref<640x32xf32, #tpu.memory_space<hbm>>) dst(%arg6 : memref<640x32xf32, #tpu.memory_space<vmem>>)
      %dma_wait3A_842 = arith.constant 0 : i32
      %dma_wait3A_843 = arith.constant 0 : i32
      %dma_wait3A_844 = tpu.memref_slice %arg4[%dma_wait3A_842, %dma_wait3A_843] : memref<16384x1600xf32, #tpu.memory_space<hbm>> -> memref<640x32xf32, #tpu.memory_space<hbm>>
      %dma_wait3A_845 = arith.constant 0 : i32
      %dma_wait3A_846 = arith.constant 0 : i32
      %dma_wait3A_847 = tpu.memref_slice %arg4[%dma_wait3A_845, %dma_wait3A_846] : memref<16384x1600xf32, #tpu.memory_space<hbm>> -> memref<640x32xf32, #tpu.memory_space<hbm>>
      tpu.wait_dma2 semaphore(%arg14 : memref<!tpu.dma_semaphore, #tpu.memory_space<semaphore_mem>>) src(%arg8 : memref<640x32xf32, #tpu.memory_space<vmem>>) dst(%dma_wait3A_847 : memref<640x32xf32, #tpu.memory_space<hbm>>)
      %dma_start3A_848 = arith.constant 40 : i32
      %dma_start3A_849 = arith.constant 0 : i32
      %dma_start3A_850 = arith.constant 0 : i32
      %dma_start3A_851 = tpu.memref_slice %arg8[%dma_start3A_849, %dma_start3A_850] : memref<640x32xf32, #tpu.memory_space<vmem>> -> memref<128x32xf32, #tpu.memory_space<vmem>>
      %dma_start3A_852 = arith.constant 0 : i32
      %dma_start3A_853 = tpu.memref_slice %arg5[%dma_start3A_848, %dma_start3A_852] : memref<50x128xi32, #tpu.memory_space<vmem>> -> memref<1x128xi32, #tpu.memory_space<vmem>>
      %dma_start3A_854 = tpu.memref_squeeze %dma_start3A_853 : memref<1x128xi32, #tpu.memory_space<vmem>> -> memref<128xi32, #tpu.memory_space<vmem>>
      %dma_start3A_855 = arith.constant 0 : i32
      %dma_start3A_856 = arith.constant 0 : i32
      %dma_start3A_857 = tpu.memref_slice %arg3[%dma_start3A_855, %dma_start3A_856] : memref<1000000x32xf32, #tpu.memory_space<hbm>> -> memref<1000000x32xf32, #tpu.memory_space<hbm>>
      tpu.enqueue_indirect_dma source(%dma_start3A_857 : memref<1000000x32xf32, #tpu.memory_space<hbm>>) target(%dma_start3A_851 : memref<128x32xf32, #tpu.memory_space<vmem>>) offsets(%dma_start3A_854 : memref<128xi32, #tpu.memory_space<vmem>>) semaphore(%arg11 : memref<!tpu.dma_semaphore, #tpu.memory_space<semaphore_mem>>)
      %dma_start3A_858 = arith.constant 41 : i32
      %dma_start3A_859 = arith.constant 128 : i32
      %dma_start3A_860 = arith.constant 0 : i32
      %dma_start3A_861 = tpu.memref_slice %arg8[%dma_start3A_859, %dma_start3A_860] : memref<640x32xf32, #tpu.memory_space<vmem>> -> memref<128x32xf32, #tpu.memory_space<vmem>>
      %dma_start3A_862 = arith.constant 0 : i32
      %dma_start3A_863 = tpu.memref_slice %arg5[%dma_start3A_858, %dma_start3A_862] : memref<50x128xi32, #tpu.memory_space<vmem>> -> memref<1x128xi32, #tpu.memory_space<vmem>>
      %dma_start3A_864 = tpu.memref_squeeze %dma_start3A_863 : memref<1x128xi32, #tpu.memory_space<vmem>> -> memref<128xi32, #tpu.memory_space<vmem>>
      %dma_start3A_865 = arith.constant 0 : i32
      %dma_start3A_866 = arith.constant 0 : i32
      %dma_start3A_867 = tpu.memref_slice %arg3[%dma_start3A_865, %dma_start3A_866] : memref<1000000x32xf32, #tpu.memory_space<hbm>> -> memref<1000000x32xf32, #tpu.memory_space<hbm>>
      tpu.enqueue_indirect_dma source(%dma_start3A_867 : memref<1000000x32xf32, #tpu.memory_space<hbm>>) target(%dma_start3A_861 : memref<128x32xf32, #tpu.memory_space<vmem>>) offsets(%dma_start3A_864 : memref<128xi32, #tpu.memory_space<vmem>>) semaphore(%arg11 : memref<!tpu.dma_semaphore, #tpu.memory_space<semaphore_mem>>)
      %dma_start3A_868 = arith.constant 42 : i32
      %dma_start3A_869 = arith.constant 256 : i32
      %dma_start3A_870 = arith.constant 0 : i32
      %dma_start3A_871 = tpu.memref_slice %arg8[%dma_start3A_869, %dma_start3A_870] : memref<640x32xf32, #tpu.memory_space<vmem>> -> memref<128x32xf32, #tpu.memory_space<vmem>>
      %dma_start3A_872 = arith.constant 0 : i32
      %dma_start3A_873 = tpu.memref_slice %arg5[%dma_start3A_868, %dma_start3A_872] : memref<50x128xi32, #tpu.memory_space<vmem>> -> memref<1x128xi32, #tpu.memory_space<vmem>>
      %dma_start3A_874 = tpu.memref_squeeze %dma_start3A_873 : memref<1x128xi32, #tpu.memory_space<vmem>> -> memref<128xi32, #tpu.memory_space<vmem>>
      %dma_start3A_875 = arith.constant 0 : i32
      %dma_start3A_876 = arith.constant 0 : i32
      %dma_start3A_877 = tpu.memref_slice %arg3[%dma_start3A_875, %dma_start3A_876] : memref<1000000x32xf32, #tpu.memory_space<hbm>> -> memref<1000000x32xf32, #tpu.memory_space<hbm>>
      tpu.enqueue_indirect_dma source(%dma_start3A_877 : memref<1000000x32xf32, #tpu.memory_space<hbm>>) target(%dma_start3A_871 : memref<128x32xf32, #tpu.memory_space<vmem>>) offsets(%dma_start3A_874 : memref<128xi32, #tpu.memory_space<vmem>>) semaphore(%arg11 : memref<!tpu.dma_semaphore, #tpu.memory_space<semaphore_mem>>)
      %dma_start3A_878 = arith.constant 43 : i32
      %dma_start3A_879 = arith.constant 384 : i32
      %dma_start3A_880 = arith.constant 0 : i32
      %dma_start3A_881 = tpu.memref_slice %arg8[%dma_start3A_879, %dma_start3A_880] : memref<640x32xf32, #tpu.memory_space<vmem>> -> memref<128x32xf32, #tpu.memory_space<vmem>>
      %dma_start3A_882 = arith.constant 0 : i32
      %dma_start3A_883 = tpu.memref_slice %arg5[%dma_start3A_878, %dma_start3A_882] : memref<50x128xi32, #tpu.memory_space<vmem>> -> memref<1x128xi32, #tpu.memory_space<vmem>>
      %dma_start3A_884 = tpu.memref_squeeze %dma_start3A_883 : memref<1x128xi32, #tpu.memory_space<vmem>> -> memref<128xi32, #tpu.memory_space<vmem>>
      %dma_start3A_885 = arith.constant 0 : i32
      %dma_start3A_886 = arith.constant 0 : i32
      %dma_start3A_887 = tpu.memref_slice %arg3[%dma_start3A_885, %dma_start3A_886] : memref<1000000x32xf32, #tpu.memory_space<hbm>> -> memref<1000000x32xf32, #tpu.memory_space<hbm>>
      tpu.enqueue_indirect_dma source(%dma_start3A_887 : memref<1000000x32xf32, #tpu.memory_space<hbm>>) target(%dma_start3A_881 : memref<128x32xf32, #tpu.memory_space<vmem>>) offsets(%dma_start3A_884 : memref<128xi32, #tpu.memory_space<vmem>>) semaphore(%arg11 : memref<!tpu.dma_semaphore, #tpu.memory_space<semaphore_mem>>)
      %dma_start3A_888 = arith.constant 44 : i32
      %dma_start3A_889 = arith.constant 512 : i32
      %dma_start3A_890 = arith.constant 0 : i32
      %dma_start3A_891 = tpu.memref_slice %arg8[%dma_start3A_889, %dma_start3A_890] : memref<640x32xf32, #tpu.memory_space<vmem>> -> memref<128x32xf32, #tpu.memory_space<vmem>>
      %dma_start3A_892 = arith.constant 0 : i32
      %dma_start3A_893 = tpu.memref_slice %arg5[%dma_start3A_888, %dma_start3A_892] : memref<50x128xi32, #tpu.memory_space<vmem>> -> memref<1x128xi32, #tpu.memory_space<vmem>>
      %dma_start3A_894 = tpu.memref_squeeze %dma_start3A_893 : memref<1x128xi32, #tpu.memory_space<vmem>> -> memref<128xi32, #tpu.memory_space<vmem>>
      %dma_start3A_895 = arith.constant 0 : i32
      %dma_start3A_896 = arith.constant 0 : i32
      %dma_start3A_897 = tpu.memref_slice %arg3[%dma_start3A_895, %dma_start3A_896] : memref<1000000x32xf32, #tpu.memory_space<hbm>> -> memref<1000000x32xf32, #tpu.memory_space<hbm>>
      tpu.enqueue_indirect_dma source(%dma_start3A_897 : memref<1000000x32xf32, #tpu.memory_space<hbm>>) target(%dma_start3A_891 : memref<128x32xf32, #tpu.memory_space<vmem>>) offsets(%dma_start3A_894 : memref<128xi32, #tpu.memory_space<vmem>>) semaphore(%arg11 : memref<!tpu.dma_semaphore, #tpu.memory_space<semaphore_mem>>)
      %mul3A_898 = arith.constant 128 : i32
      %mul3A_899 = arith.muli %add3A_9, %mul3A_898 : i32
      %dma_start3A_900 = arith.constant 0 : i32
      %dma_start3A_901 = arith.constant 0 : i32
      %dma_start3A_902 = tpu.memref_slice %arg6[%dma_start3A_900, %dma_start3A_901] : memref<640x32xf32, #tpu.memory_space<vmem>> -> memref<128x32xf32, #tpu.memory_space<vmem>>
      %dma_start3A_903 = arith.constant 960 : i32
      %dma_start3A_904 = tpu.memref_slice %arg4[%mul3A_899, %dma_start3A_903] : memref<16384x1600xf32, #tpu.memory_space<hbm>> -> memref<128x32xf32, #tpu.memory_space<hbm>>
      %dma_start3A_905 = arith.constant 960 : i32
      %dma_start3A_906 = tpu.memref_slice %arg4[%mul3A_899, %dma_start3A_905] : memref<16384x1600xf32, #tpu.memory_space<hbm>> -> memref<128x32xf32, #tpu.memory_space<hbm>>
      %dma_start3A_907 = arith.constant 0 : i32
      %dma_start3A_908 = arith.constant 0 : i32
      %dma_start3A_909 = tpu.memref_slice %arg6[%dma_start3A_907, %dma_start3A_908] : memref<640x32xf32, #tpu.memory_space<vmem>> -> memref<128x32xf32, #tpu.memory_space<vmem>>
      tpu.enqueue_dma source(%dma_start3A_909 : memref<128x32xf32, #tpu.memory_space<vmem>>) target(%dma_start3A_906 : memref<128x32xf32, #tpu.memory_space<hbm>>) target_semaphore(%arg12 : memref<!tpu.dma_semaphore, #tpu.memory_space<semaphore_mem>>)
      %mul3A_910 = arith.constant 128 : i32
      %mul3A_911 = arith.muli %add3A_9, %mul3A_910 : i32
      %dma_start3A_912 = arith.constant 128 : i32
      %dma_start3A_913 = arith.constant 0 : i32
      %dma_start3A_914 = tpu.memref_slice %arg6[%dma_start3A_912, %dma_start3A_913] : memref<640x32xf32, #tpu.memory_space<vmem>> -> memref<128x32xf32, #tpu.memory_space<vmem>>
      %dma_start3A_915 = arith.constant 992 : i32
      %dma_start3A_916 = tpu.memref_slice %arg4[%mul3A_911, %dma_start3A_915] : memref<16384x1600xf32, #tpu.memory_space<hbm>> -> memref<128x32xf32, #tpu.memory_space<hbm>>
      %dma_start3A_917 = arith.constant 992 : i32
      %dma_start3A_918 = tpu.memref_slice %arg4[%mul3A_911, %dma_start3A_917] : memref<16384x1600xf32, #tpu.memory_space<hbm>> -> memref<128x32xf32, #tpu.memory_space<hbm>>
      %dma_start3A_919 = arith.constant 128 : i32
      %dma_start3A_920 = arith.constant 0 : i32
      %dma_start3A_921 = tpu.memref_slice %arg6[%dma_start3A_919, %dma_start3A_920] : memref<640x32xf32, #tpu.memory_space<vmem>> -> memref<128x32xf32, #tpu.memory_space<vmem>>
      tpu.enqueue_dma source(%dma_start3A_921 : memref<128x32xf32, #tpu.memory_space<vmem>>) target(%dma_start3A_918 : memref<128x32xf32, #tpu.memory_space<hbm>>) target_semaphore(%arg12 : memref<!tpu.dma_semaphore, #tpu.memory_space<semaphore_mem>>)
      %mul3A_922 = arith.constant 128 : i32
      %mul3A_923 = arith.muli %add3A_9, %mul3A_922 : i32
      %dma_start3A_924 = arith.constant 256 : i32
      %dma_start3A_925 = arith.constant 0 : i32
      %dma_start3A_926 = tpu.memref_slice %arg6[%dma_start3A_924, %dma_start3A_925] : memref<640x32xf32, #tpu.memory_space<vmem>> -> memref<128x32xf32, #tpu.memory_space<vmem>>
      %dma_start3A_927 = arith.constant 1024 : i32
      %dma_start3A_928 = tpu.memref_slice %arg4[%mul3A_923, %dma_start3A_927] : memref<16384x1600xf32, #tpu.memory_space<hbm>> -> memref<128x32xf32, #tpu.memory_space<hbm>>
      %dma_start3A_929 = arith.constant 1024 : i32
      %dma_start3A_930 = tpu.memref_slice %arg4[%mul3A_923, %dma_start3A_929] : memref<16384x1600xf32, #tpu.memory_space<hbm>> -> memref<128x32xf32, #tpu.memory_space<hbm>>
      %dma_start3A_931 = arith.constant 256 : i32
      %dma_start3A_932 = arith.constant 0 : i32
      %dma_start3A_933 = tpu.memref_slice %arg6[%dma_start3A_931, %dma_start3A_932] : memref<640x32xf32, #tpu.memory_space<vmem>> -> memref<128x32xf32, #tpu.memory_space<vmem>>
      tpu.enqueue_dma source(%dma_start3A_933 : memref<128x32xf32, #tpu.memory_space<vmem>>) target(%dma_start3A_930 : memref<128x32xf32, #tpu.memory_space<hbm>>) target_semaphore(%arg12 : memref<!tpu.dma_semaphore, #tpu.memory_space<semaphore_mem>>)
      %mul3A_934 = arith.constant 128 : i32
      %mul3A_935 = arith.muli %add3A_9, %mul3A_934 : i32
      %dma_start3A_936 = arith.constant 384 : i32
      %dma_start3A_937 = arith.constant 0 : i32
      %dma_start3A_938 = tpu.memref_slice %arg6[%dma_start3A_936, %dma_start3A_937] : memref<640x32xf32, #tpu.memory_space<vmem>> -> memref<128x32xf32, #tpu.memory_space<vmem>>
      %dma_start3A_939 = arith.constant 1056 : i32
      %dma_start3A_940 = tpu.memref_slice %arg4[%mul3A_935, %dma_start3A_939] : memref<16384x1600xf32, #tpu.memory_space<hbm>> -> memref<128x32xf32, #tpu.memory_space<hbm>>
      %dma_start3A_941 = arith.constant 1056 : i32
      %dma_start3A_942 = tpu.memref_slice %arg4[%mul3A_935, %dma_start3A_941] : memref<16384x1600xf32, #tpu.memory_space<hbm>> -> memref<128x32xf32, #tpu.memory_space<hbm>>
      %dma_start3A_943 = arith.constant 384 : i32
      %dma_start3A_944 = arith.constant 0 : i32
      %dma_start3A_945 = tpu.memref_slice %arg6[%dma_start3A_943, %dma_start3A_944] : memref<640x32xf32, #tpu.memory_space<vmem>> -> memref<128x32xf32, #tpu.memory_space<vmem>>
      tpu.enqueue_dma source(%dma_start3A_945 : memref<128x32xf32, #tpu.memory_space<vmem>>) target(%dma_start3A_942 : memref<128x32xf32, #tpu.memory_space<hbm>>) target_semaphore(%arg12 : memref<!tpu.dma_semaphore, #tpu.memory_space<semaphore_mem>>)
      %mul3A_946 = arith.constant 128 : i32
      %mul3A_947 = arith.muli %add3A_9, %mul3A_946 : i32
      %dma_start3A_948 = arith.constant 512 : i32
      %dma_start3A_949 = arith.constant 0 : i32
      %dma_start3A_950 = tpu.memref_slice %arg6[%dma_start3A_948, %dma_start3A_949] : memref<640x32xf32, #tpu.memory_space<vmem>> -> memref<128x32xf32, #tpu.memory_space<vmem>>
      %dma_start3A_951 = arith.constant 1088 : i32
      %dma_start3A_952 = tpu.memref_slice %arg4[%mul3A_947, %dma_start3A_951] : memref<16384x1600xf32, #tpu.memory_space<hbm>> -> memref<128x32xf32, #tpu.memory_space<hbm>>
      %dma_start3A_953 = arith.constant 1088 : i32
      %dma_start3A_954 = tpu.memref_slice %arg4[%mul3A_947, %dma_start3A_953] : memref<16384x1600xf32, #tpu.memory_space<hbm>> -> memref<128x32xf32, #tpu.memory_space<hbm>>
      %dma_start3A_955 = arith.constant 512 : i32
      %dma_start3A_956 = arith.constant 0 : i32
      %dma_start3A_957 = tpu.memref_slice %arg6[%dma_start3A_955, %dma_start3A_956] : memref<640x32xf32, #tpu.memory_space<vmem>> -> memref<128x32xf32, #tpu.memory_space<vmem>>
      tpu.enqueue_dma source(%dma_start3A_957 : memref<128x32xf32, #tpu.memory_space<vmem>>) target(%dma_start3A_954 : memref<128x32xf32, #tpu.memory_space<hbm>>) target_semaphore(%arg12 : memref<!tpu.dma_semaphore, #tpu.memory_space<semaphore_mem>>)
      %dma_wait3A_958 = arith.constant 0 : i32
      %dma_wait3A_959 = arith.constant 0 : i32
      %dma_wait3A_960 = tpu.memref_slice %arg3[%dma_wait3A_958, %dma_wait3A_959] : memref<1000000x32xf32, #tpu.memory_space<hbm>> -> memref<640x32xf32, #tpu.memory_space<hbm>>
      %dma_wait3A_961 = arith.constant 0 : i32
      %dma_wait3A_962 = arith.constant 0 : i32
      %dma_wait3A_963 = tpu.memref_slice %arg3[%dma_wait3A_961, %dma_wait3A_962] : memref<1000000x32xf32, #tpu.memory_space<hbm>> -> memref<640x32xf32, #tpu.memory_space<hbm>>
      tpu.wait_dma2 semaphore(%arg10 : memref<!tpu.dma_semaphore, #tpu.memory_space<semaphore_mem>>) src(%dma_wait3A_963 : memref<640x32xf32, #tpu.memory_space<hbm>>) dst(%arg7 : memref<640x32xf32, #tpu.memory_space<vmem>>)
      %dma_wait3A_964 = arith.constant 0 : i32
      %dma_wait3A_965 = arith.constant 0 : i32
      %dma_wait3A_966 = tpu.memref_slice %arg4[%dma_wait3A_964, %dma_wait3A_965] : memref<16384x1600xf32, #tpu.memory_space<hbm>> -> memref<640x32xf32, #tpu.memory_space<hbm>>
      %dma_wait3A_967 = arith.constant 0 : i32
      %dma_wait3A_968 = arith.constant 0 : i32
      %dma_wait3A_969 = tpu.memref_slice %arg4[%dma_wait3A_967, %dma_wait3A_968] : memref<16384x1600xf32, #tpu.memory_space<hbm>> -> memref<640x32xf32, #tpu.memory_space<hbm>>
      tpu.wait_dma2 semaphore(%arg12 : memref<!tpu.dma_semaphore, #tpu.memory_space<semaphore_mem>>) src(%arg6 : memref<640x32xf32, #tpu.memory_space<vmem>>) dst(%dma_wait3A_969 : memref<640x32xf32, #tpu.memory_space<hbm>>)
      %dma_start3A_970 = arith.constant 45 : i32
      %dma_start3A_971 = arith.constant 0 : i32
      %dma_start3A_972 = arith.constant 0 : i32
      %dma_start3A_973 = tpu.memref_slice %arg6[%dma_start3A_971, %dma_start3A_972] : memref<640x32xf32, #tpu.memory_space<vmem>> -> memref<128x32xf32, #tpu.memory_space<vmem>>
      %dma_start3A_974 = arith.constant 0 : i32
      %dma_start3A_975 = tpu.memref_slice %arg5[%dma_start3A_970, %dma_start3A_974] : memref<50x128xi32, #tpu.memory_space<vmem>> -> memref<1x128xi32, #tpu.memory_space<vmem>>
      %dma_start3A_976 = tpu.memref_squeeze %dma_start3A_975 : memref<1x128xi32, #tpu.memory_space<vmem>> -> memref<128xi32, #tpu.memory_space<vmem>>
      %dma_start3A_977 = arith.constant 0 : i32
      %dma_start3A_978 = arith.constant 0 : i32
      %dma_start3A_979 = tpu.memref_slice %arg3[%dma_start3A_977, %dma_start3A_978] : memref<1000000x32xf32, #tpu.memory_space<hbm>> -> memref<1000000x32xf32, #tpu.memory_space<hbm>>
      tpu.enqueue_indirect_dma source(%dma_start3A_979 : memref<1000000x32xf32, #tpu.memory_space<hbm>>) target(%dma_start3A_973 : memref<128x32xf32, #tpu.memory_space<vmem>>) offsets(%dma_start3A_976 : memref<128xi32, #tpu.memory_space<vmem>>) semaphore(%arg9 : memref<!tpu.dma_semaphore, #tpu.memory_space<semaphore_mem>>)
      %dma_start3A_980 = arith.constant 46 : i32
      %dma_start3A_981 = arith.constant 128 : i32
      %dma_start3A_982 = arith.constant 0 : i32
      %dma_start3A_983 = tpu.memref_slice %arg6[%dma_start3A_981, %dma_start3A_982] : memref<640x32xf32, #tpu.memory_space<vmem>> -> memref<128x32xf32, #tpu.memory_space<vmem>>
      %dma_start3A_984 = arith.constant 0 : i32
      %dma_start3A_985 = tpu.memref_slice %arg5[%dma_start3A_980, %dma_start3A_984] : memref<50x128xi32, #tpu.memory_space<vmem>> -> memref<1x128xi32, #tpu.memory_space<vmem>>
      %dma_start3A_986 = tpu.memref_squeeze %dma_start3A_985 : memref<1x128xi32, #tpu.memory_space<vmem>> -> memref<128xi32, #tpu.memory_space<vmem>>
      %dma_start3A_987 = arith.constant 0 : i32
      %dma_start3A_988 = arith.constant 0 : i32
      %dma_start3A_989 = tpu.memref_slice %arg3[%dma_start3A_987, %dma_start3A_988] : memref<1000000x32xf32, #tpu.memory_space<hbm>> -> memref<1000000x32xf32, #tpu.memory_space<hbm>>
      tpu.enqueue_indirect_dma source(%dma_start3A_989 : memref<1000000x32xf32, #tpu.memory_space<hbm>>) target(%dma_start3A_983 : memref<128x32xf32, #tpu.memory_space<vmem>>) offsets(%dma_start3A_986 : memref<128xi32, #tpu.memory_space<vmem>>) semaphore(%arg9 : memref<!tpu.dma_semaphore, #tpu.memory_space<semaphore_mem>>)
      %dma_start3A_990 = arith.constant 47 : i32
      %dma_start3A_991 = arith.constant 256 : i32
      %dma_start3A_992 = arith.constant 0 : i32
      %dma_start3A_993 = tpu.memref_slice %arg6[%dma_start3A_991, %dma_start3A_992] : memref<640x32xf32, #tpu.memory_space<vmem>> -> memref<128x32xf32, #tpu.memory_space<vmem>>
      %dma_start3A_994 = arith.constant 0 : i32
      %dma_start3A_995 = tpu.memref_slice %arg5[%dma_start3A_990, %dma_start3A_994] : memref<50x128xi32, #tpu.memory_space<vmem>> -> memref<1x128xi32, #tpu.memory_space<vmem>>
      %dma_start3A_996 = tpu.memref_squeeze %dma_start3A_995 : memref<1x128xi32, #tpu.memory_space<vmem>> -> memref<128xi32, #tpu.memory_space<vmem>>
      %dma_start3A_997 = arith.constant 0 : i32
      %dma_start3A_998 = arith.constant 0 : i32
      %dma_start3A_999 = tpu.memref_slice %arg3[%dma_start3A_997, %dma_start3A_998] : memref<1000000x32xf32, #tpu.memory_space<hbm>> -> memref<1000000x32xf32, #tpu.memory_space<hbm>>
      tpu.enqueue_indirect_dma source(%dma_start3A_999 : memref<1000000x32xf32, #tpu.memory_space<hbm>>) target(%dma_start3A_993 : memref<128x32xf32, #tpu.memory_space<vmem>>) offsets(%dma_start3A_996 : memref<128xi32, #tpu.memory_space<vmem>>) semaphore(%arg9 : memref<!tpu.dma_semaphore, #tpu.memory_space<semaphore_mem>>)
      %dma_start3A_1000 = arith.constant 48 : i32
      %dma_start3A_1001 = arith.constant 384 : i32
      %dma_start3A_1002 = arith.constant 0 : i32
      %dma_start3A_1003 = tpu.memref_slice %arg6[%dma_start3A_1001, %dma_start3A_1002] : memref<640x32xf32, #tpu.memory_space<vmem>> -> memref<128x32xf32, #tpu.memory_space<vmem>>
      %dma_start3A_1004 = arith.constant 0 : i32
      %dma_start3A_1005 = tpu.memref_slice %arg5[%dma_start3A_1000, %dma_start3A_1004] : memref<50x128xi32, #tpu.memory_space<vmem>> -> memref<1x128xi32, #tpu.memory_space<vmem>>
      %dma_start3A_1006 = tpu.memref_squeeze %dma_start3A_1005 : memref<1x128xi32, #tpu.memory_space<vmem>> -> memref<128xi32, #tpu.memory_space<vmem>>
      %dma_start3A_1007 = arith.constant 0 : i32
      %dma_start3A_1008 = arith.constant 0 : i32
      %dma_start3A_1009 = tpu.memref_slice %arg3[%dma_start3A_1007, %dma_start3A_1008] : memref<1000000x32xf32, #tpu.memory_space<hbm>> -> memref<1000000x32xf32, #tpu.memory_space<hbm>>
      tpu.enqueue_indirect_dma source(%dma_start3A_1009 : memref<1000000x32xf32, #tpu.memory_space<hbm>>) target(%dma_start3A_1003 : memref<128x32xf32, #tpu.memory_space<vmem>>) offsets(%dma_start3A_1006 : memref<128xi32, #tpu.memory_space<vmem>>) semaphore(%arg9 : memref<!tpu.dma_semaphore, #tpu.memory_space<semaphore_mem>>)
      %dma_start3A_1010 = arith.constant 49 : i32
      %dma_start3A_1011 = arith.constant 512 : i32
      %dma_start3A_1012 = arith.constant 0 : i32
      %dma_start3A_1013 = tpu.memref_slice %arg6[%dma_start3A_1011, %dma_start3A_1012] : memref<640x32xf32, #tpu.memory_space<vmem>> -> memref<128x32xf32, #tpu.memory_space<vmem>>
      %dma_start3A_1014 = arith.constant 0 : i32
      %dma_start3A_1015 = tpu.memref_slice %arg5[%dma_start3A_1010, %dma_start3A_1014] : memref<50x128xi32, #tpu.memory_space<vmem>> -> memref<1x128xi32, #tpu.memory_space<vmem>>
      %dma_start3A_1016 = tpu.memref_squeeze %dma_start3A_1015 : memref<1x128xi32, #tpu.memory_space<vmem>> -> memref<128xi32, #tpu.memory_space<vmem>>
      %dma_start3A_1017 = arith.constant 0 : i32
      %dma_start3A_1018 = arith.constant 0 : i32
      %dma_start3A_1019 = tpu.memref_slice %arg3[%dma_start3A_1017, %dma_start3A_1018] : memref<1000000x32xf32, #tpu.memory_space<hbm>> -> memref<1000000x32xf32, #tpu.memory_space<hbm>>
      tpu.enqueue_indirect_dma source(%dma_start3A_1019 : memref<1000000x32xf32, #tpu.memory_space<hbm>>) target(%dma_start3A_1013 : memref<128x32xf32, #tpu.memory_space<vmem>>) offsets(%dma_start3A_1016 : memref<128xi32, #tpu.memory_space<vmem>>) semaphore(%arg9 : memref<!tpu.dma_semaphore, #tpu.memory_space<semaphore_mem>>)
      %mul3A_1020 = arith.constant 128 : i32
      %mul3A_1021 = arith.muli %add3A_9, %mul3A_1020 : i32
      %dma_start3A_1022 = arith.constant 0 : i32
      %dma_start3A_1023 = arith.constant 0 : i32
      %dma_start3A_1024 = tpu.memref_slice %arg7[%dma_start3A_1022, %dma_start3A_1023] : memref<640x32xf32, #tpu.memory_space<vmem>> -> memref<128x32xf32, #tpu.memory_space<vmem>>
      %dma_start3A_1025 = arith.constant 1120 : i32
      %dma_start3A_1026 = tpu.memref_slice %arg4[%mul3A_1021, %dma_start3A_1025] : memref<16384x1600xf32, #tpu.memory_space<hbm>> -> memref<128x32xf32, #tpu.memory_space<hbm>>
      %dma_start3A_1027 = arith.constant 1120 : i32
      %dma_start3A_1028 = tpu.memref_slice %arg4[%mul3A_1021, %dma_start3A_1027] : memref<16384x1600xf32, #tpu.memory_space<hbm>> -> memref<128x32xf32, #tpu.memory_space<hbm>>
      %dma_start3A_1029 = arith.constant 0 : i32
      %dma_start3A_1030 = arith.constant 0 : i32
      %dma_start3A_1031 = tpu.memref_slice %arg7[%dma_start3A_1029, %dma_start3A_1030] : memref<640x32xf32, #tpu.memory_space<vmem>> -> memref<128x32xf32, #tpu.memory_space<vmem>>
      tpu.enqueue_dma source(%dma_start3A_1031 : memref<128x32xf32, #tpu.memory_space<vmem>>) target(%dma_start3A_1028 : memref<128x32xf32, #tpu.memory_space<hbm>>) target_semaphore(%arg13 : memref<!tpu.dma_semaphore, #tpu.memory_space<semaphore_mem>>)
      %mul3A_1032 = arith.constant 128 : i32
      %mul3A_1033 = arith.muli %add3A_9, %mul3A_1032 : i32
      %dma_start3A_1034 = arith.constant 128 : i32
      %dma_start3A_1035 = arith.constant 0 : i32
      %dma_start3A_1036 = tpu.memref_slice %arg7[%dma_start3A_1034, %dma_start3A_1035] : memref<640x32xf32, #tpu.memory_space<vmem>> -> memref<128x32xf32, #tpu.memory_space<vmem>>
      %dma_start3A_1037 = arith.constant 1152 : i32
      %dma_start3A_1038 = tpu.memref_slice %arg4[%mul3A_1033, %dma_start3A_1037] : memref<16384x1600xf32, #tpu.memory_space<hbm>> -> memref<128x32xf32, #tpu.memory_space<hbm>>
      %dma_start3A_1039 = arith.constant 1152 : i32
      %dma_start3A_1040 = tpu.memref_slice %arg4[%mul3A_1033, %dma_start3A_1039] : memref<16384x1600xf32, #tpu.memory_space<hbm>> -> memref<128x32xf32, #tpu.memory_space<hbm>>
      %dma_start3A_1041 = arith.constant 128 : i32
      %dma_start3A_1042 = arith.constant 0 : i32
      %dma_start3A_1043 = tpu.memref_slice %arg7[%dma_start3A_1041, %dma_start3A_1042] : memref<640x32xf32, #tpu.memory_space<vmem>> -> memref<128x32xf32, #tpu.memory_space<vmem>>
      tpu.enqueue_dma source(%dma_start3A_1043 : memref<128x32xf32, #tpu.memory_space<vmem>>) target(%dma_start3A_1040 : memref<128x32xf32, #tpu.memory_space<hbm>>) target_semaphore(%arg13 : memref<!tpu.dma_semaphore, #tpu.memory_space<semaphore_mem>>)
      %mul3A_1044 = arith.constant 128 : i32
      %mul3A_1045 = arith.muli %add3A_9, %mul3A_1044 : i32
      %dma_start3A_1046 = arith.constant 256 : i32
      %dma_start3A_1047 = arith.constant 0 : i32
      %dma_start3A_1048 = tpu.memref_slice %arg7[%dma_start3A_1046, %dma_start3A_1047] : memref<640x32xf32, #tpu.memory_space<vmem>> -> memref<128x32xf32, #tpu.memory_space<vmem>>
      %dma_start3A_1049 = arith.constant 1184 : i32
      %dma_start3A_1050 = tpu.memref_slice %arg4[%mul3A_1045, %dma_start3A_1049] : memref<16384x1600xf32, #tpu.memory_space<hbm>> -> memref<128x32xf32, #tpu.memory_space<hbm>>
      %dma_start3A_1051 = arith.constant 1184 : i32
      %dma_start3A_1052 = tpu.memref_slice %arg4[%mul3A_1045, %dma_start3A_1051] : memref<16384x1600xf32, #tpu.memory_space<hbm>> -> memref<128x32xf32, #tpu.memory_space<hbm>>
      %dma_start3A_1053 = arith.constant 256 : i32
      %dma_start3A_1054 = arith.constant 0 : i32
      %dma_start3A_1055 = tpu.memref_slice %arg7[%dma_start3A_1053, %dma_start3A_1054] : memref<640x32xf32, #tpu.memory_space<vmem>> -> memref<128x32xf32, #tpu.memory_space<vmem>>
      tpu.enqueue_dma source(%dma_start3A_1055 : memref<128x32xf32, #tpu.memory_space<vmem>>) target(%dma_start3A_1052 : memref<128x32xf32, #tpu.memory_space<hbm>>) target_semaphore(%arg13 : memref<!tpu.dma_semaphore, #tpu.memory_space<semaphore_mem>>)
      %mul3A_1056 = arith.constant 128 : i32
      %mul3A_1057 = arith.muli %add3A_9, %mul3A_1056 : i32
      %dma_start3A_1058 = arith.constant 384 : i32
      %dma_start3A_1059 = arith.constant 0 : i32
      %dma_start3A_1060 = tpu.memref_slice %arg7[%dma_start3A_1058, %dma_start3A_1059] : memref<640x32xf32, #tpu.memory_space<vmem>> -> memref<128x32xf32, #tpu.memory_space<vmem>>
      %dma_start3A_1061 = arith.constant 1216 : i32
      %dma_start3A_1062 = tpu.memref_slice %arg4[%mul3A_1057, %dma_start3A_1061] : memref<16384x1600xf32, #tpu.memory_space<hbm>> -> memref<128x32xf32, #tpu.memory_space<hbm>>
      %dma_start3A_1063 = arith.constant 1216 : i32
      %dma_start3A_1064 = tpu.memref_slice %arg4[%mul3A_1057, %dma_start3A_1063] : memref<16384x1600xf32, #tpu.memory_space<hbm>> -> memref<128x32xf32, #tpu.memory_space<hbm>>
      %dma_start3A_1065 = arith.constant 384 : i32
      %dma_start3A_1066 = arith.constant 0 : i32
      %dma_start3A_1067 = tpu.memref_slice %arg7[%dma_start3A_1065, %dma_start3A_1066] : memref<640x32xf32, #tpu.memory_space<vmem>> -> memref<128x32xf32, #tpu.memory_space<vmem>>
      tpu.enqueue_dma source(%dma_start3A_1067 : memref<128x32xf32, #tpu.memory_space<vmem>>) target(%dma_start3A_1064 : memref<128x32xf32, #tpu.memory_space<hbm>>) target_semaphore(%arg13 : memref<!tpu.dma_semaphore, #tpu.memory_space<semaphore_mem>>)
      %mul3A_1068 = arith.constant 128 : i32
      %mul3A_1069 = arith.muli %add3A_9, %mul3A_1068 : i32
      %dma_start3A_1070 = arith.constant 512 : i32
      %dma_start3A_1071 = arith.constant 0 : i32
      %dma_start3A_1072 = tpu.memref_slice %arg7[%dma_start3A_1070, %dma_start3A_1071] : memref<640x32xf32, #tpu.memory_space<vmem>> -> memref<128x32xf32, #tpu.memory_space<vmem>>
      %dma_start3A_1073 = arith.constant 1248 : i32
      %dma_start3A_1074 = tpu.memref_slice %arg4[%mul3A_1069, %dma_start3A_1073] : memref<16384x1600xf32, #tpu.memory_space<hbm>> -> memref<128x32xf32, #tpu.memory_space<hbm>>
      %dma_start3A_1075 = arith.constant 1248 : i32
      %dma_start3A_1076 = tpu.memref_slice %arg4[%mul3A_1069, %dma_start3A_1075] : memref<16384x1600xf32, #tpu.memory_space<hbm>> -> memref<128x32xf32, #tpu.memory_space<hbm>>
      %dma_start3A_1077 = arith.constant 512 : i32
      %dma_start3A_1078 = arith.constant 0 : i32
      %dma_start3A_1079 = tpu.memref_slice %arg7[%dma_start3A_1077, %dma_start3A_1078] : memref<640x32xf32, #tpu.memory_space<vmem>> -> memref<128x32xf32, #tpu.memory_space<vmem>>
      tpu.enqueue_dma source(%dma_start3A_1079 : memref<128x32xf32, #tpu.memory_space<vmem>>) target(%dma_start3A_1076 : memref<128x32xf32, #tpu.memory_space<hbm>>) target_semaphore(%arg13 : memref<!tpu.dma_semaphore, #tpu.memory_space<semaphore_mem>>)
      %dma_wait3A_1080 = arith.constant 0 : i32
      %dma_wait3A_1081 = arith.constant 0 : i32
      %dma_wait3A_1082 = tpu.memref_slice %arg3[%dma_wait3A_1080, %dma_wait3A_1081] : memref<1000000x32xf32, #tpu.memory_space<hbm>> -> memref<640x32xf32, #tpu.memory_space<hbm>>
      %dma_wait3A_1083 = arith.constant 0 : i32
      %dma_wait3A_1084 = arith.constant 0 : i32
      %dma_wait3A_1085 = tpu.memref_slice %arg3[%dma_wait3A_1083, %dma_wait3A_1084] : memref<1000000x32xf32, #tpu.memory_space<hbm>> -> memref<640x32xf32, #tpu.memory_space<hbm>>
      tpu.wait_dma2 semaphore(%arg11 : memref<!tpu.dma_semaphore, #tpu.memory_space<semaphore_mem>>) src(%dma_wait3A_1085 : memref<640x32xf32, #tpu.memory_space<hbm>>) dst(%arg8 : memref<640x32xf32, #tpu.memory_space<vmem>>)
      %mul3A_1086 = arith.constant 128 : i32
      %mul3A_1087 = arith.muli %add3A_9, %mul3A_1086 : i32
      %dma_start3A_1088 = arith.constant 0 : i32
      %dma_start3A_1089 = arith.constant 0 : i32
      %dma_start3A_1090 = tpu.memref_slice %arg8[%dma_start3A_1088, %dma_start3A_1089] : memref<640x32xf32, #tpu.memory_space<vmem>> -> memref<128x32xf32, #tpu.memory_space<vmem>>
      %dma_start3A_1091 = arith.constant 1280 : i32
      %dma_start3A_1092 = tpu.memref_slice %arg4[%mul3A_1087, %dma_start3A_1091] : memref<16384x1600xf32, #tpu.memory_space<hbm>> -> memref<128x32xf32, #tpu.memory_space<hbm>>
      %dma_start3A_1093 = arith.constant 1280 : i32
      %dma_start3A_1094 = tpu.memref_slice %arg4[%mul3A_1087, %dma_start3A_1093] : memref<16384x1600xf32, #tpu.memory_space<hbm>> -> memref<128x32xf32, #tpu.memory_space<hbm>>
      %dma_start3A_1095 = arith.constant 0 : i32
      %dma_start3A_1096 = arith.constant 0 : i32
      %dma_start3A_1097 = tpu.memref_slice %arg8[%dma_start3A_1095, %dma_start3A_1096] : memref<640x32xf32, #tpu.memory_space<vmem>> -> memref<128x32xf32, #tpu.memory_space<vmem>>
      tpu.enqueue_dma source(%dma_start3A_1097 : memref<128x32xf32, #tpu.memory_space<vmem>>) target(%dma_start3A_1094 : memref<128x32xf32, #tpu.memory_space<hbm>>) target_semaphore(%arg14 : memref<!tpu.dma_semaphore, #tpu.memory_space<semaphore_mem>>)
      %mul3A_1098 = arith.constant 128 : i32
      %mul3A_1099 = arith.muli %add3A_9, %mul3A_1098 : i32
      %dma_start3A_1100 = arith.constant 128 : i32
      %dma_start3A_1101 = arith.constant 0 : i32
      %dma_start3A_1102 = tpu.memref_slice %arg8[%dma_start3A_1100, %dma_start3A_1101] : memref<640x32xf32, #tpu.memory_space<vmem>> -> memref<128x32xf32, #tpu.memory_space<vmem>>
      %dma_start3A_1103 = arith.constant 1312 : i32
      %dma_start3A_1104 = tpu.memref_slice %arg4[%mul3A_1099, %dma_start3A_1103] : memref<16384x1600xf32, #tpu.memory_space<hbm>> -> memref<128x32xf32, #tpu.memory_space<hbm>>
      %dma_start3A_1105 = arith.constant 1312 : i32
      %dma_start3A_1106 = tpu.memref_slice %arg4[%mul3A_1099, %dma_start3A_1105] : memref<16384x1600xf32, #tpu.memory_space<hbm>> -> memref<128x32xf32, #tpu.memory_space<hbm>>
      %dma_start3A_1107 = arith.constant 128 : i32
      %dma_start3A_1108 = arith.constant 0 : i32
      %dma_start3A_1109 = tpu.memref_slice %arg8[%dma_start3A_1107, %dma_start3A_1108] : memref<640x32xf32, #tpu.memory_space<vmem>> -> memref<128x32xf32, #tpu.memory_space<vmem>>
      tpu.enqueue_dma source(%dma_start3A_1109 : memref<128x32xf32, #tpu.memory_space<vmem>>) target(%dma_start3A_1106 : memref<128x32xf32, #tpu.memory_space<hbm>>) target_semaphore(%arg14 : memref<!tpu.dma_semaphore, #tpu.memory_space<semaphore_mem>>)
      %mul3A_1110 = arith.constant 128 : i32
      %mul3A_1111 = arith.muli %add3A_9, %mul3A_1110 : i32
      %dma_start3A_1112 = arith.constant 256 : i32
      %dma_start3A_1113 = arith.constant 0 : i32
      %dma_start3A_1114 = tpu.memref_slice %arg8[%dma_start3A_1112, %dma_start3A_1113] : memref<640x32xf32, #tpu.memory_space<vmem>> -> memref<128x32xf32, #tpu.memory_space<vmem>>
      %dma_start3A_1115 = arith.constant 1344 : i32
      %dma_start3A_1116 = tpu.memref_slice %arg4[%mul3A_1111, %dma_start3A_1115] : memref<16384x1600xf32, #tpu.memory_space<hbm>> -> memref<128x32xf32, #tpu.memory_space<hbm>>
      %dma_start3A_1117 = arith.constant 1344 : i32
      %dma_start3A_1118 = tpu.memref_slice %arg4[%mul3A_1111, %dma_start3A_1117] : memref<16384x1600xf32, #tpu.memory_space<hbm>> -> memref<128x32xf32, #tpu.memory_space<hbm>>
      %dma_start3A_1119 = arith.constant 256 : i32
      %dma_start3A_1120 = arith.constant 0 : i32
      %dma_start3A_1121 = tpu.memref_slice %arg8[%dma_start3A_1119, %dma_start3A_1120] : memref<640x32xf32, #tpu.memory_space<vmem>> -> memref<128x32xf32, #tpu.memory_space<vmem>>
      tpu.enqueue_dma source(%dma_start3A_1121 : memref<128x32xf32, #tpu.memory_space<vmem>>) target(%dma_start3A_1118 : memref<128x32xf32, #tpu.memory_space<hbm>>) target_semaphore(%arg14 : memref<!tpu.dma_semaphore, #tpu.memory_space<semaphore_mem>>)
      %mul3A_1122 = arith.constant 128 : i32
      %mul3A_1123 = arith.muli %add3A_9, %mul3A_1122 : i32
      %dma_start3A_1124 = arith.constant 384 : i32
      %dma_start3A_1125 = arith.constant 0 : i32
      %dma_start3A_1126 = tpu.memref_slice %arg8[%dma_start3A_1124, %dma_start3A_1125] : memref<640x32xf32, #tpu.memory_space<vmem>> -> memref<128x32xf32, #tpu.memory_space<vmem>>
      %dma_start3A_1127 = arith.constant 1376 : i32
      %dma_start3A_1128 = tpu.memref_slice %arg4[%mul3A_1123, %dma_start3A_1127] : memref<16384x1600xf32, #tpu.memory_space<hbm>> -> memref<128x32xf32, #tpu.memory_space<hbm>>
      %dma_start3A_1129 = arith.constant 1376 : i32
      %dma_start3A_1130 = tpu.memref_slice %arg4[%mul3A_1123, %dma_start3A_1129] : memref<16384x1600xf32, #tpu.memory_space<hbm>> -> memref<128x32xf32, #tpu.memory_space<hbm>>
      %dma_start3A_1131 = arith.constant 384 : i32
      %dma_start3A_1132 = arith.constant 0 : i32
      %dma_start3A_1133 = tpu.memref_slice %arg8[%dma_start3A_1131, %dma_start3A_1132] : memref<640x32xf32, #tpu.memory_space<vmem>> -> memref<128x32xf32, #tpu.memory_space<vmem>>
      tpu.enqueue_dma source(%dma_start3A_1133 : memref<128x32xf32, #tpu.memory_space<vmem>>) target(%dma_start3A_1130 : memref<128x32xf32, #tpu.memory_space<hbm>>) target_semaphore(%arg14 : memref<!tpu.dma_semaphore, #tpu.memory_space<semaphore_mem>>)
      %mul3A_1134 = arith.constant 128 : i32
      %mul3A_1135 = arith.muli %add3A_9, %mul3A_1134 : i32
      %dma_start3A_1136 = arith.constant 512 : i32
      %dma_start3A_1137 = arith.constant 0 : i32
      %dma_start3A_1138 = tpu.memref_slice %arg8[%dma_start3A_1136, %dma_start3A_1137] : memref<640x32xf32, #tpu.memory_space<vmem>> -> memref<128x32xf32, #tpu.memory_space<vmem>>
      %dma_start3A_1139 = arith.constant 1408 : i32
      %dma_start3A_1140 = tpu.memref_slice %arg4[%mul3A_1135, %dma_start3A_1139] : memref<16384x1600xf32, #tpu.memory_space<hbm>> -> memref<128x32xf32, #tpu.memory_space<hbm>>
      %dma_start3A_1141 = arith.constant 1408 : i32
      %dma_start3A_1142 = tpu.memref_slice %arg4[%mul3A_1135, %dma_start3A_1141] : memref<16384x1600xf32, #tpu.memory_space<hbm>> -> memref<128x32xf32, #tpu.memory_space<hbm>>
      %dma_start3A_1143 = arith.constant 512 : i32
      %dma_start3A_1144 = arith.constant 0 : i32
      %dma_start3A_1145 = tpu.memref_slice %arg8[%dma_start3A_1143, %dma_start3A_1144] : memref<640x32xf32, #tpu.memory_space<vmem>> -> memref<128x32xf32, #tpu.memory_space<vmem>>
      tpu.enqueue_dma source(%dma_start3A_1145 : memref<128x32xf32, #tpu.memory_space<vmem>>) target(%dma_start3A_1142 : memref<128x32xf32, #tpu.memory_space<hbm>>) target_semaphore(%arg14 : memref<!tpu.dma_semaphore, #tpu.memory_space<semaphore_mem>>)
      %dma_wait3A_1146 = arith.constant 0 : i32
      %dma_wait3A_1147 = arith.constant 0 : i32
      %dma_wait3A_1148 = tpu.memref_slice %arg3[%dma_wait3A_1146, %dma_wait3A_1147] : memref<1000000x32xf32, #tpu.memory_space<hbm>> -> memref<640x32xf32, #tpu.memory_space<hbm>>
      %dma_wait3A_1149 = arith.constant 0 : i32
      %dma_wait3A_1150 = arith.constant 0 : i32
      %dma_wait3A_1151 = tpu.memref_slice %arg3[%dma_wait3A_1149, %dma_wait3A_1150] : memref<1000000x32xf32, #tpu.memory_space<hbm>> -> memref<640x32xf32, #tpu.memory_space<hbm>>
      tpu.wait_dma2 semaphore(%arg9 : memref<!tpu.dma_semaphore, #tpu.memory_space<semaphore_mem>>) src(%dma_wait3A_1151 : memref<640x32xf32, #tpu.memory_space<hbm>>) dst(%arg6 : memref<640x32xf32, #tpu.memory_space<vmem>>)
      %mul3A_1152 = arith.constant 128 : i32
      %mul3A_1153 = arith.muli %add3A_9, %mul3A_1152 : i32
      %dma_start3A_1154 = arith.constant 0 : i32
      %dma_start3A_1155 = arith.constant 0 : i32
      %dma_start3A_1156 = tpu.memref_slice %arg6[%dma_start3A_1154, %dma_start3A_1155] : memref<640x32xf32, #tpu.memory_space<vmem>> -> memref<128x32xf32, #tpu.memory_space<vmem>>
      %dma_start3A_1157 = arith.constant 1440 : i32
      %dma_start3A_1158 = tpu.memref_slice %arg4[%mul3A_1153, %dma_start3A_1157] : memref<16384x1600xf32, #tpu.memory_space<hbm>> -> memref<128x32xf32, #tpu.memory_space<hbm>>
      %dma_start3A_1159 = arith.constant 1440 : i32
      %dma_start3A_1160 = tpu.memref_slice %arg4[%mul3A_1153, %dma_start3A_1159] : memref<16384x1600xf32, #tpu.memory_space<hbm>> -> memref<128x32xf32, #tpu.memory_space<hbm>>
      %dma_start3A_1161 = arith.constant 0 : i32
      %dma_start3A_1162 = arith.constant 0 : i32
      %dma_start3A_1163 = tpu.memref_slice %arg6[%dma_start3A_1161, %dma_start3A_1162] : memref<640x32xf32, #tpu.memory_space<vmem>> -> memref<128x32xf32, #tpu.memory_space<vmem>>
      tpu.enqueue_dma source(%dma_start3A_1163 : memref<128x32xf32, #tpu.memory_space<vmem>>) target(%dma_start3A_1160 : memref<128x32xf32, #tpu.memory_space<hbm>>) target_semaphore(%arg12 : memref<!tpu.dma_semaphore, #tpu.memory_space<semaphore_mem>>)
      %mul3A_1164 = arith.constant 128 : i32
      %mul3A_1165 = arith.muli %add3A_9, %mul3A_1164 : i32
      %dma_start3A_1166 = arith.constant 128 : i32
      %dma_start3A_1167 = arith.constant 0 : i32
      %dma_start3A_1168 = tpu.memref_slice %arg6[%dma_start3A_1166, %dma_start3A_1167] : memref<640x32xf32, #tpu.memory_space<vmem>> -> memref<128x32xf32, #tpu.memory_space<vmem>>
      %dma_start3A_1169 = arith.constant 1472 : i32
      %dma_start3A_1170 = tpu.memref_slice %arg4[%mul3A_1165, %dma_start3A_1169] : memref<16384x1600xf32, #tpu.memory_space<hbm>> -> memref<128x32xf32, #tpu.memory_space<hbm>>
      %dma_start3A_1171 = arith.constant 1472 : i32
      %dma_start3A_1172 = tpu.memref_slice %arg4[%mul3A_1165, %dma_start3A_1171] : memref<16384x1600xf32, #tpu.memory_space<hbm>> -> memref<128x32xf32, #tpu.memory_space<hbm>>
      %dma_start3A_1173 = arith.constant 128 : i32
      %dma_start3A_1174 = arith.constant 0 : i32
      %dma_start3A_1175 = tpu.memref_slice %arg6[%dma_start3A_1173, %dma_start3A_1174] : memref<640x32xf32, #tpu.memory_space<vmem>> -> memref<128x32xf32, #tpu.memory_space<vmem>>
      tpu.enqueue_dma source(%dma_start3A_1175 : memref<128x32xf32, #tpu.memory_space<vmem>>) target(%dma_start3A_1172 : memref<128x32xf32, #tpu.memory_space<hbm>>) target_semaphore(%arg12 : memref<!tpu.dma_semaphore, #tpu.memory_space<semaphore_mem>>)
      %mul3A_1176 = arith.constant 128 : i32
      %mul3A_1177 = arith.muli %add3A_9, %mul3A_1176 : i32
      %dma_start3A_1178 = arith.constant 256 : i32
      %dma_start3A_1179 = arith.constant 0 : i32
      %dma_start3A_1180 = tpu.memref_slice %arg6[%dma_start3A_1178, %dma_start3A_1179] : memref<640x32xf32, #tpu.memory_space<vmem>> -> memref<128x32xf32, #tpu.memory_space<vmem>>
      %dma_start3A_1181 = arith.constant 1504 : i32
      %dma_start3A_1182 = tpu.memref_slice %arg4[%mul3A_1177, %dma_start3A_1181] : memref<16384x1600xf32, #tpu.memory_space<hbm>> -> memref<128x32xf32, #tpu.memory_space<hbm>>
      %dma_start3A_1183 = arith.constant 1504 : i32
      %dma_start3A_1184 = tpu.memref_slice %arg4[%mul3A_1177, %dma_start3A_1183] : memref<16384x1600xf32, #tpu.memory_space<hbm>> -> memref<128x32xf32, #tpu.memory_space<hbm>>
      %dma_start3A_1185 = arith.constant 256 : i32
      %dma_start3A_1186 = arith.constant 0 : i32
      %dma_start3A_1187 = tpu.memref_slice %arg6[%dma_start3A_1185, %dma_start3A_1186] : memref<640x32xf32, #tpu.memory_space<vmem>> -> memref<128x32xf32, #tpu.memory_space<vmem>>
      tpu.enqueue_dma source(%dma_start3A_1187 : memref<128x32xf32, #tpu.memory_space<vmem>>) target(%dma_start3A_1184 : memref<128x32xf32, #tpu.memory_space<hbm>>) target_semaphore(%arg12 : memref<!tpu.dma_semaphore, #tpu.memory_space<semaphore_mem>>)
      %mul3A_1188 = arith.constant 128 : i32
      %mul3A_1189 = arith.muli %add3A_9, %mul3A_1188 : i32
      %dma_start3A_1190 = arith.constant 384 : i32
      %dma_start3A_1191 = arith.constant 0 : i32
      %dma_start3A_1192 = tpu.memref_slice %arg6[%dma_start3A_1190, %dma_start3A_1191] : memref<640x32xf32, #tpu.memory_space<vmem>> -> memref<128x32xf32, #tpu.memory_space<vmem>>
      %dma_start3A_1193 = arith.constant 1536 : i32
      %dma_start3A_1194 = tpu.memref_slice %arg4[%mul3A_1189, %dma_start3A_1193] : memref<16384x1600xf32, #tpu.memory_space<hbm>> -> memref<128x32xf32, #tpu.memory_space<hbm>>
      %dma_start3A_1195 = arith.constant 1536 : i32
      %dma_start3A_1196 = tpu.memref_slice %arg4[%mul3A_1189, %dma_start3A_1195] : memref<16384x1600xf32, #tpu.memory_space<hbm>> -> memref<128x32xf32, #tpu.memory_space<hbm>>
      %dma_start3A_1197 = arith.constant 384 : i32
      %dma_start3A_1198 = arith.constant 0 : i32
      %dma_start3A_1199 = tpu.memref_slice %arg6[%dma_start3A_1197, %dma_start3A_1198] : memref<640x32xf32, #tpu.memory_space<vmem>> -> memref<128x32xf32, #tpu.memory_space<vmem>>
      tpu.enqueue_dma source(%dma_start3A_1199 : memref<128x32xf32, #tpu.memory_space<vmem>>) target(%dma_start3A_1196 : memref<128x32xf32, #tpu.memory_space<hbm>>) target_semaphore(%arg12 : memref<!tpu.dma_semaphore, #tpu.memory_space<semaphore_mem>>)
      %mul3A_1200 = arith.constant 128 : i32
      %mul3A_1201 = arith.muli %add3A_9, %mul3A_1200 : i32
      %dma_start3A_1202 = arith.constant 512 : i32
      %dma_start3A_1203 = arith.constant 0 : i32
      %dma_start3A_1204 = tpu.memref_slice %arg6[%dma_start3A_1202, %dma_start3A_1203] : memref<640x32xf32, #tpu.memory_space<vmem>> -> memref<128x32xf32, #tpu.memory_space<vmem>>
      %dma_start3A_1205 = arith.constant 1568 : i32
      %dma_start3A_1206 = tpu.memref_slice %arg4[%mul3A_1201, %dma_start3A_1205] : memref<16384x1600xf32, #tpu.memory_space<hbm>> -> memref<128x32xf32, #tpu.memory_space<hbm>>
      %dma_start3A_1207 = arith.constant 1568 : i32
      %dma_start3A_1208 = tpu.memref_slice %arg4[%mul3A_1201, %dma_start3A_1207] : memref<16384x1600xf32, #tpu.memory_space<hbm>> -> memref<128x32xf32, #tpu.memory_space<hbm>>
      %dma_start3A_1209 = arith.constant 512 : i32
      %dma_start3A_1210 = arith.constant 0 : i32
      %dma_start3A_1211 = tpu.memref_slice %arg6[%dma_start3A_1209, %dma_start3A_1210] : memref<640x32xf32, #tpu.memory_space<vmem>> -> memref<128x32xf32, #tpu.memory_space<vmem>>
      tpu.enqueue_dma source(%dma_start3A_1211 : memref<128x32xf32, #tpu.memory_space<vmem>>) target(%dma_start3A_1208 : memref<128x32xf32, #tpu.memory_space<hbm>>) target_semaphore(%arg12 : memref<!tpu.dma_semaphore, #tpu.memory_space<semaphore_mem>>)
      %dma_wait3A_1212 = arith.constant 0 : i32
      %dma_wait3A_1213 = arith.constant 0 : i32
      %dma_wait3A_1214 = tpu.memref_slice %arg4[%dma_wait3A_1212, %dma_wait3A_1213] : memref<16384x1600xf32, #tpu.memory_space<hbm>> -> memref<640x32xf32, #tpu.memory_space<hbm>>
      %dma_wait3A_1215 = arith.constant 0 : i32
      %dma_wait3A_1216 = arith.constant 0 : i32
      %dma_wait3A_1217 = tpu.memref_slice %arg4[%dma_wait3A_1215, %dma_wait3A_1216] : memref<16384x1600xf32, #tpu.memory_space<hbm>> -> memref<640x32xf32, #tpu.memory_space<hbm>>
      tpu.wait_dma2 semaphore(%arg12 : memref<!tpu.dma_semaphore, #tpu.memory_space<semaphore_mem>>) src(%arg6 : memref<640x32xf32, #tpu.memory_space<vmem>>) dst(%dma_wait3A_1217 : memref<640x32xf32, #tpu.memory_space<hbm>>)
      %dma_wait3A_1218 = arith.constant 0 : i32
      %dma_wait3A_1219 = arith.constant 0 : i32
      %dma_wait3A_1220 = tpu.memref_slice %arg4[%dma_wait3A_1218, %dma_wait3A_1219] : memref<16384x1600xf32, #tpu.memory_space<hbm>> -> memref<640x32xf32, #tpu.memory_space<hbm>>
      %dma_wait3A_1221 = arith.constant 0 : i32
      %dma_wait3A_1222 = arith.constant 0 : i32
      %dma_wait3A_1223 = tpu.memref_slice %arg4[%dma_wait3A_1221, %dma_wait3A_1222] : memref<16384x1600xf32, #tpu.memory_space<hbm>> -> memref<640x32xf32, #tpu.memory_space<hbm>>
      tpu.wait_dma2 semaphore(%arg13 : memref<!tpu.dma_semaphore, #tpu.memory_space<semaphore_mem>>) src(%arg7 : memref<640x32xf32, #tpu.memory_space<vmem>>) dst(%dma_wait3A_1223 : memref<640x32xf32, #tpu.memory_space<hbm>>)
      %dma_wait3A_1224 = arith.constant 0 : i32
      %dma_wait3A_1225 = arith.constant 0 : i32
      %dma_wait3A_1226 = tpu.memref_slice %arg4[%dma_wait3A_1224, %dma_wait3A_1225] : memref<16384x1600xf32, #tpu.memory_space<hbm>> -> memref<640x32xf32, #tpu.memory_space<hbm>>
      %dma_wait3A_1227 = arith.constant 0 : i32
      %dma_wait3A_1228 = arith.constant 0 : i32
      %dma_wait3A_1229 = tpu.memref_slice %arg4[%dma_wait3A_1227, %dma_wait3A_1228] : memref<16384x1600xf32, #tpu.memory_space<hbm>> -> memref<640x32xf32, #tpu.memory_space<hbm>>
      tpu.wait_dma2 semaphore(%arg14 : memref<!tpu.dma_semaphore, #tpu.memory_space<semaphore_mem>>) src(%arg8 : memref<640x32xf32, #tpu.memory_space<vmem>>) dst(%dma_wait3A_1229 : memref<640x32xf32, #tpu.memory_space<hbm>>)
    }
    %scan3A_5 = arith.constant 4 : i32
    return
  }
}

</mosaic_0001>

<sc_bundles>
// kernel: kernel.3.cloned.1.call-start
scs
__scs_entry_jumppad:
0x0: {  	(pc) =	sbr.rel $0x88, $3  }
0x1: {  	(tag) =	ssettag $0x0;
	lr =	simm.s32 $0x1  }
0x2: {  	[smem:$0x3F9F] =	sst lr;
	_ =	strace $0xD0000000  }
0x3: {  	_ = 	snop  }
0x4: {  	_ = 	snop  }
0x5: {  	_ = 	snop  }
0x6: {  	_ = 	snop  }
0x7: {  	_ = 	snop  }
__scs_overlays_trampoline_lowered:
0x8: {  	[smem:$0x3FAE] =	sst s0  }
0x9: {  	[smem:$0x3FAF] =	sst s1  }
0xa: {  	[smem:$0x3FB0] =	sst s2  }
0xb: {  	[smem:$0x3FB1] =	sst s3  }
0xc: {  	[smem:$0x3FB2] =	sst s4  }
0xd: {  	[smem:$0x3FB3] =	sst s5  }
0xe: {  	[smem:$0x3FB4] =	sst s6  }
0xf: {  	[smem:$0x3FB5] =	sst s7  }
0x10: {  	[smem:$0x3FB6] =	sst s8  }
0x11: {  	[smem:$0x3FB7] =	sst s9;
	s0 =	simm.s32 @!p0 $0x0  }
0x12: {  	s1 =	sld [smem:$0x3F9D];
	s0 =	simm.s32 @p0 $0x1  }
0x13: {  	[smem:$0x3FB8] =	sst s0;
	s0 =	simm.s32 @!p1 $0x0  }
0x14: {  	s2 =	sld [smem:$0x3F9C];
	s0 =	simm.s32 @p1 $0x1  }
0x15: {  	[smem:$0x3FB9] =	sst s0;
	s0 =	simm.s32 @!p2 $0x0  }
0x16: {  	s3 =	sld [smem:$0x3FDB];
	s0 =	simm.s32 @p2 $0x1  }
0x17: {  	s4 =	simm.s32 $0x1BF5;
	[smem:$0x3FBB] =	sst s0  }
0x18: {  	s0 =	sld [smem:$0x3F9E];
	_ =	swait.ge [sflag:s4], $0x0  }
0x19: {  	s7 =	sld [smem:$0x3F9F]  }
0x1a: {  	s8 =	sadd.s32 $0xFFFFE003, lr  }
0x1b: {  	s9 =	sadd.s32 $0xFFFFFEF7, lr;
	s5 =	simm.s32 $0xFFFFFFFF;
	p2 =	slt.u32 s8, $0xFFFFF086  }
0x1c: {  	p1 =	slt.u32 s9, $0xF7A;
	s5 =	simm.s32 @!p2 $0x0  }
0x1d: {  	s5 =	simm.s32 @p1 $0x1;
	p0 =	seq.s32 s7, s2  }
0x1e: {  	s7 =	smul.u32 @!p0 $0xF7A, s2;
	p2 =	seq.s32 @!p0 s5, $0x0  }
0x1f: {  	s9 =	smul.u32 $0xF7A, s1;
	s8 =	simm.s32 @!p0 $0x1BF5;
	p2 =	por !p2, p0  }
0x20: {  	[sflag:s8] =	ssyncset.s32 @!p0 $0xFFFFF086;
	s6 =	sadd.s32 @!p0 s3, s7;
	s7 =	simm.s32 @!p0 $0x108  }
0x21: {  	s3 =	sadd.s32 s3, s9;
	s6 =	sadd.s32 @!p0 $0x88, s6;
	s7 =	simm.s32 @p2 $0x1082  }
0x22: {  	[simem:s7], [sflag:s8] =	dma.local @!p0 [hbm:s6], $0xF7A  }
0x23: {  	s9 =	sor.u32 $0xD0000000, s2;
	s6 =	simm.s32 $0x108;
	_ =	swait.ge @!p0 [sflag:s8], $0x0  }
0x24: {  	s3 =	sadd.s32 $0x88, s3;
	s6 =	simm.s32 @!p1 $0x1082;
	[sflag:s4] =	ssyncset.s32 $0xFFFFF086  }
0x25: {  	[simem:s6], [sflag:s4] =	dma.local [hbm:s3], $0xF7A  }
0x26: {  	[smem:$0x3F9F] =	sst s1;
	(tag) =	ssettag s2;
	_ =	strace s9  }
0x27: {  	s1 =	sld [smem:$0x3FAF]  }
0x28: {  	s2 =	sld [smem:$0x3FB0]  }
0x29: {  	s4 =	sld [smem:$0x3FB2]  }
0x2a: {  	p0 =	seq.s32 s5, $0x0;
	s5 =	sld [smem:$0x3FB3]  }
0x2b: {  	s6 =	sld [smem:$0x3FB4]  }
0x2c: {  	s7 =	sld [smem:$0x3FB5]  }
0x2d: {  	s3 =	simm.s32 $0x108;
	s8 =	sld [smem:$0x3FB6]  }
0x2e: {  	s3 =	simm.s32 @!p0 $0x1082;
	s9 =	sld [smem:$0x3FB7]  }
0x2f: {  	lr =	sadd.s32 s0, s3;
	s0 =	sld [smem:$0x3FAE]  }
0x30: {  	s3 =	sld [smem:$0x3FB1]  }
0x31: {  	[smem:$0x3FBA] =	sst s10  }
0x32: {  	s10 =	sld [smem:$0x3FB8];
	_ =	sdelay $0x3  }
0x33: {  	p0 =	seq.s32 s10, $0x1;
	s10 =	sld [smem:$0x3FBA];
	_ =	sdelay $0x3  }
0x34: {  	[smem:$0x3FBA] =	sst s10  }
0x35: {  	s10 =	sld [smem:$0x3FB9];
	_ =	sdelay $0x3  }
0x36: {  	p1 =	seq.s32 s10, $0x1;
	s10 =	sld [smem:$0x3FBA];
	_ =	sdelay $0x3  }
0x37: {  	[smem:$0x3FBA] =	sst s10  }
0x38: {  	s10 =	sld [smem:$0x3FBB]  }
0x39: {  	_ = 	snop;
	(pc) =	sbr.ind lr, $3  }
0x3a: {  	_ = 	snop  }
0x3b: {  	_ = 	snop  }
0x3c: {  	p2 =	seq.s32 s10, $0x1;
	s10 =	sld [smem:$0x3FBA]  }
0x3d: {  	_ =	shalt  }
0x3e: {  	_ =	shalt  }
0x3f: {  	_ =	shalt  }
0x40: {  	_ =	shalt  }
0x41: {  	_ =	shalt  }
0x42: {  	_ =	shalt  }
0x43: {  	_ =	shalt  }
0x44: {  	_ =	shalt  }
0x45: {  	_ =	shalt  }
0x46: {  	_ =	shalt  }
0x47: {  	_ =	shalt  }
0x48: {  	_ =	shalt  }
0x49: {  	_ =	shalt  }
0x4a: {  	_ =	shalt  }
0x4b: {  	_ =	shalt  }
0x4c: {  	_ =	shalt  }
0x4d: {  	_ =	shalt  }
0x4e: {  	_ =	shalt  }
0x4f: {  	_ =	shalt  }
0x50: {  	_ =	shalt  }
0x51: {  	_ =	shalt  }
0x52: {  	_ =	shalt  }
0x53: {  	_ =	shalt  }
0x54: {  	_ =	shalt  }
0x55: {  	_ =	shalt  }
0x56: {  	_ =	shalt  }
0x57: {  	_ =	shalt  }
0x58: {  	_ =	shalt  }
0x59: {  	_ =	shalt  }
0x5a: {  	_ =	shalt  }
0x5b: {  	_ =	shalt  }
0x5c: {  	_ =	shalt  }
0x5d: {  	_ =	shalt  }
0x5e: {  	_ =	shalt  }
0x5f: {  	_ =	shalt  }
0x60: {  	_ =	shalt  }
0x61: {  	_ =	shalt  }
0x62: {  	_ =	shalt  }
0x63: {  	_ =	shalt  }
0x64: {  	_ =	shalt  }
0x65: {  	_ =	shalt  }
0x66: {  	_ =	shalt  }
0x67: {  	_ =	shalt  }
0x68: {  	_ =	shalt  }
0x69: {  	_ =	shalt  }
0x6a: {  	_ =	shalt  }
0x6b: {  	_ =	shalt  }
0x6c: {  	_ =	shalt  }
0x6d: {  	_ =	shalt  }
0x6e: {  	_ =	shalt  }
0x6f: {  	_ =	shalt  }
0x70: {  	_ =	shalt  }
0x71: {  	_ =	shalt  }
0x72: {  	_ =	shalt  }
0x73: {  	_ =	shalt  }
0x74: {  	_ =	shalt  }
0x75: {  	_ =	shalt  }
0x76: {  	_ =	shalt  }
0x77: {  	_ =	shalt  }
0x78: {  	_ =	shalt  }
0x79: {  	_ =	shalt  }
0x7a: {  	_ =	shalt  }
0x7b: {  	_ =	shalt  }
0x7c: {  	_ =	shalt  }
0x7d: {  	_ =	shalt  }
0x7e: {  	_ =	shalt  }
0x7f: {  	_ =	shalt  }
0x80: {  	_ =	shalt  }
0x81: {  	_ =	shalt  }
0x82: {  	_ =	shalt  }
0x83: {  	_ =	shalt  }
0x84: {  	_ =	shalt  }
0x85: {  	_ =	shalt  }
0x86: {  	_ =	shalt  }
0x87: {  	_ =	shalt  }
.Lfunc_end0:
.L_simem_size_0:
called_computation.1_lowered:
.L_overlay_start_0:
0x88: {  	s2 =	sld [smem:$0x3FD9]  }
0x89: {  	s3 =	sld [smem:$0x3FFE];
	_ =	sdelay $0x1  }
0x8a: {  	s1 =	srdreg.scid  }
0x8b: {  	s0 =	sand.u32 $0x1, s1  }
0x8c: {  	s17 =	sshll.u32 s0, $0xA;
	s2 =	sadd.s32 s3, s2  }
0x8d: {  	s2 =	sadd.s32 s2, s17  }
0x8e: {  	[smem:$0x3FC6] =	sst s2  }
0x8f: {  	_ = 	snop  }
0x90: {  	s2 =	sld [smem:$0x3FD0];
	(tm) =	ssettm $0x1  }
0x91: {  	s18 =	sld [smem:$0x3FFB];
	_ =	sdelay $0x3  }
0x92: {  	_ =	strace s18  }
0x93: {  	s3 =	sld [smem:$0x3FFC];
	_ =	sdelay $0x3  }
0x94: {  	_ =	strace s3  }
0x95: {  	s3 =	sld [smem:$0x3FFD];
	_ =	sdelay $0x3  }
0x96: {  	_ =	strace s3  }
0x97: {  	_ =	strace $0x8FFFFFFF  }
0x98: {  	s19 =	sld [smem:$0x3FDB];
	_ =	sdelay $0x1  }
0x99: {  	s4 =	simm.s32 $_scs_section_size  }
0x9a: {  	s5 =	simm.s32 $_size__tile_overlayer_lowered;
	s6 =	simm.s32 $_tile_overlayer_lowered  }
0x9b: {  	s22 =	simm.s32 $0x1BFF;
	s21 =	sshll.u32 s6, $0x1;
	s3 =	sadd.s32 s4, s19  }
0x9c: {  	s7 =	simm.s32 $0x0;
	s20 =	sshll.u32 s5, $0x1;
	s5 =	sadd.s32 s21, s3  }
0x9d: {  	[timem:s7], [sflag:s22] =	dma.local [hbm:s5], s20  }
0x9e: {  	_ =	swait.ge [sflag:s22], s20  }
0x9f: {  	s4 =	ssub.s32 $0x0, s20;
	[sflag:s22] =	ssyncset.done $0x0  }
0xa0: {  	[sflag:s22] =	ssyncadd.s32 s4;
	_ =	sdelay $0x1  }
0xa1: {  	s23 =	simm.s32 $0x1B8B  }
0xa2: {  	_ =	swait.ge [sflag:s23], $0x1  }
0xa3: {  	[sflag:s23] =	ssyncset.done $0x0  }
0xa4: {  	s25 =	simm.s32 $0x1B8E;
	s24 =	sld [smem:$0x3FFE];
	[sflag:s23] =	ssyncadd.s32 $0xFFFFFFFF  }
0xa5: {  	s26 =	simm.s32 $execute0_lowered;
	[smem:$0x3FD2] =	sst s25  }
0xa6: {  	s5 =	sshll.u32 s26, $0x1;
	_ =	strace $0x80000046;
	[dreg:$0x1] =	wrdreg $0xFFFFFFFF  }
0xa7: {  	s28 =	simm.s32 $_size_execute0_lowered;
	s3 =	sadd.s32 s3, s5;
	[dreg:$0x0] =	wrdreg $0x0  }
0xa8: {  	s5 =	sshll.u32 s28, $0x1;
	[dreg:$0x2] =	wrdreg s3  }
0xa9: {  	[dreg:$0x3] =	wrdreg s5  }
0xaa: {  	[dreg:$0x4] =	wrdreg $0xC0  }
0xab: {  	_ =	task [dreg:s7], $0x5FFFF  }
0xac: {  	[dreg:$0x1] =	wrdreg $0xFFFFFFFF  }
0xad: {  	[dreg:$0x0] =	wrdreg $0x60  }
0xae: {  	[dreg:$0x2] =	wrdreg s24  }
0xaf: {  	[dreg:$0x3] =	wrdreg s2  }
0xb0: {  	[dreg:$0x4] =	wrdreg $0x9  }
0xb1: {  	_ =	task.clear_ibuf [dreg:s7], $0x5FFFF;
	_ =	strace $0x90000046  }
0xb2: {  	s29 =	simm.s32 $0x9;
	_ =	strace $0x80000048  }
0xb3: {  	_ =	swait.ge [sflag:s29], $0x1  }
0xb4: {  	[sflag:s29] =	ssyncadd.s32 $0xFFFFFFFF  }
0xb5: {  	_ =	strace $0x90000048  }
0xb6: {  	_ =	sfence  }
0xb7: {  	s30 =	sld [smem:$0x0];
	_ =	sdelay $0x2  }
0xb8: {  	s31 =	sshll.u32 s1, $0xD;
	s1 =	sshrl.u32 s1, $0x2  }
0xb9: {  	s3 =	sand.u32 $0x4000, s31;
	s1 =	sadd.s32 s1, s30  }
0xba: {  	s0 =	sor.u32 s3, s0;
	s1 =	sshll.u32 s1, $0x11  }
0xbb: {  	s0 =	sor.u32 s1, s0  }
0xbc: {  	s0 =	sadd.s32 $0x8F2B, s0  }
0xbd: {  	[sflag:s0] =	ssyncadd.remote.s32 $0x1  }
0xbe: {  	_ =	sfence.sel $0xFFFF  }
0xbf: {  	[dreg:$0x0] =	wrdreg $0xFFFFFFFF;
	(pc) =	sbr.abs _section_cstart, $3  }
0xc0: {  	[dreg:$0x1] =	wrdreg $0xFFFFFFFF  }
0xc1: {  	_ =	task.clear_ibuf [dreg:s7], $0x2FFFF;
	_ =	strace $0x9FFFFFFF  }
0xc2: {  	(tm) =	ssettm $0x7FFFFFFF  }
0xc3: {  	_ =	shalt  }
tec
execute0_lowered:
.L_overlay_start_1:
0x0: {  	(tag) =	ssettag $0x1  }
0x1: {  	s1 =	rddreg [dreg:$0x0]  }
0x2: {  	s2 =	rddreg [dreg:$0x1];
	s6 =	simm.s32 $0x0  }
0x3: {  	s19 =	simm.s32 $0x4000;
	[smem:$0x7FF] =	sst s6  }
0x4: {  	s20 =	simm.s32 $0x100;
	_ =	strace $0x80000047;
	[dreg:$0x4] =	wrdreg s19  }
0x5: {  	s21 =	simm.s32 $0x180;
	[dreg:$0x5] =	wrdreg s20  }
0x6: {  	s22 =	simm.s32 $0x200;
	[dreg:$0x6] =	wrdreg s21  }
0x7: {  	s23 =	simm.s32 $0x280;
	[dreg:$0x7] =	wrdreg s22  }
0x8: {  	s24 =	simm.s32 $0x300;
	[dreg:$0x8] =	wrdreg s23  }
0x9: {  	s25 =	simm.s32 $0x380;
	[dreg:$0x9] =	wrdreg s24  }
0xa: {  	s26 =	simm.s32 $0x400;
	[dreg:$0xa] =	wrdreg s25  }
0xb: {  	s6 =	simm.s32 $0x580;
	[dreg:$0xb] =	wrdreg s26  }
0xc: {  	s7 =	simm.s32 $0x600;
	[dreg:$0xe] =	wrdreg s6  }
0xd: {  	s8 =	simm.s32 $0x680;
	[dreg:$0xf] =	wrdreg s7  }
0xe: {  	s9 =	simm.s32 $0x700;
	[dreg:$0x10] =	wrdreg s8  }
0xf: {  	s10 =	simm.s32 $0x780;
	[dreg:$0x11] =	wrdreg s9  }
0x10: {  	s11 =	simm.s32 $0x800;
	[dreg:$0x12] =	wrdreg s10  }
0x11: {  	s12 =	simm.s32 $0x880;
	[dreg:$0x13] =	wrdreg s11  }
0x12: {  	s13 =	simm.s32 $0x900;
	[dreg:$0x14] =	wrdreg s12  }
0x13: {  	s14 =	simm.s32 $0x980;
	[dreg:$0x15] =	wrdreg s13  }
0x14: {  	s15 =	simm.s32 $0xA00;
	[dreg:$0x16] =	wrdreg s14  }
0x15: {  	s5 =	stileid.u32;
	s16 =	simm.s32 $0xA80;
	[dreg:$0x17] =	wrdreg s15  }
0x16: {  	s18 =	simm.s32 $0xB00;
	s3 =	smul.u32 $0x32000, s5;
	[dreg:$0x18] =	wrdreg s16  }
0x17: {  	s17 =	sshll.u32 s5, $0x7;
	s5 =	simm.s32 $0xE00;
	[dreg:$0x19] =	wrdreg s18  }
0x18: {  	s20 =	simm.s32 $0xB80;
	[dreg:$0x1f] =	wrdreg s5  }
0x19: {  	s21 =	simm.s32 $0xC00;
	[dreg:$0x1a] =	wrdreg s20  }
0x1a: {  	s23 =	simm.s32 $0xC80;
	[dreg:$0x1b] =	wrdreg s21  }
0x1b: {  	s25 =	simm.s32 $0xD00;
	[dreg:$0x1c] =	wrdreg s23  }
0x1c: {  	s26 =	simm.s32 $0xD80;
	[dreg:$0x1d] =	wrdreg s25  }
0x1d: {  	s0 =	srdreg.scid;
	s6 =	simm.s32 $0xE80;
	[dreg:$0x1e] =	wrdreg s26  }
0x1e: {  	s28 =	simm.s32 $0x4;
	s7 =	simm.s32 $0xF00;
	[smem:$0x7E8] =	sst s6  }
0x1f: {  	s29 =	simm.s32 $0x3;
	s8 =	simm.s32 $0xF80;
	[smem:$0x7EA] =	sst s7  }
0x20: {  	s30 =	simm.s32 $0x5;
	s9 =	simm.s32 $0x1000;
	[smem:$0x7EB] =	sst s8  }
0x21: {  	s31 =	simm.s32 $0x6;
	s10 =	simm.s32 $0x1080;
	[smem:$0x7EC] =	sst s9  }
0x22: {  	s0 =	sand.u32 $0x1, s0;
	s11 =	simm.s32 $0x1100;
	[smem:$0x7ED] =	sst s10  }
0x23: {  	s4 =	smul.u32 $0x19000, s0;
	s12 =	simm.s32 $0x1180;
	[smem:$0x7EE] =	sst s11  }
0x24: {  	s19 =	sadd.s32 s17, s1;
	s13 =	simm.s32 $0x1200;
	[smem:$0x7EF] =	sst s12  }
0x25: {  	s22 =	ssub.s32 $0x2, s0;
	s14 =	simm.s32 $0x1280;
	[smem:$0x7F0] =	sst s13  }
0x26: {  	s0 =	sshll.u32 s0, $0x6;
	s15 =	simm.s32 $0x1300;
	[smem:$0x7F1] =	sst s14  }
0x27: {  	s16 =	simm.s32 $0x1380;
	s17 =	simm.s32 $0x1400;
	[smem:$0x7F2] =	sst s15  }
0x28: {  	s18 =	simm.s32 $0x1480;
	s2 =	sadd.s32 s3, s2;
	[smem:$0x7F3] =	sst s16  }
0x29: {  	s3 =	simm.s32 $0x480;
	s24 =	sshrl.u32 s22, $0x1;
	[smem:$0x7F4] =	sst s17  }
0x2a: {  	s0 =	sadd.s32 s0, s19;
	s6 =	simm.s32 $0x80;
	[smem:$0x7F5] =	sst s18  }
0x2b: {  	s8 =	simm.s32 $0x1900;
	s19 =	simm.s32 $0x1500;
	[dreg:$0xc] =	wrdreg s3  }
0x2c: {  	s9 =	simm.s32 $0x2900;
	s20 =	simm.s32 $0x1580;
	[smem:$0x7F6] =	sst s19  }
0x2d: {  	s10 =	simm.s32 $0x3900;
	s21 =	simm.s32 $0x1600;
	[smem:$0x7F7] =	sst s20  }
0x2e: {  	s11 =	simm.s32 $0x4900;
	s23 =	simm.s32 $0x1700;
	[smem:$0x7F8] =	sst s21  }
0x2f: {  	s12 =	simm.s32 $0x5900;
	s25 =	simm.s32 $0x1800;
	[smem:$0x7FA] =	sst s23  }
0x30: {  	s18 =	simm.s32 $0x1;
	s26 =	simm.s32 $0x1880;
	[smem:$0x7FC] =	sst s25  }
0x31: {  	s2 =	sadd.s32 s4, s2;
	s4 =	simm.s32 $0x500;
	[smem:$0x7FD] =	sst s26  }
0x32: {  	s3 =	sadd.s32 $0xF42E00, s1;
	s0 =	sadd.s32 $0xA00, s0;
	[dreg:$0x3] =	wrdreg s2  }
0x33: {  	s25 =	simm.s32 $0x640;
	s26 =	simm.s32 $0x2;
	[dreg:$0xd] =	wrdreg s4  }
0x34: {  	s2 =	ssub.s32 s22, s24;
	[smem:$0x7E9] =	sst s0;
	s22 =	simm.s32 $0x1680  }
0x35: {  	s1 =	simm.s32 $0x0;
	s24 =	simm.s32 $0x1780;
	[smem:$0x7F9] =	sst s22  }
0x36: {  	s23 =	simm.s32 $0xE900;
	s2 =	smax.u32 s2, $0x1;
	[smem:$0x7FB] =	sst s24  }
0x37: {  	s24 =	simm.s32 $0x20;
	s22 =	simm.s32 $0xD900;
	[smem:$0x7E7] =	sst s2  }
.LBB2_1:
0x38: {  	s5 =	sld [smem:$0x7E9]  }
0x39: {  	[smem:$0x7E6] =	sst s1  }
0x3a: {  	s0 =	rddreg [dreg:$0x4];
	s20 =	simm.s32 $0x0;
	s21 =	simm.s32 $0x7  }
0x3b: {  	[tilespmem:s20], [sflag:$0x7] =	stream.strided.gather [hbm4b:s5+s6], $0x1900, s0, s6, $0x38;
	[tilespmem:$0x10900] =	vst v63  }
0x3c: {  	_ =	swait.ge [sflag:s21], $0x1900  }
0x3d: {  	[sflag:s21] =	ssyncset.done $0x0  }
0x3e: {  	[sflag:s21] =	ssyncadd.s32 $0xFFFFE700  }
0x3f: {  	[tilespmem:s8], [sflag:$0x1] =	stream.indirect.gather [hbm4b:s3+s6], $0x20, s20, s6, $0xb8;
	[tilespmem:$0x10900] =	vst v63  }
0x40: {  	_ = 	snop  }
0x41: {  	[tilespmem:s9], [sflag:$0x1] =	stream.indirect.gather [hbm4b:s3+s6], $0x20, s6, s6, $0xb8;
	[tilespmem:$0x10900] =	vst v63  }
0x42: {  	s2 =	rddreg [dreg:$0x5]  }
0x43: {  	[tilespmem:s10], [sflag:$0x1] =	stream.indirect.gather [hbm4b:s3+s6], $0x20, s2, s6, $0xb8;
	[tilespmem:$0x10900] =	vst v63  }
0x44: {  	s4 =	rddreg [dreg:$0x6]  }
0x45: {  	[tilespmem:s11], [sflag:$0x1] =	stream.indirect.gather [hbm4b:s3+s6], $0x20, s4, s6, $0xb8;
	[tilespmem:$0x10900] =	vst v63  }
0x46: {  	s7 =	rddreg [dreg:$0x7]  }
0x47: {  	[tilespmem:s12], [sflag:$0x1] =	stream.indirect.gather [hbm4b:s3+s6], $0x20, s7, s6, $0xb8;
	[tilespmem:$0x10900] =	vst v63  }
0x48: {  	s13 =	rddreg [dreg:$0x8];
	s4 =	simm.s32 $0x6900  }
0x49: {  	[tilespmem:s4], [sflag:$0x2] =	stream.indirect.gather [hbm4b:s3+s6], $0x20, s13, s6, $0xb8;
	[tilespmem:$0x10900] =	vst v63  }
0x4a: {  	s14 =	rddreg [dreg:$0x9];
	s7 =	simm.s32 $0x7900  }
0x4b: {  	[tilespmem:s7], [sflag:$0x2] =	stream.indirect.gather [hbm4b:s3+s6], $0x20, s14, s6, $0xb8;
	[tilespmem:$0x10900] =	vst v63  }
0x4c: {  	s15 =	rddreg [dreg:$0xa];
	s13 =	simm.s32 $0x8900  }
0x4d: {  	[tilespmem:s13], [sflag:$0x2] =	stream.indirect.gather [hbm4b:s3+s6], $0x20, s15, s6, $0xb8;
	[tilespmem:$0x10900] =	vst v63  }
0x4e: {  	s16 =	rddreg [dreg:$0xb];
	s14 =	simm.s32 $0x9900  }
0x4f: {  	[tilespmem:s14], [sflag:$0x2] =	stream.indirect.gather [hbm4b:s3+s6], $0x20, s16, s6, $0xb8;
	[tilespmem:$0x10900] =	vst v63  }
0x50: {  	s17 =	rddreg [dreg:$0xc];
	s15 =	simm.s32 $0xA900  }
0x51: {  	[tilespmem:s15], [sflag:$0x2] =	stream.indirect.gather [hbm4b:s3+s6], $0x20, s17, s6, $0xb8;
	[tilespmem:$0x10900] =	vst v63  }
0x52: {  	_ =	swait.ge [sflag:s18], $0x5000  }
0x53: {  	s19 =	rddreg [dreg:$0xd];
	[sflag:s18] =	ssyncset.done $0x0  }
0x54: {  	s16 =	simm.s32 $0xB900;
	s1 =	rddreg [dreg:$0x3];
	[sflag:s18] =	ssyncadd.s32 $0xFFFFB000  }
0x55: {  	[tilespmem:s16], [sflag:$0x3] =	stream.indirect.gather [hbm4b:s3+s6], $0x20, s19, s6, $0xb8;
	[tilespmem:$0x10900] =	vst v63  }
0x56: {  	s17 =	simm.s32 $0xC900;
	s2 =	rddreg [dreg:$0xe]  }
0x57: {  	[tilespmem:s17], [sflag:$0x3] =	stream.indirect.gather [hbm4b:s3+s6], $0x20, s2, s6, $0xb8;
	[tilespmem:$0x10900] =	vst v63  }
0x58: {  	s20 =	rddreg [dreg:$0xf];
	s19 =	simm.s32 $0xD900  }
0x59: {  	[tilespmem:s19], [sflag:$0x3] =	stream.indirect.gather [hbm4b:s3+s6], $0x20, s20, s6, $0xb8;
	[tilespmem:$0x10900] =	vst v63  }
0x5a: {  	s21 =	rddreg [dreg:$0x10];
	s20 =	simm.s32 $0xE900  }
0x5b: {  	[tilespmem:s20], [sflag:$0x3] =	stream.indirect.gather [hbm4b:s3+s6], $0x20, s21, s6, $0xb8;
	[tilespmem:$0x10900] =	vst v63  }
0x5c: {  	s0 =	rddreg [dreg:$0x11];
	s21 =	simm.s32 $0xF900  }
0x5d: {  	[tilespmem:s21], [sflag:$0x3] =	stream.indirect.gather [hbm4b:s3+s6], $0x20, s0, s6, $0xb8;
	[tilespmem:$0x10900] =	vst v63  }
0x5e: {  	s0 =	sadd.s32 $0x0, s1  }
0x5f: {  	[hbm4b:s0+s24] =	stream.strided.scatter [tilespmem:s8], [sflag:$0x4], $0x1000, s25, s24, $0x38;
	[tilespmem:$0x10900] =	vst v63  }
0x60: {  	s1 =	sadd.s32 $0x4, s0  }
0x61: {  	[hbm4b:s1+s24] =	stream.strided.scatter [tilespmem:s9], [sflag:$0x4], $0x1000, s25, s24, $0x38;
	[tilespmem:$0x10900] =	vst v63  }
0x62: {  	s2 =	sadd.s32 $0x8, s0  }
0x63: {  	[hbm4b:s2+s24] =	stream.strided.scatter [tilespmem:s10], [sflag:$0x4], $0x1000, s25, s24, $0x38;
	[tilespmem:$0x10900] =	vst v63  }
0x64: {  	s2 =	sadd.s32 $0xC, s0  }
0x65: {  	[hbm4b:s2+s24] =	stream.strided.scatter [tilespmem:s11], [sflag:$0x4], $0x1000, s25, s24, $0x38;
	[tilespmem:$0x10900] =	vst v63  }
0x66: {  	s2 =	sadd.s32 $0x10, s0  }
0x67: {  	[hbm4b:s2+s24] =	stream.strided.scatter [tilespmem:s12], [sflag:$0x4], $0x1000, s25, s24, $0x38;
	[tilespmem:$0x10900] =	vst v63  }
0x68: {  	_ =	swait.ge [sflag:s26], $0x5000  }
0x69: {  	[sflag:s26] =	ssyncset.done $0x0  }
0x6a: {  	[sflag:s26] =	ssyncadd.s32 $0xFFFFB000  }
0x6b: {  	_ =	swait.ge [sflag:s28], $0x5000  }
0x6c: {  	[sflag:s28] =	ssyncset.done $0x0  }
0x6d: {  	s1 =	rddreg [dreg:$0x12];
	[sflag:s28] =	ssyncadd.s32 $0xFFFFB000  }
0x6e: {  	[tilespmem:s8], [sflag:$0x1] =	stream.indirect.gather [hbm4b:s3+s6], $0x20, s1, s6, $0xb8;
	[tilespmem:$0x10900] =	vst v63  }
0x6f: {  	s2 =	rddreg [dreg:$0x13]  }
0x70: {  	[tilespmem:s9], [sflag:$0x1] =	stream.indirect.gather [hbm4b:s3+s6], $0x20, s2, s6, $0xb8;
	[tilespmem:$0x10900] =	vst v63  }
0x71: {  	s1 =	rddreg [dreg:$0x14]  }
0x72: {  	[tilespmem:s10], [sflag:$0x1] =	stream.indirect.gather [hbm4b:s3+s6], $0x20, s1, s6, $0xb8;
	[tilespmem:$0x10900] =	vst v63  }
0x73: {  	s2 =	rddreg [dreg:$0x15]  }
0x74: {  	[tilespmem:s11], [sflag:$0x1] =	stream.indirect.gather [hbm4b:s3+s6], $0x20, s2, s6, $0xb8;
	[tilespmem:$0x10900] =	vst v63  }
0x75: {  	s1 =	rddreg [dreg:$0x16]  }
0x76: {  	[tilespmem:s12], [sflag:$0x1] =	stream.indirect.gather [hbm4b:s3+s6], $0x20, s1, s6, $0xb8;
	[tilespmem:$0x10900] =	vst v63  }
0x77: {  	s2 =	sadd.s32 $0x14, s0  }
0x78: {  	[hbm4b:s2+s24] =	stream.strided.scatter [tilespmem:s4], [sflag:$0x5], $0x1000, s25, s24, $0x38;
	[tilespmem:$0x10900] =	vst v63  }
0x79: {  	s2 =	sadd.s32 $0x18, s0  }
0x7a: {  	[hbm4b:s2+s24] =	stream.strided.scatter [tilespmem:s7], [sflag:$0x5], $0x1000, s25, s24, $0x38;
	[tilespmem:$0x10900] =	vst v63  }
0x7b: {  	s2 =	sadd.s32 $0x1C, s0  }
0x7c: {  	[hbm4b:s2+s24] =	stream.strided.scatter [tilespmem:s13], [sflag:$0x5], $0x1000, s25, s24, $0x38;
	[tilespmem:$0x10900] =	vst v63  }
0x7d: {  	s2 =	sadd.s32 $0x20, s0  }
0x7e: {  	[hbm4b:s2+s24] =	stream.strided.scatter [tilespmem:s14], [sflag:$0x5], $0x1000, s25, s24, $0x38;
	[tilespmem:$0x10900] =	vst v63  }
0x7f: {  	s2 =	sadd.s32 $0x24, s0  }
0x80: {  	[hbm4b:s2+s24] =	stream.strided.scatter [tilespmem:s15], [sflag:$0x5], $0x1000, s25, s24, $0x38;
	[tilespmem:$0x10900] =	vst v63  }
0x81: {  	_ =	swait.ge [sflag:s29], $0x5000  }
0x82: {  	[sflag:s29] =	ssyncset.done $0x0  }
0x83: {  	[sflag:s29] =	ssyncadd.s32 $0xFFFFB000  }
0x84: {  	_ =	swait.ge [sflag:s30], $0x5000  }
0x85: {  	[sflag:s30] =	ssyncset.done $0x0  }
0x86: {  	s1 =	rddreg [dreg:$0x17];
	[sflag:s30] =	ssyncadd.s32 $0xFFFFB000  }
0x87: {  	[tilespmem:s4], [sflag:$0x2] =	stream.indirect.gather [hbm4b:s3+s6], $0x20, s1, s6, $0xb8;
	[tilespmem:$0x10900] =	vst v63  }
0x88: {  	s2 =	rddreg [dreg:$0x18]  }
0x89: {  	[tilespmem:s7], [sflag:$0x2] =	stream.indirect.gather [hbm4b:s3+s6], $0x20, s2, s6, $0xb8;
	[tilespmem:$0x10900] =	vst v63  }
0x8a: {  	s1 =	rddreg [dreg:$0x19]  }
0x8b: {  	[tilespmem:s13], [sflag:$0x2] =	stream.indirect.gather [hbm4b:s3+s6], $0x20, s1, s6, $0xb8;
	[tilespmem:$0x10900] =	vst v63  }
0x8c: {  	s2 =	rddreg [dreg:$0x1a]  }
0x8d: {  	[tilespmem:s14], [sflag:$0x2] =	stream.indirect.gather [hbm4b:s3+s6], $0x20, s2, s6, $0xb8;
	[tilespmem:$0x10900] =	vst v63  }
0x8e: {  	s1 =	rddreg [dreg:$0x1b]  }
0x8f: {  	[tilespmem:s15], [sflag:$0x2] =	stream.indirect.gather [hbm4b:s3+s6], $0x20, s1, s6, $0xb8;
	[tilespmem:$0x10900] =	vst v63  }
0x90: {  	s2 =	sadd.s32 $0x28, s0  }
0x91: {  	[hbm4b:s2+s24] =	stream.strided.scatter [tilespmem:s16], [sflag:$0x6], $0x1000, s25, s24, $0x38;
	[tilespmem:$0x10900] =	vst v63  }
0x92: {  	s2 =	sadd.s32 $0x2C, s0  }
0x93: {  	[hbm4b:s2+s24] =	stream.strided.scatter [tilespmem:s17], [sflag:$0x6], $0x1000, s25, s24, $0x38;
	[tilespmem:$0x10900] =	vst v63  }
0x94: {  	s2 =	sadd.s32 $0x30, s0  }
0x95: {  	[hbm4b:s2+s24] =	stream.strided.scatter [tilespmem:s19], [sflag:$0x6], $0x1000, s25, s24, $0x38;
	[tilespmem:$0x10900] =	vst v63  }
0x96: {  	s2 =	sadd.s32 $0x34, s0  }
0x97: {  	[hbm4b:s2+s24] =	stream.strided.scatter [tilespmem:s20], [sflag:$0x6], $0x1000, s25, s24, $0x38;
	[tilespmem:$0x10900] =	vst v63  }
0x98: {  	s2 =	sadd.s32 $0x38, s0  }
0x99: {  	[hbm4b:s2+s24] =	stream.strided.scatter [tilespmem:s21], [sflag:$0x6], $0x1000, s25, s24, $0x38;
	[tilespmem:$0x10900] =	vst v63  }
0x9a: {  	_ =	swait.ge [sflag:s18], $0x5000  }
0x9b: {  	[sflag:s18] =	ssyncset.done $0x0  }
0x9c: {  	[sflag:s18] =	ssyncadd.s32 $0xFFFFB000  }
0x9d: {  	_ =	swait.ge [sflag:s31], $0x5000  }
0x9e: {  	s1 =	rddreg [dreg:$0x1c];
	[sflag:s31] =	ssyncset.done $0x0  }
0x9f: {  	s2 =	rddreg [dreg:$0x1d];
	[sflag:s31] =	ssyncadd.s32 $0xFFFFB000  }
0xa0: {  	[tilespmem:s16], [sflag:$0x3] =	stream.indirect.gather [hbm4b:s3+s6], $0x20, s1, s6, $0xb8;
	[tilespmem:$0x10900] =	vst v63  }
0xa1: {  	s1 =	rddreg [dreg:$0x1e]  }
0xa2: {  	[tilespmem:s17], [sflag:$0x3] =	stream.indirect.gather [hbm4b:s3+s6], $0x20, s2, s6, $0xb8;
	[tilespmem:$0x10900] =	vst v63  }
0xa3: {  	s2 =	rddreg [dreg:$0x1f]  }
0xa4: {  	[tilespmem:s19], [sflag:$0x3] =	stream.indirect.gather [hbm4b:s3+s6], $0x20, s1, s6, $0xb8;
	[tilespmem:$0x10900] =	vst v63  }
0xa5: {  	s1 =	sld [smem:$0x7E8]  }
0xa6: {  	[tilespmem:s20], [sflag:$0x3] =	stream.indirect.gather [hbm4b:s3+s6], $0x20, s2, s6, $0xb8;
	[tilespmem:$0x10900] =	vst v63  }
0xa7: {  	_ = 	snop  }
0xa8: {  	[tilespmem:s21], [sflag:$0x3] =	stream.indirect.gather [hbm4b:s3+s6], $0x20, s1, s6, $0xb8;
	[tilespmem:$0x10900] =	vst v63  }
0xa9: {  	s2 =	sadd.s32 $0x3C, s0  }
0xaa: {  	[hbm4b:s2+s24] =	stream.strided.scatter [tilespmem:s8], [sflag:$0x4], $0x1000, s25, s24, $0x38;
	[tilespmem:$0x10900] =	vst v63  }
0xab: {  	s2 =	sadd.s32 $0x40, s0  }
0xac: {  	[hbm4b:s2+s24] =	stream.strided.scatter [tilespmem:s9], [sflag:$0x4], $0x1000, s25, s24, $0x38;
	[tilespmem:$0x10900] =	vst v63  }
0xad: {  	s2 =	sadd.s32 $0x44, s0  }
0xae: {  	[hbm4b:s2+s24] =	stream.strided.scatter [tilespmem:s10], [sflag:$0x4], $0x1000, s25, s24, $0x38;
	[tilespmem:$0x10900] =	vst v63  }
0xaf: {  	s2 =	sadd.s32 $0x48, s0  }
0xb0: {  	[hbm4b:s2+s24] =	stream.strided.scatter [tilespmem:s11], [sflag:$0x4], $0x1000, s25, s24, $0x38;
	[tilespmem:$0x10900] =	vst v63  }
0xb1: {  	s2 =	sadd.s32 $0x4C, s0  }
0xb2: {  	[hbm4b:s2+s24] =	stream.strided.scatter [tilespmem:s12], [sflag:$0x4], $0x1000, s25, s24, $0x38;
	[tilespmem:$0x10900] =	vst v63  }
0xb3: {  	_ =	swait.ge [sflag:s26], $0x5000  }
0xb4: {  	[sflag:s26] =	ssyncset.done $0x0  }
0xb5: {  	[sflag:s26] =	ssyncadd.s32 $0xFFFFB000  }
0xb6: {  	_ =	swait.ge [sflag:s28], $0x5000  }
0xb7: {  	s1 =	sld [smem:$0x7EA]  }
0xb8: {  	[sflag:s28] =	ssyncset.done $0x0  }
0xb9: {  	s2 =	sld [smem:$0x7EB];
	[sflag:s28] =	ssyncadd.s32 $0xFFFFB000  }
0xba: {  	[tilespmem:s8], [sflag:$0x1] =	stream.indirect.gather [hbm4b:s3+s6], $0x20, s1, s6, $0xb8;
	[tilespmem:$0x10900] =	vst v63  }
0xbb: {  	s1 =	sld [smem:$0x7EC]  }
0xbc: {  	[tilespmem:s9], [sflag:$0x1] =	stream.indirect.gather [hbm4b:s3+s6], $0x20, s2, s6, $0xb8;
	[tilespmem:$0x10900] =	vst v63  }
0xbd: {  	s2 =	sld [smem:$0x7ED]  }
0xbe: {  	[tilespmem:s10], [sflag:$0x1] =	stream.indirect.gather [hbm4b:s3+s6], $0x20, s1, s6, $0xb8;
	[tilespmem:$0x10900] =	vst v63  }
0xbf: {  	s1 =	sld [smem:$0x7EE]  }
0xc0: {  	[tilespmem:s11], [sflag:$0x1] =	stream.indirect.gather [hbm4b:s3+s6], $0x20, s2, s6, $0xb8;
	[tilespmem:$0x10900] =	vst v63  }
0xc1: {  	_ = 	snop  }
0xc2: {  	[tilespmem:s12], [sflag:$0x1] =	stream.indirect.gather [hbm4b:s3+s6], $0x20, s1, s6, $0xb8;
	[tilespmem:$0x10900] =	vst v63  }
0xc3: {  	s2 =	sadd.s32 $0x50, s0  }
0xc4: {  	[hbm4b:s2+s24] =	stream.strided.scatter [tilespmem:s4], [sflag:$0x5], $0x1000, s25, s24, $0x38;
	[tilespmem:$0x10900] =	vst v63  }
0xc5: {  	s2 =	sadd.s32 $0x54, s0  }
0xc6: {  	[hbm4b:s2+s24] =	stream.strided.scatter [tilespmem:s7], [sflag:$0x5], $0x1000, s25, s24, $0x38;
	[tilespmem:$0x10900] =	vst v63  }
0xc7: {  	s2 =	sadd.s32 $0x58, s0  }
0xc8: {  	[hbm4b:s2+s24] =	stream.strided.scatter [tilespmem:s13], [sflag:$0x5], $0x1000, s25, s24, $0x38;
	[tilespmem:$0x10900] =	vst v63  }
0xc9: {  	s2 =	sadd.s32 $0x5C, s0  }
0xca: {  	[hbm4b:s2+s24] =	stream.strided.scatter [tilespmem:s14], [sflag:$0x5], $0x1000, s25, s24, $0x38;
	[tilespmem:$0x10900] =	vst v63  }
0xcb: {  	s2 =	sadd.s32 $0x60, s0  }
0xcc: {  	[hbm4b:s2+s24] =	stream.strided.scatter [tilespmem:s15], [sflag:$0x5], $0x1000, s25, s24, $0x38;
	[tilespmem:$0x10900] =	vst v63  }
0xcd: {  	_ =	swait.ge [sflag:s29], $0x5000  }
0xce: {  	[sflag:s29] =	ssyncset.done $0x0  }
0xcf: {  	[sflag:s29] =	ssyncadd.s32 $0xFFFFB000  }
0xd0: {  	_ =	swait.ge [sflag:s30], $0x5000  }
0xd1: {  	s1 =	sld [smem:$0x7EF]  }
0xd2: {  	[sflag:s30] =	ssyncset.done $0x0  }
0xd3: {  	s2 =	sld [smem:$0x7F0];
	[sflag:s30] =	ssyncadd.s32 $0xFFFFB000  }
0xd4: {  	[tilespmem:s4], [sflag:$0x2] =	stream.indirect.gather [hbm4b:s3+s6], $0x20, s1, s6, $0xb8;
	[tilespmem:$0x10900] =	vst v63  }
0xd5: {  	s1 =	sld [smem:$0x7F1]  }
0xd6: {  	[tilespmem:s7], [sflag:$0x2] =	stream.indirect.gather [hbm4b:s3+s6], $0x20, s2, s6, $0xb8;
	[tilespmem:$0x10900] =	vst v63  }
0xd7: {  	s2 =	sld [smem:$0x7F2]  }
0xd8: {  	[tilespmem:s13], [sflag:$0x2] =	stream.indirect.gather [hbm4b:s3+s6], $0x20, s1, s6, $0xb8;
	[tilespmem:$0x10900] =	vst v63  }
0xd9: {  	s1 =	sld [smem:$0x7F3]  }
0xda: {  	[tilespmem:s14], [sflag:$0x2] =	stream.indirect.gather [hbm4b:s3+s6], $0x20, s2, s6, $0xb8;
	[tilespmem:$0x10900] =	vst v63  }
0xdb: {  	_ = 	snop  }
0xdc: {  	[tilespmem:s15], [sflag:$0x2] =	stream.indirect.gather [hbm4b:s3+s6], $0x20, s1, s6, $0xb8;
	[tilespmem:$0x10900] =	vst v63  }
0xdd: {  	s2 =	sadd.s32 $0x64, s0  }
0xde: {  	[hbm4b:s2+s24] =	stream.strided.scatter [tilespmem:s16], [sflag:$0x6], $0x1000, s25, s24, $0x38;
	[tilespmem:$0x10900] =	vst v63  }
0xdf: {  	s2 =	sadd.s32 $0x68, s0  }
0xe0: {  	[hbm4b:s2+s24] =	stream.strided.scatter [tilespmem:s17], [sflag:$0x6], $0x1000, s25, s24, $0x38;
	[tilespmem:$0x10900] =	vst v63  }
0xe1: {  	s2 =	sadd.s32 $0x6C, s0  }
0xe2: {  	[hbm4b:s2+s24] =	stream.strided.scatter [tilespmem:s19], [sflag:$0x6], $0x1000, s25, s24, $0x38;
	[tilespmem:$0x10900] =	vst v63  }
0xe3: {  	s2 =	sadd.s32 $0x70, s0  }
0xe4: {  	[hbm4b:s2+s24] =	stream.strided.scatter [tilespmem:s20], [sflag:$0x6], $0x1000, s25, s24, $0x38;
	[tilespmem:$0x10900] =	vst v63  }
0xe5: {  	s2 =	sadd.s32 $0x74, s0  }
0xe6: {  	[hbm4b:s2+s24] =	stream.strided.scatter [tilespmem:s21], [sflag:$0x6], $0x1000, s25, s24, $0x38;
	[tilespmem:$0x10900] =	vst v63  }
0xe7: {  	_ =	swait.ge [sflag:s18], $0x5000  }
0xe8: {  	[sflag:s18] =	ssyncset.done $0x0  }
0xe9: {  	[sflag:s18] =	ssyncadd.s32 $0xFFFFB000  }
0xea: {  	_ =	swait.ge [sflag:s31], $0x5000  }
0xeb: {  	s1 =	sld [smem:$0x7F4]  }
0xec: {  	[sflag:s31] =	ssyncset.done $0x0  }
0xed: {  	s2 =	sld [smem:$0x7F5];
	[sflag:s31] =	ssyncadd.s32 $0xFFFFB000  }
0xee: {  	[tilespmem:s16], [sflag:$0x3] =	stream.indirect.gather [hbm4b:s3+s6], $0x20, s1, s6, $0xb8;
	[tilespmem:$0x10900] =	vst v63  }
0xef: {  	s1 =	sld [smem:$0x7F6]  }
0xf0: {  	[tilespmem:s17], [sflag:$0x3] =	stream.indirect.gather [hbm4b:s3+s6], $0x20, s2, s6, $0xb8;
	[tilespmem:$0x10900] =	vst v63  }
0xf1: {  	s2 =	sld [smem:$0x7F7]  }
0xf2: {  	[tilespmem:s19], [sflag:$0x3] =	stream.indirect.gather [hbm4b:s3+s6], $0x20, s1, s6, $0xb8;
	[tilespmem:$0x10900] =	vst v63  }
0xf3: {  	s1 =	sld [smem:$0x7F8]  }
0xf4: {  	[tilespmem:s20], [sflag:$0x3] =	stream.indirect.gather [hbm4b:s3+s6], $0x20, s2, s6, $0xb8;
	[tilespmem:$0x10900] =	vst v63  }
0xf5: {  	_ = 	snop  }
0xf6: {  	[tilespmem:s21], [sflag:$0x3] =	stream.indirect.gather [hbm4b:s3+s6], $0x20, s1, s6, $0xb8;
	[tilespmem:$0x10900] =	vst v63  }
0xf7: {  	s2 =	sadd.s32 $0x78, s0  }
0xf8: {  	[hbm4b:s2+s24] =	stream.strided.scatter [tilespmem:s8], [sflag:$0x4], $0x1000, s25, s24, $0x38;
	[tilespmem:$0x10900] =	vst v63  }
0xf9: {  	s2 =	sadd.s32 $0x7C, s0  }
0xfa: {  	[hbm4b:s2+s24] =	stream.strided.scatter [tilespmem:s9], [sflag:$0x4], $0x1000, s25, s24, $0x38;
	[tilespmem:$0x10900] =	vst v63  }
0xfb: {  	s2 =	sadd.s32 $0x80, s0  }
0xfc: {  	[hbm4b:s2+s24] =	stream.strided.scatter [tilespmem:s10], [sflag:$0x4], $0x1000, s25, s24, $0x38;
	[tilespmem:$0x10900] =	vst v63  }
0xfd: {  	s2 =	sadd.s32 $0x84, s0  }
0xfe: {  	[hbm4b:s2+s24] =	stream.strided.scatter [tilespmem:s11], [sflag:$0x4], $0x1000, s25, s24, $0x38;
	[tilespmem:$0x10900] =	vst v63  }
0xff: {  	s2 =	sadd.s32 $0x88, s0  }
0x100: {  	[hbm4b:s2+s24] =	stream.strided.scatter [tilespmem:s12], [sflag:$0x4], $0x1000, s25, s24, $0x38;
	[tilespmem:$0x10900] =	vst v63  }
0x101: {  	_ =	swait.ge [sflag:s26], $0x5000  }
0x102: {  	[sflag:s26] =	ssyncset.done $0x0  }
0x103: {  	[sflag:s26] =	ssyncadd.s32 $0xFFFFB000  }
0x104: {  	_ =	swait.ge [sflag:s28], $0x5000  }
0x105: {  	s1 =	sld [smem:$0x7F9]  }
0x106: {  	[sflag:s28] =	ssyncset.done $0x0  }
0x107: {  	s2 =	sld [smem:$0x7FA];
	[sflag:s28] =	ssyncadd.s32 $0xFFFFB000  }
0x108: {  	[tilespmem:s8], [sflag:$0x1] =	stream.indirect.gather [hbm4b:s3+s6], $0x20, s1, s6, $0xb8;
	[tilespmem:$0x10900] =	vst v63  }
0x109: {  	s1 =	sld [smem:$0x7FB]  }
0x10a: {  	[tilespmem:s9], [sflag:$0x1] =	stream.indirect.gather [hbm4b:s3+s6], $0x20, s2, s6, $0xb8;
	[tilespmem:$0x10900] =	vst v63  }
0x10b: {  	s2 =	sld [smem:$0x7FC]  }
0x10c: {  	[tilespmem:s10], [sflag:$0x1] =	stream.indirect.gather [hbm4b:s3+s6], $0x20, s1, s6, $0xb8;
	[tilespmem:$0x10900] =	vst v63  }
0x10d: {  	s1 =	sld [smem:$0x7FD]  }
0x10e: {  	[tilespmem:s11], [sflag:$0x1] =	stream.indirect.gather [hbm4b:s3+s6], $0x20, s2, s6, $0xb8;
	[tilespmem:$0x10900] =	vst v63  }
0x10f: {  	_ = 	snop  }
0x110: {  	[tilespmem:s12], [sflag:$0x1] =	stream.indirect.gather [hbm4b:s3+s6], $0x20, s1, s6, $0xb8;
	[tilespmem:$0x10900] =	vst v63  }
0x111: {  	s2 =	sadd.s32 $0x8C, s0  }
0x112: {  	[hbm4b:s2+s24] =	stream.strided.scatter [tilespmem:s4], [sflag:$0x5], $0x1000, s25, s24, $0x38;
	[tilespmem:$0x10900] =	vst v63  }
0x113: {  	s4 =	sadd.s32 $0x90, s0  }
0x114: {  	[hbm4b:s4+s24] =	stream.strided.scatter [tilespmem:s7], [sflag:$0x5], $0x1000, s25, s24, $0x38;
	[tilespmem:$0x10900] =	vst v63  }
0x115: {  	s7 =	sadd.s32 $0x94, s0  }
0x116: {  	[hbm4b:s7+s24] =	stream.strided.scatter [tilespmem:s13], [sflag:$0x5], $0x1000, s25, s24, $0x38;
	[tilespmem:$0x10900] =	vst v63  }
0x117: {  	s2 =	sadd.s32 $0x98, s0  }
0x118: {  	[hbm4b:s2+s24] =	stream.strided.scatter [tilespmem:s14], [sflag:$0x5], $0x1000, s25, s24, $0x38;
	[tilespmem:$0x10900] =	vst v63  }
0x119: {  	s4 =	sadd.s32 $0x9C, s0  }
0x11a: {  	[hbm4b:s4+s24] =	stream.strided.scatter [tilespmem:s15], [sflag:$0x5], $0x1000, s25, s24, $0x38;
	[tilespmem:$0x10900] =	vst v63  }
0x11b: {  	_ =	swait.ge [sflag:s29], $0x5000  }
0x11c: {  	[sflag:s29] =	ssyncset.done $0x0  }
0x11d: {  	s7 =	sadd.s32 $0xA0, s0;
	[sflag:s29] =	ssyncadd.s32 $0xFFFFB000  }
0x11e: {  	[hbm4b:s7+s24] =	stream.strided.scatter [tilespmem:s16], [sflag:$0x6], $0x1000, s25, s24, $0x38;
	[tilespmem:$0x10900] =	vst v63  }
0x11f: {  	s13 =	sadd.s32 $0xA4, s0  }
0x120: {  	[hbm4b:s13+s24] =	stream.strided.scatter [tilespmem:s17], [sflag:$0x6], $0x1000, s25, s24, $0x38;
	[tilespmem:$0x10900] =	vst v63  }
0x121: {  	s14 =	sadd.s32 $0xA8, s0  }
0x122: {  	[hbm4b:s14+s24] =	stream.strided.scatter [tilespmem:s19], [sflag:$0x6], $0x1000, s25, s24, $0x38;
	[tilespmem:$0x10900] =	vst v63  }
0x123: {  	s15 =	sadd.s32 $0xAC, s0  }
0x124: {  	[hbm4b:s15+s24] =	stream.strided.scatter [tilespmem:s20], [sflag:$0x6], $0x1000, s25, s24, $0x38;
	[tilespmem:$0x10900] =	vst v63  }
0x125: {  	s16 =	sadd.s32 $0xB0, s0  }
0x126: {  	[hbm4b:s16+s24] =	stream.strided.scatter [tilespmem:s21], [sflag:$0x6], $0x1000, s25, s24, $0x38;
	[tilespmem:$0x10900] =	vst v63  }
0x127: {  	_ =	swait.ge [sflag:s18], $0x5000  }
0x128: {  	[sflag:s18] =	ssyncset.done $0x0  }
0x129: {  	s17 =	sadd.s32 $0xB4, s0;
	[sflag:s18] =	ssyncadd.s32 $0xFFFFB000  }
0x12a: {  	[hbm4b:s17+s24] =	stream.strided.scatter [tilespmem:s8], [sflag:$0x4], $0x1000, s25, s24, $0x38;
	[tilespmem:$0x10900] =	vst v63  }
0x12b: {  	s19 =	sadd.s32 $0xB8, s0  }
0x12c: {  	[hbm4b:s19+s24] =	stream.strided.scatter [tilespmem:s9], [sflag:$0x4], $0x1000, s25, s24, $0x38;
	[tilespmem:$0x10900] =	vst v63  }
0x12d: {  	s20 =	sadd.s32 $0xBC, s0  }
0x12e: {  	[hbm4b:s20+s24] =	stream.strided.scatter [tilespmem:s10], [sflag:$0x4], $0x1000, s25, s24, $0x38;
	[tilespmem:$0x10900] =	vst v63  }
0x12f: {  	s21 =	sadd.s32 $0xC0, s0  }
0x130: {  	[hbm4b:s21+s24] =	stream.strided.scatter [tilespmem:s11], [sflag:$0x4], $0x1000, s25, s24, $0x38;
	[tilespmem:$0x10900] =	vst v63  }
0x131: {  	s0 =	sadd.s32 $0xC4, s0  }
0x132: {  	[hbm4b:s0+s24] =	stream.strided.scatter [tilespmem:s12], [sflag:$0x4], $0x1000, s25, s24, $0x38;
	[tilespmem:$0x10900] =	vst v63  }
0x133: {  	_ =	swait.ge [sflag:s28], $0x5000  }
0x134: {  	[sflag:s28] =	ssyncset.done $0x0  }
0x135: {  	[sflag:s28] =	ssyncadd.s32 $0xFFFFB000  }
0x136: {  	_ =	swait.ge [sflag:s30], $0x5000  }
0x137: {  	[sflag:s30] =	ssyncset.done $0x0  }
0x138: {  	[sflag:s30] =	ssyncadd.s32 $0xFFFFB000  }
0x139: {  	s4 =	simm.s32 $0xC800;
	_ =	swait.ge [sflag:s31], $0x5000  }
0x13a: {  	s0 =	simm.s32 $0x6400;
	s1 =	rddreg [dreg:$0x4];
	[sflag:s31] =	ssyncset.done $0x0  }
.LBB2_2:
0x13b: {  	[sflag:s31] =	ssyncadd.s32 $0xFFFFB000  }
0x13c: {  	s5 =	sadd.s32 $0x10, s5;
	s7 =	simm.s32 $0x0;
	s21 =	simm.s32 $0x7  }
0x13d: {  	[tilespmem:s7], [sflag:$0x7] =	stream.strided.gather [hbm4b:s5+s6], $0x1900, s1, s6, $0x38;
	[tilespmem:$0x10900] =	vst v63  }
0x13e: {  	_ =	swait.ge [sflag:s21], $0x1900  }
0x13f: {  	[sflag:s21] =	ssyncset.done $0x0  }
0x140: {  	[sflag:s21] =	ssyncadd.s32 $0xFFFFE700  }
0x141: {  	[tilespmem:s8], [sflag:$0x1] =	stream.indirect.gather [hbm4b:s3+s6], $0x20, s7, s6, $0xb8;
	[tilespmem:$0x10900] =	vst v63  }
0x142: {  	_ = 	snop  }
0x143: {  	[tilespmem:s9], [sflag:$0x1] =	stream.indirect.gather [hbm4b:s3+s6], $0x20, s6, s6, $0xb8;
	[tilespmem:$0x10900] =	vst v63  }
0x144: {  	s7 =	rddreg [dreg:$0x5]  }
0x145: {  	[tilespmem:s10], [sflag:$0x1] =	stream.indirect.gather [hbm4b:s3+s6], $0x20, s7, s6, $0xb8;
	[tilespmem:$0x10900] =	vst v63  }
0x146: {  	s13 =	rddreg [dreg:$0x6]  }
0x147: {  	[tilespmem:s11], [sflag:$0x1] =	stream.indirect.gather [hbm4b:s3+s6], $0x20, s13, s6, $0xb8;
	[tilespmem:$0x10900] =	vst v63  }
0x148: {  	s14 =	rddreg [dreg:$0x7]  }
0x149: {  	[tilespmem:s12], [sflag:$0x1] =	stream.indirect.gather [hbm4b:s3+s6], $0x20, s14, s6, $0xb8;
	[tilespmem:$0x10900] =	vst v63  }
0x14a: {  	s15 =	rddreg [dreg:$0x8];
	s14 =	simm.s32 $0x6900  }
0x14b: {  	[tilespmem:s14], [sflag:$0x2] =	stream.indirect.gather [hbm4b:s3+s6], $0x20, s15, s6, $0xb8;
	[tilespmem:$0x10900] =	vst v63  }
0x14c: {  	s16 =	rddreg [dreg:$0x9];
	s15 =	simm.s32 $0x7900  }
0x14d: {  	[tilespmem:s15], [sflag:$0x2] =	stream.indirect.gather [hbm4b:s3+s6], $0x20, s16, s6, $0xb8;
	[tilespmem:$0x10900] =	vst v63  }
0x14e: {  	s17 =	rddreg [dreg:$0xa];
	s16 =	simm.s32 $0x8900  }
0x14f: {  	[tilespmem:s16], [sflag:$0x2] =	stream.indirect.gather [hbm4b:s3+s6], $0x20, s17, s6, $0xb8;
	[tilespmem:$0x10900] =	vst v63  }
0x150: {  	s19 =	rddreg [dreg:$0xb];
	s17 =	simm.s32 $0x9900  }
0x151: {  	[tilespmem:s17], [sflag:$0x2] =	stream.indirect.gather [hbm4b:s3+s6], $0x20, s19, s6, $0xb8;
	[tilespmem:$0x10900] =	vst v63  }
0x152: {  	s20 =	rddreg [dreg:$0xc];
	s19 =	simm.s32 $0xA900  }
0x153: {  	[tilespmem:s19], [sflag:$0x2] =	stream.indirect.gather [hbm4b:s3+s6], $0x20, s20, s6, $0xb8;
	[tilespmem:$0x10900] =	vst v63  }
0x154: {  	_ =	swait.ge [sflag:s18], $0x5000  }
0x155: {  	s21 =	rddreg [dreg:$0xd];
	[sflag:s18] =	ssyncset.done $0x0  }
0x156: {  	s20 =	simm.s32 $0xB900;
	s7 =	rddreg [dreg:$0x3];
	[sflag:s18] =	ssyncadd.s32 $0xFFFFB000  }
0x157: {  	[tilespmem:s20], [sflag:$0x3] =	stream.indirect.gather [hbm4b:s3+s6], $0x20, s21, s6, $0xb8;
	[tilespmem:$0x10900] =	vst v63  }
0x158: {  	s13 =	rddreg [dreg:$0xe];
	s21 =	simm.s32 $0xC900  }
0x159: {  	[tilespmem:s21], [sflag:$0x3] =	stream.indirect.gather [hbm4b:s3+s6], $0x20, s13, s6, $0xb8;
	[tilespmem:$0x10900] =	vst v63  }
0x15a: {  	s1 =	rddreg [dreg:$0xf]  }
0x15b: {  	[tilespmem:s22], [sflag:$0x3] =	stream.indirect.gather [hbm4b:s3+s6], $0x20, s1, s6, $0xb8;
	[tilespmem:$0x10900] =	vst v63  }
0x15c: {  	s13 =	rddreg [dreg:$0x10]  }
0x15d: {  	[tilespmem:s23], [sflag:$0x3] =	stream.indirect.gather [hbm4b:s3+s6], $0x20, s13, s6, $0xb8;
	[tilespmem:$0x10900] =	vst v63  }
0x15e: {  	s1 =	rddreg [dreg:$0x11];
	s13 =	simm.s32 $0xF900  }
0x15f: {  	[tilespmem:s13], [sflag:$0x3] =	stream.indirect.gather [hbm4b:s3+s6], $0x20, s1, s6, $0xb8;
	[tilespmem:$0x10900] =	vst v63  }
0x160: {  	s1 =	sadd.s32 s0, s7  }
0x161: {  	[hbm4b:s1+s24] =	stream.strided.scatter [tilespmem:s8], [sflag:$0x4], $0x1000, s25, s24, $0x38;
	[tilespmem:$0x10900] =	vst v63  }
0x162: {  	s7 =	sadd.s32 $0x4, s1  }
0x163: {  	[hbm4b:s7+s24] =	stream.strided.scatter [tilespmem:s9], [sflag:$0x4], $0x1000, s25, s24, $0x38;
	[tilespmem:$0x10900] =	vst v63  }
0x164: {  	s7 =	sadd.s32 $0x8, s1  }
0x165: {  	[hbm4b:s7+s24] =	stream.strided.scatter [tilespmem:s10], [sflag:$0x4], $0x1000, s25, s24, $0x38;
	[tilespmem:$0x10900] =	vst v63  }
0x166: {  	s7 =	sadd.s32 $0xC, s1  }
0x167: {  	[hbm4b:s7+s24] =	stream.strided.scatter [tilespmem:s11], [sflag:$0x4], $0x1000, s25, s24, $0x38;
	[tilespmem:$0x10900] =	vst v63  }
0x168: {  	s7 =	sadd.s32 $0x10, s1  }
0x169: {  	[hbm4b:s7+s24] =	stream.strided.scatter [tilespmem:s12], [sflag:$0x4], $0x1000, s25, s24, $0x38;
	[tilespmem:$0x10900] =	vst v63  }
0x16a: {  	_ =	swait.ge [sflag:s26], $0x5000  }
0x16b: {  	[sflag:s26] =	ssyncset.done $0x0  }
0x16c: {  	[sflag:s26] =	ssyncadd.s32 $0xFFFFB000  }
0x16d: {  	_ =	swait.ge [sflag:s28], $0x5000  }
0x16e: {  	s2 =	smov.u32 s4;
	[sflag:s28] =	ssyncset.done $0x0  }
0x16f: {  	s0 =	smov.u32 s2;
	s2 =	rddreg [dreg:$0x12];
	[sflag:s28] =	ssyncadd.s32 $0xFFFFB000  }
0x170: {  	[tilespmem:s8], [sflag:$0x1] =	stream.indirect.gather [hbm4b:s3+s6], $0x20, s2, s6, $0xb8;
	[tilespmem:$0x10900] =	vst v63  }
0x171: {  	s7 =	rddreg [dreg:$0x13]  }
0x172: {  	[tilespmem:s9], [sflag:$0x1] =	stream.indirect.gather [hbm4b:s3+s6], $0x20, s7, s6, $0xb8;
	[tilespmem:$0x10900] =	vst v63  }
0x173: {  	s2 =	rddreg [dreg:$0x14]  }
0x174: {  	[tilespmem:s10], [sflag:$0x1] =	stream.indirect.gather [hbm4b:s3+s6], $0x20, s2, s6, $0xb8;
	[tilespmem:$0x10900] =	vst v63  }
0x175: {  	s7 =	rddreg [dreg:$0x15]  }
0x176: {  	[tilespmem:s11], [sflag:$0x1] =	stream.indirect.gather [hbm4b:s3+s6], $0x20, s7, s6, $0xb8;
	[tilespmem:$0x10900] =	vst v63  }
0x177: {  	s2 =	rddreg [dreg:$0x16]  }
0x178: {  	[tilespmem:s12], [sflag:$0x1] =	stream.indirect.gather [hbm4b:s3+s6], $0x20, s2, s6, $0xb8;
	[tilespmem:$0x10900] =	vst v63  }
0x179: {  	s7 =	sadd.s32 $0x14, s1  }
0x17a: {  	[hbm4b:s7+s24] =	stream.strided.scatter [tilespmem:s14], [sflag:$0x5], $0x1000, s25, s24, $0x38;
	[tilespmem:$0x10900] =	vst v63  }
0x17b: {  	s7 =	sadd.s32 $0x18, s1  }
0x17c: {  	[hbm4b:s7+s24] =	stream.strided.scatter [tilespmem:s15], [sflag:$0x5], $0x1000, s25, s24, $0x38;
	[tilespmem:$0x10900] =	vst v63  }
0x17d: {  	s7 =	sadd.s32 $0x1C, s1  }
0x17e: {  	[hbm4b:s7+s24] =	stream.strided.scatter [tilespmem:s16], [sflag:$0x5], $0x1000, s25, s24, $0x38;
	[tilespmem:$0x10900] =	vst v63  }
0x17f: {  	s7 =	sadd.s32 $0x20, s1  }
0x180: {  	[hbm4b:s7+s24] =	stream.strided.scatter [tilespmem:s17], [sflag:$0x5], $0x1000, s25, s24, $0x38;
	[tilespmem:$0x10900] =	vst v63  }
0x181: {  	s7 =	sadd.s32 $0x24, s1  }
0x182: {  	[hbm4b:s7+s24] =	stream.strided.scatter [tilespmem:s19], [sflag:$0x5], $0x1000, s25, s24, $0x38;
	[tilespmem:$0x10900] =	vst v63  }
0x183: {  	_ =	swait.ge [sflag:s29], $0x5000  }
0x184: {  	[sflag:s29] =	ssyncset.done $0x0  }
0x185: {  	[sflag:s29] =	ssyncadd.s32 $0xFFFFB000  }
0x186: {  	_ =	swait.ge [sflag:s30], $0x5000  }
0x187: {  	[sflag:s30] =	ssyncset.done $0x0  }
0x188: {  	s2 =	rddreg [dreg:$0x17];
	[sflag:s30] =	ssyncadd.s32 $0xFFFFB000  }
0x189: {  	[tilespmem:s14], [sflag:$0x2] =	stream.indirect.gather [hbm4b:s3+s6], $0x20, s2, s6, $0xb8;
	[tilespmem:$0x10900] =	vst v63  }
0x18a: {  	s7 =	rddreg [dreg:$0x18]  }
0x18b: {  	[tilespmem:s15], [sflag:$0x2] =	stream.indirect.gather [hbm4b:s3+s6], $0x20, s7, s6, $0xb8;
	[tilespmem:$0x10900] =	vst v63  }
0x18c: {  	s2 =	rddreg [dreg:$0x19]  }
0x18d: {  	[tilespmem:s16], [sflag:$0x2] =	stream.indirect.gather [hbm4b:s3+s6], $0x20, s2, s6, $0xb8;
	[tilespmem:$0x10900] =	vst v63  }
0x18e: {  	s7 =	rddreg [dreg:$0x1a]  }
0x18f: {  	[tilespmem:s17], [sflag:$0x2] =	stream.indirect.gather [hbm4b:s3+s6], $0x20, s7, s6, $0xb8;
	[tilespmem:$0x10900] =	vst v63  }
0x190: {  	s2 =	rddreg [dreg:$0x1b]  }
0x191: {  	[tilespmem:s19], [sflag:$0x2] =	stream.indirect.gather [hbm4b:s3+s6], $0x20, s2, s6, $0xb8;
	[tilespmem:$0x10900] =	vst v63  }
0x192: {  	s7 =	sadd.s32 $0x28, s1  }
0x193: {  	[hbm4b:s7+s24] =	stream.strided.scatter [tilespmem:s20], [sflag:$0x6], $0x1000, s25, s24, $0x38;
	[tilespmem:$0x10900] =	vst v63  }
0x194: {  	s7 =	sadd.s32 $0x2C, s1  }
0x195: {  	[hbm4b:s7+s24] =	stream.strided.scatter [tilespmem:s21], [sflag:$0x6], $0x1000, s25, s24, $0x38;
	[tilespmem:$0x10900] =	vst v63  }
0x196: {  	s7 =	sadd.s32 $0x30, s1  }
0x197: {  	[hbm4b:s7+s24] =	stream.strided.scatter [tilespmem:s22], [sflag:$0x6], $0x1000, s25, s24, $0x38;
	[tilespmem:$0x10900] =	vst v63  }
0x198: {  	s7 =	sadd.s32 $0x34, s1  }
0x199: {  	[hbm4b:s7+s24] =	stream.strided.scatter [tilespmem:s23], [sflag:$0x6], $0x1000, s25, s24, $0x38;
	[tilespmem:$0x10900] =	vst v63  }
0x19a: {  	s7 =	sadd.s32 $0x38, s1  }
0x19b: {  	[hbm4b:s7+s24] =	stream.strided.scatter [tilespmem:s13], [sflag:$0x6], $0x1000, s25, s24, $0x38;
	[tilespmem:$0x10900] =	vst v63  }
0x19c: {  	_ =	swait.ge [sflag:s18], $0x5000  }
0x19d: {  	[sflag:s18] =	ssyncset.done $0x0  }
0x19e: {  	[sflag:s18] =	ssyncadd.s32 $0xFFFFB000  }
0x19f: {  	_ =	swait.ge [sflag:s31], $0x5000  }
0x1a0: {  	s2 =	rddreg [dreg:$0x1c];
	[sflag:s31] =	ssyncset.done $0x0  }
0x1a1: {  	s7 =	rddreg [dreg:$0x1d];
	[sflag:s31] =	ssyncadd.s32 $0xFFFFB000  }
0x1a2: {  	[tilespmem:s20], [sflag:$0x3] =	stream.indirect.gather [hbm4b:s3+s6], $0x20, s2, s6, $0xb8;
	[tilespmem:$0x10900] =	vst v63  }
0x1a3: {  	s2 =	rddreg [dreg:$0x1e]  }
0x1a4: {  	[tilespmem:s21], [sflag:$0x3] =	stream.indirect.gather [hbm4b:s3+s6], $0x20, s7, s6, $0xb8;
	[tilespmem:$0x10900] =	vst v63  }
0x1a5: {  	s7 =	rddreg [dreg:$0x1f]  }
0x1a6: {  	[tilespmem:s22], [sflag:$0x3] =	stream.indirect.gather [hbm4b:s3+s6], $0x20, s2, s6, $0xb8;
	[tilespmem:$0x10900] =	vst v63  }
0x1a7: {  	s2 =	sld [smem:$0x7E8]  }
0x1a8: {  	[tilespmem:s23], [sflag:$0x3] =	stream.indirect.gather [hbm4b:s3+s6], $0x20, s7, s6, $0xb8;
	[tilespmem:$0x10900] =	vst v63  }
0x1a9: {  	_ = 	snop  }
0x1aa: {  	[tilespmem:s13], [sflag:$0x3] =	stream.indirect.gather [hbm4b:s3+s6], $0x20, s2, s6, $0xb8;
	[tilespmem:$0x10900] =	vst v63  }
0x1ab: {  	s7 =	sadd.s32 $0x3C, s1  }
0x1ac: {  	[hbm4b:s7+s24] =	stream.strided.scatter [tilespmem:s8], [sflag:$0x4], $0x1000, s25, s24, $0x38;
	[tilespmem:$0x10900] =	vst v63  }
0x1ad: {  	s7 =	sadd.s32 $0x40, s1  }
0x1ae: {  	[hbm4b:s7+s24] =	stream.strided.scatter [tilespmem:s9], [sflag:$0x4], $0x1000, s25, s24, $0x38;
	[tilespmem:$0x10900] =	vst v63  }
0x1af: {  	s7 =	sadd.s32 $0x44, s1  }
0x1b0: {  	[hbm4b:s7+s24] =	stream.strided.scatter [tilespmem:s10], [sflag:$0x4], $0x1000, s25, s24, $0x38;
	[tilespmem:$0x10900] =	vst v63  }
0x1b1: {  	s7 =	sadd.s32 $0x48, s1  }
0x1b2: {  	[hbm4b:s7+s24] =	stream.strided.scatter [tilespmem:s11], [sflag:$0x4], $0x1000, s25, s24, $0x38;
	[tilespmem:$0x10900] =	vst v63  }
0x1b3: {  	s7 =	sadd.s32 $0x4C, s1  }
0x1b4: {  	[hbm4b:s7+s24] =	stream.strided.scatter [tilespmem:s12], [sflag:$0x4], $0x1000, s25, s24, $0x38;
	[tilespmem:$0x10900] =	vst v63  }
0x1b5: {  	_ =	swait.ge [sflag:s26], $0x5000  }
0x1b6: {  	[sflag:s26] =	ssyncset.done $0x0  }
0x1b7: {  	[sflag:s26] =	ssyncadd.s32 $0xFFFFB000  }
0x1b8: {  	_ =	swait.ge [sflag:s28], $0x5000  }
0x1b9: {  	s2 =	sld [smem:$0x7EA]  }
0x1ba: {  	[sflag:s28] =	ssyncset.done $0x0  }
0x1bb: {  	s7 =	sld [smem:$0x7EB];
	[sflag:s28] =	ssyncadd.s32 $0xFFFFB000  }
0x1bc: {  	[tilespmem:s8], [sflag:$0x1] =	stream.indirect.gather [hbm4b:s3+s6], $0x20, s2, s6, $0xb8;
	[tilespmem:$0x10900] =	vst v63  }
0x1bd: {  	s2 =	sld [smem:$0x7EC]  }
0x1be: {  	[tilespmem:s9], [sflag:$0x1] =	stream.indirect.gather [hbm4b:s3+s6], $0x20, s7, s6, $0xb8;
	[tilespmem:$0x10900] =	vst v63  }
0x1bf: {  	s7 =	sld [smem:$0x7ED]  }
0x1c0: {  	[tilespmem:s10], [sflag:$0x1] =	stream.indirect.gather [hbm4b:s3+s6], $0x20, s2, s6, $0xb8;
	[tilespmem:$0x10900] =	vst v63  }
0x1c1: {  	s2 =	sld [smem:$0x7EE]  }
0x1c2: {  	[tilespmem:s11], [sflag:$0x1] =	stream.indirect.gather [hbm4b:s3+s6], $0x20, s7, s6, $0xb8;
	[tilespmem:$0x10900] =	vst v63  }
0x1c3: {  	_ = 	snop  }
0x1c4: {  	[tilespmem:s12], [sflag:$0x1] =	stream.indirect.gather [hbm4b:s3+s6], $0x20, s2, s6, $0xb8;
	[tilespmem:$0x10900] =	vst v63  }
0x1c5: {  	s7 =	sadd.s32 $0x50, s1  }
0x1c6: {  	[hbm4b:s7+s24] =	stream.strided.scatter [tilespmem:s14], [sflag:$0x5], $0x1000, s25, s24, $0x38;
	[tilespmem:$0x10900] =	vst v63  }
0x1c7: {  	s7 =	sadd.s32 $0x54, s1  }
0x1c8: {  	[hbm4b:s7+s24] =	stream.strided.scatter [tilespmem:s15], [sflag:$0x5], $0x1000, s25, s24, $0x38;
	[tilespmem:$0x10900] =	vst v63  }
0x1c9: {  	s7 =	sadd.s32 $0x58, s1  }
0x1ca: {  	[hbm4b:s7+s24] =	stream.strided.scatter [tilespmem:s16], [sflag:$0x5], $0x1000, s25, s24, $0x38;
	[tilespmem:$0x10900] =	vst v63  }
0x1cb: {  	s7 =	sadd.s32 $0x5C, s1  }
0x1cc: {  	[hbm4b:s7+s24] =	stream.strided.scatter [tilespmem:s17], [sflag:$0x5], $0x1000, s25, s24, $0x38;
	[tilespmem:$0x10900] =	vst v63  }
0x1cd: {  	s7 =	sadd.s32 $0x60, s1  }
0x1ce: {  	[hbm4b:s7+s24] =	stream.strided.scatter [tilespmem:s19], [sflag:$0x5], $0x1000, s25, s24, $0x38;
	[tilespmem:$0x10900] =	vst v63  }
0x1cf: {  	_ =	swait.ge [sflag:s29], $0x5000  }
0x1d0: {  	[sflag:s29] =	ssyncset.done $0x0  }
0x1d1: {  	[sflag:s29] =	ssyncadd.s32 $0xFFFFB000  }
0x1d2: {  	_ =	swait.ge [sflag:s30], $0x5000  }
0x1d3: {  	s2 =	sld [smem:$0x7EF]  }
0x1d4: {  	[sflag:s30] =	ssyncset.done $0x0  }
0x1d5: {  	s7 =	sld [smem:$0x7F0];
	[sflag:s30] =	ssyncadd.s32 $0xFFFFB000  }
0x1d6: {  	[tilespmem:s14], [sflag:$0x2] =	stream.indirect.gather [hbm4b:s3+s6], $0x20, s2, s6, $0xb8;
	[tilespmem:$0x10900] =	vst v63  }
0x1d7: {  	s2 =	sld [smem:$0x7F1]  }
0x1d8: {  	[tilespmem:s15], [sflag:$0x2] =	stream.indirect.gather [hbm4b:s3+s6], $0x20, s7, s6, $0xb8;
	[tilespmem:$0x10900] =	vst v63  }
0x1d9: {  	s7 =	sld [smem:$0x7F2]  }
0x1da: {  	[tilespmem:s16], [sflag:$0x2] =	stream.indirect.gather [hbm4b:s3+s6], $0x20, s2, s6, $0xb8;
	[tilespmem:$0x10900] =	vst v63  }
0x1db: {  	s2 =	sld [smem:$0x7F3]  }
0x1dc: {  	[tilespmem:s17], [sflag:$0x2] =	stream.indirect.gather [hbm4b:s3+s6], $0x20, s7, s6, $0xb8;
	[tilespmem:$0x10900] =	vst v63  }
0x1dd: {  	_ = 	snop  }
0x1de: {  	[tilespmem:s19], [sflag:$0x2] =	stream.indirect.gather [hbm4b:s3+s6], $0x20, s2, s6, $0xb8;
	[tilespmem:$0x10900] =	vst v63  }
0x1df: {  	s7 =	sadd.s32 $0x64, s1  }
0x1e0: {  	[hbm4b:s7+s24] =	stream.strided.scatter [tilespmem:s20], [sflag:$0x6], $0x1000, s25, s24, $0x38;
	[tilespmem:$0x10900] =	vst v63  }
0x1e1: {  	s7 =	sadd.s32 $0x68, s1  }
0x1e2: {  	[hbm4b:s7+s24] =	stream.strided.scatter [tilespmem:s21], [sflag:$0x6], $0x1000, s25, s24, $0x38;
	[tilespmem:$0x10900] =	vst v63  }
0x1e3: {  	s7 =	sadd.s32 $0x6C, s1  }
0x1e4: {  	[hbm4b:s7+s24] =	stream.strided.scatter [tilespmem:s22], [sflag:$0x6], $0x1000, s25, s24, $0x38;
	[tilespmem:$0x10900] =	vst v63  }
0x1e5: {  	s7 =	sadd.s32 $0x70, s1  }
0x1e6: {  	[hbm4b:s7+s24] =	stream.strided.scatter [tilespmem:s23], [sflag:$0x6], $0x1000, s25, s24, $0x38;
	[tilespmem:$0x10900] =	vst v63  }
0x1e7: {  	s7 =	sadd.s32 $0x74, s1  }
0x1e8: {  	[hbm4b:s7+s24] =	stream.strided.scatter [tilespmem:s13], [sflag:$0x6], $0x1000, s25, s24, $0x38;
	[tilespmem:$0x10900] =	vst v63  }
0x1e9: {  	_ =	swait.ge [sflag:s18], $0x5000  }
0x1ea: {  	[sflag:s18] =	ssyncset.done $0x0  }
0x1eb: {  	[sflag:s18] =	ssyncadd.s32 $0xFFFFB000  }
0x1ec: {  	_ =	swait.ge [sflag:s31], $0x5000  }
0x1ed: {  	s2 =	sld [smem:$0x7F4]  }
0x1ee: {  	[sflag:s31] =	ssyncset.done $0x0  }
0x1ef: {  	s7 =	sld [smem:$0x7F5];
	[sflag:s31] =	ssyncadd.s32 $0xFFFFB000  }
0x1f0: {  	[tilespmem:s20], [sflag:$0x3] =	stream.indirect.gather [hbm4b:s3+s6], $0x20, s2, s6, $0xb8;
	[tilespmem:$0x10900] =	vst v63  }
0x1f1: {  	s2 =	sld [smem:$0x7F6]  }
0x1f2: {  	[tilespmem:s21], [sflag:$0x3] =	stream.indirect.gather [hbm4b:s3+s6], $0x20, s7, s6, $0xb8;
	[tilespmem:$0x10900] =	vst v63  }
0x1f3: {  	s7 =	sld [smem:$0x7F7]  }
0x1f4: {  	[tilespmem:s22], [sflag:$0x3] =	stream.indirect.gather [hbm4b:s3+s6], $0x20, s2, s6, $0xb8;
	[tilespmem:$0x10900] =	vst v63  }
0x1f5: {  	s2 =	sld [smem:$0x7F8]  }
0x1f6: {  	[tilespmem:s23], [sflag:$0x3] =	stream.indirect.gather [hbm4b:s3+s6], $0x20, s7, s6, $0xb8;
	[tilespmem:$0x10900] =	vst v63  }
0x1f7: {  	_ = 	snop  }
0x1f8: {  	[tilespmem:s13], [sflag:$0x3] =	stream.indirect.gather [hbm4b:s3+s6], $0x20, s2, s6, $0xb8;
	[tilespmem:$0x10900] =	vst v63  }
0x1f9: {  	s7 =	sadd.s32 $0x78, s1  }
0x1fa: {  	[hbm4b:s7+s24] =	stream.strided.scatter [tilespmem:s8], [sflag:$0x4], $0x1000, s25, s24, $0x38;
	[tilespmem:$0x10900] =	vst v63  }
0x1fb: {  	s7 =	sadd.s32 $0x7C, s1  }
0x1fc: {  	[hbm4b:s7+s24] =	stream.strided.scatter [tilespmem:s9], [sflag:$0x4], $0x1000, s25, s24, $0x38;
	[tilespmem:$0x10900] =	vst v63  }
0x1fd: {  	s7 =	sadd.s32 $0x80, s1  }
0x1fe: {  	[hbm4b:s7+s24] =	stream.strided.scatter [tilespmem:s10], [sflag:$0x4], $0x1000, s25, s24, $0x38;
	[tilespmem:$0x10900] =	vst v63  }
0x1ff: {  	s7 =	sadd.s32 $0x84, s1  }
0x200: {  	[hbm4b:s7+s24] =	stream.strided.scatter [tilespmem:s11], [sflag:$0x4], $0x1000, s25, s24, $0x38;
	[tilespmem:$0x10900] =	vst v63  }
0x201: {  	s7 =	sadd.s32 $0x88, s1  }
0x202: {  	[hbm4b:s7+s24] =	stream.strided.scatter [tilespmem:s12], [sflag:$0x4], $0x1000, s25, s24, $0x38;
	[tilespmem:$0x10900] =	vst v63  }
0x203: {  	_ =	swait.ge [sflag:s26], $0x5000  }
0x204: {  	[sflag:s26] =	ssyncset.done $0x0  }
0x205: {  	[sflag:s26] =	ssyncadd.s32 $0xFFFFB000  }
0x206: {  	_ =	swait.ge [sflag:s28], $0x5000  }
0x207: {  	s2 =	sld [smem:$0x7F9]  }
0x208: {  	[sflag:s28] =	ssyncset.done $0x0  }
0x209: {  	s7 =	sld [smem:$0x7FA];
	[sflag:s28] =	ssyncadd.s32 $0xFFFFB000  }
0x20a: {  	[tilespmem:s8], [sflag:$0x1] =	stream.indirect.gather [hbm4b:s3+s6], $0x20, s2, s6, $0xb8;
	[tilespmem:$0x10900] =	vst v63  }
0x20b: {  	s2 =	sld [smem:$0x7FB]  }
0x20c: {  	[tilespmem:s9], [sflag:$0x1] =	stream.indirect.gather [hbm4b:s3+s6], $0x20, s7, s6, $0xb8;
	[tilespmem:$0x10900] =	vst v63  }
0x20d: {  	s7 =	sld [smem:$0x7FC]  }
0x20e: {  	[tilespmem:s10], [sflag:$0x1] =	stream.indirect.gather [hbm4b:s3+s6], $0x20, s2, s6, $0xb8;
	[tilespmem:$0x10900] =	vst v63  }
0x20f: {  	s2 =	sld [smem:$0x7FD]  }
0x210: {  	[tilespmem:s11], [sflag:$0x1] =	stream.indirect.gather [hbm4b:s3+s6], $0x20, s7, s6, $0xb8;
	[tilespmem:$0x10900] =	vst v63  }
0x211: {  	_ = 	snop  }
0x212: {  	[tilespmem:s12], [sflag:$0x1] =	stream.indirect.gather [hbm4b:s3+s6], $0x20, s2, s6, $0xb8;
	[tilespmem:$0x10900] =	vst v63  }
0x213: {  	s7 =	sadd.s32 $0x8C, s1  }
0x214: {  	[hbm4b:s7+s24] =	stream.strided.scatter [tilespmem:s14], [sflag:$0x5], $0x1000, s25, s24, $0x38;
	[tilespmem:$0x10900] =	vst v63  }
0x215: {  	s14 =	sadd.s32 $0x90, s1  }
0x216: {  	[hbm4b:s14+s24] =	stream.strided.scatter [tilespmem:s15], [sflag:$0x5], $0x1000, s25, s24, $0x38;
	[tilespmem:$0x10900] =	vst v63  }
0x217: {  	s15 =	sadd.s32 $0x94, s1  }
0x218: {  	[hbm4b:s15+s24] =	stream.strided.scatter [tilespmem:s16], [sflag:$0x5], $0x1000, s25, s24, $0x38;
	[tilespmem:$0x10900] =	vst v63  }
0x219: {  	s16 =	sadd.s32 $0x98, s1  }
0x21a: {  	[hbm4b:s16+s24] =	stream.strided.scatter [tilespmem:s17], [sflag:$0x5], $0x1000, s25, s24, $0x38;
	[tilespmem:$0x10900] =	vst v63  }
0x21b: {  	s17 =	sadd.s32 $0x9C, s1  }
0x21c: {  	[hbm4b:s17+s24] =	stream.strided.scatter [tilespmem:s19], [sflag:$0x5], $0x1000, s25, s24, $0x38;
	[tilespmem:$0x10900] =	vst v63  }
0x21d: {  	_ =	swait.ge [sflag:s29], $0x5000  }
0x21e: {  	[sflag:s29] =	ssyncset.done $0x0  }
0x21f: {  	s19 =	sadd.s32 $0xA0, s1;
	[sflag:s29] =	ssyncadd.s32 $0xFFFFB000  }
0x220: {  	[hbm4b:s19+s24] =	stream.strided.scatter [tilespmem:s20], [sflag:$0x6], $0x1000, s25, s24, $0x38;
	[tilespmem:$0x10900] =	vst v63  }
0x221: {  	s7 =	sadd.s32 $0xA4, s1  }
0x222: {  	[hbm4b:s7+s24] =	stream.strided.scatter [tilespmem:s21], [sflag:$0x6], $0x1000, s25, s24, $0x38;
	[tilespmem:$0x10900] =	vst v63  }
0x223: {  	s14 =	sadd.s32 $0xA8, s1  }
0x224: {  	[hbm4b:s14+s24] =	stream.strided.scatter [tilespmem:s22], [sflag:$0x6], $0x1000, s25, s24, $0x38;
	[tilespmem:$0x10900] =	vst v63  }
0x225: {  	s15 =	sadd.s32 $0xAC, s1  }
0x226: {  	[hbm4b:s15+s24] =	stream.strided.scatter [tilespmem:s23], [sflag:$0x6], $0x1000, s25, s24, $0x38;
	[tilespmem:$0x10900] =	vst v63  }
0x227: {  	s16 =	sadd.s32 $0xB0, s1  }
0x228: {  	[hbm4b:s16+s24] =	stream.strided.scatter [tilespmem:s13], [sflag:$0x6], $0x1000, s25, s24, $0x38;
	[tilespmem:$0x10900] =	vst v63  }
0x229: {  	_ =	swait.ge [sflag:s18], $0x5000  }
0x22a: {  	[sflag:s18] =	ssyncset.done $0x0  }
0x22b: {  	s17 =	sadd.s32 $0xB4, s1;
	[sflag:s18] =	ssyncadd.s32 $0xFFFFB000  }
0x22c: {  	[hbm4b:s17+s24] =	stream.strided.scatter [tilespmem:s8], [sflag:$0x4], $0x1000, s25, s24, $0x38;
	[tilespmem:$0x10900] =	vst v63  }
0x22d: {  	s19 =	sadd.s32 $0xB8, s1  }
0x22e: {  	[hbm4b:s19+s24] =	stream.strided.scatter [tilespmem:s9], [sflag:$0x4], $0x1000, s25, s24, $0x38;
	[tilespmem:$0x10900] =	vst v63  }
0x22f: {  	s20 =	sadd.s32 $0xBC, s1  }
0x230: {  	[hbm4b:s20+s24] =	stream.strided.scatter [tilespmem:s10], [sflag:$0x4], $0x1000, s25, s24, $0x38;
	[tilespmem:$0x10900] =	vst v63  }
0x231: {  	s21 =	sadd.s32 $0xC0, s1  }
0x232: {  	[hbm4b:s21+s24] =	stream.strided.scatter [tilespmem:s11], [sflag:$0x4], $0x1000, s25, s24, $0x38;
	[tilespmem:$0x10900] =	vst v63  }
0x233: {  	s1 =	sadd.s32 $0xC4, s1  }
0x234: {  	[hbm4b:s1+s24] =	stream.strided.scatter [tilespmem:s12], [sflag:$0x4], $0x1000, s25, s24, $0x38;
	[tilespmem:$0x10900] =	vst v63  }
0x235: {  	_ =	swait.ge [sflag:s28], $0x5000  }
0x236: {  	[sflag:s28] =	ssyncset.done $0x0  }
0x237: {  	p0 =	sne.s32 s4, $0x12C00;
	[sflag:s28] =	ssyncadd.s32 $0xFFFFB000  }
.Ltmp0:
0x238: {  	_ =	swait.ge [sflag:s30], $0x5000;
	(pc) =	sbr.rel @p0 .LBB2_2-.Ltmp0, $4  }
0x239: {  	[sflag:s30] =	ssyncset.done $0x0  }
0x23a: {  	[sflag:s30] =	ssyncadd.s32 $0xFFFFB000  }
0x23b: {  	_ =	swait.ge [sflag:s31], $0x5000  }
0x23c: {  	s4 =	sadd.s32 $0x6400, s4;
	s1 =	rddreg [dreg:$0x4];
	[sflag:s31] =	ssyncset.done $0x0  }
0x23d: {  	[sflag:s31] =	ssyncadd.s32 $0xFFFFB000  }
0x23e: {  	s2 =	sadd.s32 $0x10, s5;
	s4 =	simm.s32 $0x0;
	s19 =	simm.s32 $0x7  }
0x23f: {  	[tilespmem:s4], [sflag:$0x7] =	stream.strided.gather [hbm4b:s2+s6], $0x1900, s1, s6, $0x38;
	[tilespmem:$0x10900] =	vst v63  }
0x240: {  	_ =	swait.ge [sflag:s19], $0x1900  }
0x241: {  	[sflag:s19] =	ssyncset.done $0x0  }
0x242: {  	[sflag:s19] =	ssyncadd.s32 $0xFFFFE700  }
0x243: {  	[tilespmem:s8], [sflag:$0x1] =	stream.indirect.gather [hbm4b:s3+s6], $0x20, s4, s6, $0xb8;
	[tilespmem:$0x10900] =	vst v63  }
0x244: {  	_ = 	snop  }
0x245: {  	[tilespmem:s9], [sflag:$0x1] =	stream.indirect.gather [hbm4b:s3+s6], $0x20, s6, s6, $0xb8;
	[tilespmem:$0x10900] =	vst v63  }
0x246: {  	s20 =	rddreg [dreg:$0x5]  }
0x247: {  	[tilespmem:s10], [sflag:$0x1] =	stream.indirect.gather [hbm4b:s3+s6], $0x20, s20, s6, $0xb8;
	[tilespmem:$0x10900] =	vst v63  }
0x248: {  	s21 =	rddreg [dreg:$0x6]  }
0x249: {  	[tilespmem:s11], [sflag:$0x1] =	stream.indirect.gather [hbm4b:s3+s6], $0x20, s21, s6, $0xb8;
	[tilespmem:$0x10900] =	vst v63  }
0x24a: {  	s4 =	rddreg [dreg:$0x7]  }
0x24b: {  	[tilespmem:s12], [sflag:$0x1] =	stream.indirect.gather [hbm4b:s3+s6], $0x20, s4, s6, $0xb8;
	[tilespmem:$0x10900] =	vst v63  }
0x24c: {  	s5 =	rddreg [dreg:$0x8];
	s4 =	simm.s32 $0x6900  }
0x24d: {  	[tilespmem:s4], [sflag:$0x2] =	stream.indirect.gather [hbm4b:s3+s6], $0x20, s5, s6, $0xb8;
	[tilespmem:$0x10900] =	vst v63  }
0x24e: {  	s7 =	rddreg [dreg:$0x9];
	s5 =	simm.s32 $0x7900  }
0x24f: {  	[tilespmem:s5], [sflag:$0x2] =	stream.indirect.gather [hbm4b:s3+s6], $0x20, s7, s6, $0xb8;
	[tilespmem:$0x10900] =	vst v63  }
0x250: {  	s13 =	rddreg [dreg:$0xa];
	s7 =	simm.s32 $0x8900  }
0x251: {  	[tilespmem:s7], [sflag:$0x2] =	stream.indirect.gather [hbm4b:s3+s6], $0x20, s13, s6, $0xb8;
	[tilespmem:$0x10900] =	vst v63  }
0x252: {  	s14 =	rddreg [dreg:$0xb];
	s13 =	simm.s32 $0x9900  }
0x253: {  	[tilespmem:s13], [sflag:$0x2] =	stream.indirect.gather [hbm4b:s3+s6], $0x20, s14, s6, $0xb8;
	[tilespmem:$0x10900] =	vst v63  }
0x254: {  	s15 =	rddreg [dreg:$0xc];
	s14 =	simm.s32 $0xA900  }
0x255: {  	[tilespmem:s14], [sflag:$0x2] =	stream.indirect.gather [hbm4b:s3+s6], $0x20, s15, s6, $0xb8;
	[tilespmem:$0x10900] =	vst v63  }
0x256: {  	_ =	swait.ge [sflag:s18], $0x5000  }
0x257: {  	s16 =	rddreg [dreg:$0xd];
	[sflag:s18] =	ssyncset.done $0x0  }
0x258: {  	s15 =	simm.s32 $0xB900;
	s17 =	rddreg [dreg:$0xe];
	[sflag:s18] =	ssyncadd.s32 $0xFFFFB000  }
0x259: {  	[tilespmem:s15], [sflag:$0x3] =	stream.indirect.gather [hbm4b:s3+s6], $0x20, s16, s6, $0xb8;
	[tilespmem:$0x10900] =	vst v63  }
0x25a: {  	s19 =	rddreg [dreg:$0xf];
	s16 =	simm.s32 $0xC900  }
0x25b: {  	[tilespmem:s16], [sflag:$0x3] =	stream.indirect.gather [hbm4b:s3+s6], $0x20, s17, s6, $0xb8;
	[tilespmem:$0x10900] =	vst v63  }
0x25c: {  	s20 =	rddreg [dreg:$0x10];
	s17 =	simm.s32 $0xD900  }
0x25d: {  	[tilespmem:s17], [sflag:$0x3] =	stream.indirect.gather [hbm4b:s3+s6], $0x20, s19, s6, $0xb8;
	[tilespmem:$0x10900] =	vst v63  }
0x25e: {  	s1 =	rddreg [dreg:$0x11];
	s19 =	simm.s32 $0xE900  }
0x25f: {  	[tilespmem:s19], [sflag:$0x3] =	stream.indirect.gather [hbm4b:s3+s6], $0x20, s20, s6, $0xb8;
	[tilespmem:$0x10900] =	vst v63  }
0x260: {  	s21 =	rddreg [dreg:$0x3];
	s20 =	simm.s32 $0xF900  }
0x261: {  	[tilespmem:s20], [sflag:$0x3] =	stream.indirect.gather [hbm4b:s3+s6], $0x20, s1, s6, $0xb8;
	[tilespmem:$0x10900] =	vst v63  }
0x262: {  	s0 =	sadd.s32 s0, s21  }
0x263: {  	[hbm4b:s0+s24] =	stream.strided.scatter [tilespmem:s8], [sflag:$0x4], $0x1000, s25, s24, $0x38;
	[tilespmem:$0x10900] =	vst v63  }
0x264: {  	s21 =	sadd.s32 $0x4, s0  }
0x265: {  	[hbm4b:s21+s24] =	stream.strided.scatter [tilespmem:s9], [sflag:$0x4], $0x1000, s25, s24, $0x38;
	[tilespmem:$0x10900] =	vst v63  }
0x266: {  	s2 =	sadd.s32 $0x8, s0  }
0x267: {  	[hbm4b:s2+s24] =	stream.strided.scatter [tilespmem:s10], [sflag:$0x4], $0x1000, s25, s24, $0x38;
	[tilespmem:$0x10900] =	vst v63  }
0x268: {  	s21 =	sadd.s32 $0xC, s0  }
0x269: {  	[hbm4b:s21+s24] =	stream.strided.scatter [tilespmem:s11], [sflag:$0x4], $0x1000, s25, s24, $0x38;
	[tilespmem:$0x10900] =	vst v63  }
0x26a: {  	s2 =	sadd.s32 $0x10, s0  }
0x26b: {  	[hbm4b:s2+s24] =	stream.strided.scatter [tilespmem:s12], [sflag:$0x4], $0x1000, s25, s24, $0x38;
	[tilespmem:$0x10900] =	vst v63  }
0x26c: {  	_ =	swait.ge [sflag:s26], $0x5000  }
0x26d: {  	[sflag:s26] =	ssyncset.done $0x0  }
0x26e: {  	[sflag:s26] =	ssyncadd.s32 $0xFFFFB000  }
0x26f: {  	_ =	swait.ge [sflag:s28], $0x5000  }
0x270: {  	[sflag:s28] =	ssyncset.done $0x0  }
0x271: {  	s21 =	rddreg [dreg:$0x12];
	[sflag:s28] =	ssyncadd.s32 $0xFFFFB000  }
0x272: {  	[tilespmem:s8], [sflag:$0x1] =	stream.indirect.gather [hbm4b:s3+s6], $0x20, s21, s6, $0xb8;
	[tilespmem:$0x10900] =	vst v63  }
0x273: {  	s2 =	rddreg [dreg:$0x13]  }
0x274: {  	[tilespmem:s9], [sflag:$0x1] =	stream.indirect.gather [hbm4b:s3+s6], $0x20, s2, s6, $0xb8;
	[tilespmem:$0x10900] =	vst v63  }
0x275: {  	s21 =	rddreg [dreg:$0x14]  }
0x276: {  	[tilespmem:s10], [sflag:$0x1] =	stream.indirect.gather [hbm4b:s3+s6], $0x20, s21, s6, $0xb8;
	[tilespmem:$0x10900] =	vst v63  }
0x277: {  	s2 =	rddreg [dreg:$0x15]  }
0x278: {  	[tilespmem:s11], [sflag:$0x1] =	stream.indirect.gather [hbm4b:s3+s6], $0x20, s2, s6, $0xb8;
	[tilespmem:$0x10900] =	vst v63  }
0x279: {  	s21 =	rddreg [dreg:$0x16]  }
0x27a: {  	[tilespmem:s12], [sflag:$0x1] =	stream.indirect.gather [hbm4b:s3+s6], $0x20, s21, s6, $0xb8;
	[tilespmem:$0x10900] =	vst v63  }
0x27b: {  	s2 =	sadd.s32 $0x14, s0  }
0x27c: {  	[hbm4b:s2+s24] =	stream.strided.scatter [tilespmem:s4], [sflag:$0x5], $0x1000, s25, s24, $0x38;
	[tilespmem:$0x10900] =	vst v63  }
0x27d: {  	s21 =	sadd.s32 $0x18, s0  }
0x27e: {  	[hbm4b:s21+s24] =	stream.strided.scatter [tilespmem:s5], [sflag:$0x5], $0x1000, s25, s24, $0x38;
	[tilespmem:$0x10900] =	vst v63  }
0x27f: {  	s2 =	sadd.s32 $0x1C, s0  }
0x280: {  	[hbm4b:s2+s24] =	stream.strided.scatter [tilespmem:s7], [sflag:$0x5], $0x1000, s25, s24, $0x38;
	[tilespmem:$0x10900] =	vst v63  }
0x281: {  	s21 =	sadd.s32 $0x20, s0  }
0x282: {  	[hbm4b:s21+s24] =	stream.strided.scatter [tilespmem:s13], [sflag:$0x5], $0x1000, s25, s24, $0x38;
	[tilespmem:$0x10900] =	vst v63  }
0x283: {  	s2 =	sadd.s32 $0x24, s0  }
0x284: {  	[hbm4b:s2+s24] =	stream.strided.scatter [tilespmem:s14], [sflag:$0x5], $0x1000, s25, s24, $0x38;
	[tilespmem:$0x10900] =	vst v63  }
0x285: {  	_ =	swait.ge [sflag:s29], $0x5000  }
0x286: {  	[sflag:s29] =	ssyncset.done $0x0  }
0x287: {  	[sflag:s29] =	ssyncadd.s32 $0xFFFFB000  }
0x288: {  	_ =	swait.ge [sflag:s30], $0x5000  }
0x289: {  	[sflag:s30] =	ssyncset.done $0x0  }
0x28a: {  	s21 =	rddreg [dreg:$0x17];
	[sflag:s30] =	ssyncadd.s32 $0xFFFFB000  }
0x28b: {  	[tilespmem:s4], [sflag:$0x2] =	stream.indirect.gather [hbm4b:s3+s6], $0x20, s21, s6, $0xb8;
	[tilespmem:$0x10900] =	vst v63  }
0x28c: {  	s2 =	rddreg [dreg:$0x18]  }
0x28d: {  	[tilespmem:s5], [sflag:$0x2] =	stream.indirect.gather [hbm4b:s3+s6], $0x20, s2, s6, $0xb8;
	[tilespmem:$0x10900] =	vst v63  }
0x28e: {  	s21 =	rddreg [dreg:$0x19]  }
0x28f: {  	[tilespmem:s7], [sflag:$0x2] =	stream.indirect.gather [hbm4b:s3+s6], $0x20, s21, s6, $0xb8;
	[tilespmem:$0x10900] =	vst v63  }
0x290: {  	s2 =	rddreg [dreg:$0x1a]  }
0x291: {  	[tilespmem:s13], [sflag:$0x2] =	stream.indirect.gather [hbm4b:s3+s6], $0x20, s2, s6, $0xb8;
	[tilespmem:$0x10900] =	vst v63  }
0x292: {  	s21 =	rddreg [dreg:$0x1b]  }
0x293: {  	[tilespmem:s14], [sflag:$0x2] =	stream.indirect.gather [hbm4b:s3+s6], $0x20, s21, s6, $0xb8;
	[tilespmem:$0x10900] =	vst v63  }
0x294: {  	s2 =	sadd.s32 $0x28, s0  }
0x295: {  	[hbm4b:s2+s24] =	stream.strided.scatter [tilespmem:s15], [sflag:$0x6], $0x1000, s25, s24, $0x38;
	[tilespmem:$0x10900] =	vst v63  }
0x296: {  	s21 =	sadd.s32 $0x2C, s0  }
0x297: {  	[hbm4b:s21+s24] =	stream.strided.scatter [tilespmem:s16], [sflag:$0x6], $0x1000, s25, s24, $0x38;
	[tilespmem:$0x10900] =	vst v63  }
0x298: {  	s2 =	sadd.s32 $0x30, s0  }
0x299: {  	[hbm4b:s2+s24] =	stream.strided.scatter [tilespmem:s17], [sflag:$0x6], $0x1000, s25, s24, $0x38;
	[tilespmem:$0x10900] =	vst v63  }
0x29a: {  	s21 =	sadd.s32 $0x34, s0  }
0x29b: {  	[hbm4b:s21+s24] =	stream.strided.scatter [tilespmem:s19], [sflag:$0x6], $0x1000, s25, s24, $0x38;
	[tilespmem:$0x10900] =	vst v63  }
0x29c: {  	s2 =	sadd.s32 $0x38, s0  }
0x29d: {  	[hbm4b:s2+s24] =	stream.strided.scatter [tilespmem:s20], [sflag:$0x6], $0x1000, s25, s24, $0x38;
	[tilespmem:$0x10900] =	vst v63  }
0x29e: {  	_ =	swait.ge [sflag:s18], $0x5000  }
0x29f: {  	[sflag:s18] =	ssyncset.done $0x0  }
0x2a0: {  	[sflag:s18] =	ssyncadd.s32 $0xFFFFB000  }
0x2a1: {  	_ =	swait.ge [sflag:s31], $0x5000  }
0x2a2: {  	s21 =	rddreg [dreg:$0x1c];
	[sflag:s31] =	ssyncset.done $0x0  }
0x2a3: {  	s2 =	rddreg [dreg:$0x1d];
	[sflag:s31] =	ssyncadd.s32 $0xFFFFB000  }
0x2a4: {  	[tilespmem:s15], [sflag:$0x3] =	stream.indirect.gather [hbm4b:s3+s6], $0x20, s21, s6, $0xb8;
	[tilespmem:$0x10900] =	vst v63  }
0x2a5: {  	s21 =	rddreg [dreg:$0x1e]  }
0x2a6: {  	[tilespmem:s16], [sflag:$0x3] =	stream.indirect.gather [hbm4b:s3+s6], $0x20, s2, s6, $0xb8;
	[tilespmem:$0x10900] =	vst v63  }
0x2a7: {  	s2 =	rddreg [dreg:$0x1f]  }
0x2a8: {  	[tilespmem:s17], [sflag:$0x3] =	stream.indirect.gather [hbm4b:s3+s6], $0x20, s21, s6, $0xb8;
	[tilespmem:$0x10900] =	vst v63  }
0x2a9: {  	s21 =	sld [smem:$0x7E8]  }
0x2aa: {  	[tilespmem:s19], [sflag:$0x3] =	stream.indirect.gather [hbm4b:s3+s6], $0x20, s2, s6, $0xb8;
	[tilespmem:$0x10900] =	vst v63  }
0x2ab: {  	_ = 	snop  }
0x2ac: {  	[tilespmem:s20], [sflag:$0x3] =	stream.indirect.gather [hbm4b:s3+s6], $0x20, s21, s6, $0xb8;
	[tilespmem:$0x10900] =	vst v63  }
0x2ad: {  	s2 =	sadd.s32 $0x3C, s0  }
0x2ae: {  	[hbm4b:s2+s24] =	stream.strided.scatter [tilespmem:s8], [sflag:$0x4], $0x1000, s25, s24, $0x38;
	[tilespmem:$0x10900] =	vst v63  }
0x2af: {  	s21 =	sadd.s32 $0x40, s0  }
0x2b0: {  	[hbm4b:s21+s24] =	stream.strided.scatter [tilespmem:s9], [sflag:$0x4], $0x1000, s25, s24, $0x38;
	[tilespmem:$0x10900] =	vst v63  }
0x2b1: {  	s2 =	sadd.s32 $0x44, s0  }
0x2b2: {  	[hbm4b:s2+s24] =	stream.strided.scatter [tilespmem:s10], [sflag:$0x4], $0x1000, s25, s24, $0x38;
	[tilespmem:$0x10900] =	vst v63  }
0x2b3: {  	s21 =	sadd.s32 $0x48, s0  }
0x2b4: {  	[hbm4b:s21+s24] =	stream.strided.scatter [tilespmem:s11], [sflag:$0x4], $0x1000, s25, s24, $0x38;
	[tilespmem:$0x10900] =	vst v63  }
0x2b5: {  	s2 =	sadd.s32 $0x4C, s0  }
0x2b6: {  	[hbm4b:s2+s24] =	stream.strided.scatter [tilespmem:s12], [sflag:$0x4], $0x1000, s25, s24, $0x38;
	[tilespmem:$0x10900] =	vst v63  }
0x2b7: {  	_ =	swait.ge [sflag:s26], $0x5000  }
0x2b8: {  	[sflag:s26] =	ssyncset.done $0x0  }
0x2b9: {  	[sflag:s26] =	ssyncadd.s32 $0xFFFFB000  }
0x2ba: {  	_ =	swait.ge [sflag:s28], $0x5000  }
0x2bb: {  	s21 =	sld [smem:$0x7EA]  }
0x2bc: {  	[sflag:s28] =	ssyncset.done $0x0  }
0x2bd: {  	s2 =	sld [smem:$0x7EB];
	[sflag:s28] =	ssyncadd.s32 $0xFFFFB000  }
0x2be: {  	[tilespmem:s8], [sflag:$0x1] =	stream.indirect.gather [hbm4b:s3+s6], $0x20, s21, s6, $0xb8;
	[tilespmem:$0x10900] =	vst v63  }
0x2bf: {  	s21 =	sld [smem:$0x7EC]  }
0x2c0: {  	[tilespmem:s9], [sflag:$0x1] =	stream.indirect.gather [hbm4b:s3+s6], $0x20, s2, s6, $0xb8;
	[tilespmem:$0x10900] =	vst v63  }
0x2c1: {  	s2 =	sld [smem:$0x7ED]  }
0x2c2: {  	[tilespmem:s10], [sflag:$0x1] =	stream.indirect.gather [hbm4b:s3+s6], $0x20, s21, s6, $0xb8;
	[tilespmem:$0x10900] =	vst v63  }
0x2c3: {  	s21 =	sld [smem:$0x7EE]  }
0x2c4: {  	[tilespmem:s11], [sflag:$0x1] =	stream.indirect.gather [hbm4b:s3+s6], $0x20, s2, s6, $0xb8;
	[tilespmem:$0x10900] =	vst v63  }
0x2c5: {  	_ = 	snop  }
0x2c6: {  	[tilespmem:s12], [sflag:$0x1] =	stream.indirect.gather [hbm4b:s3+s6], $0x20, s21, s6, $0xb8;
	[tilespmem:$0x10900] =	vst v63  }
0x2c7: {  	s2 =	sadd.s32 $0x50, s0  }
0x2c8: {  	[hbm4b:s2+s24] =	stream.strided.scatter [tilespmem:s4], [sflag:$0x5], $0x1000, s25, s24, $0x38;
	[tilespmem:$0x10900] =	vst v63  }
0x2c9: {  	s21 =	sadd.s32 $0x54, s0  }
0x2ca: {  	[hbm4b:s21+s24] =	stream.strided.scatter [tilespmem:s5], [sflag:$0x5], $0x1000, s25, s24, $0x38;
	[tilespmem:$0x10900] =	vst v63  }
0x2cb: {  	s2 =	sadd.s32 $0x58, s0  }
0x2cc: {  	[hbm4b:s2+s24] =	stream.strided.scatter [tilespmem:s7], [sflag:$0x5], $0x1000, s25, s24, $0x38;
	[tilespmem:$0x10900] =	vst v63  }
0x2cd: {  	s21 =	sadd.s32 $0x5C, s0  }
0x2ce: {  	[hbm4b:s21+s24] =	stream.strided.scatter [tilespmem:s13], [sflag:$0x5], $0x1000, s25, s24, $0x38;
	[tilespmem:$0x10900] =	vst v63  }
0x2cf: {  	s2 =	sadd.s32 $0x60, s0  }
0x2d0: {  	[hbm4b:s2+s24] =	stream.strided.scatter [tilespmem:s14], [sflag:$0x5], $0x1000, s25, s24, $0x38;
	[tilespmem:$0x10900] =	vst v63  }
0x2d1: {  	_ =	swait.ge [sflag:s29], $0x5000  }
0x2d2: {  	[sflag:s29] =	ssyncset.done $0x0  }
0x2d3: {  	[sflag:s29] =	ssyncadd.s32 $0xFFFFB000  }
0x2d4: {  	_ =	swait.ge [sflag:s30], $0x5000  }
0x2d5: {  	s21 =	sld [smem:$0x7EF]  }
0x2d6: {  	[sflag:s30] =	ssyncset.done $0x0  }
0x2d7: {  	s2 =	sld [smem:$0x7F0];
	[sflag:s30] =	ssyncadd.s32 $0xFFFFB000  }
0x2d8: {  	[tilespmem:s4], [sflag:$0x2] =	stream.indirect.gather [hbm4b:s3+s6], $0x20, s21, s6, $0xb8;
	[tilespmem:$0x10900] =	vst v63  }
0x2d9: {  	s21 =	sld [smem:$0x7F1]  }
0x2da: {  	[tilespmem:s5], [sflag:$0x2] =	stream.indirect.gather [hbm4b:s3+s6], $0x20, s2, s6, $0xb8;
	[tilespmem:$0x10900] =	vst v63  }
0x2db: {  	s2 =	sld [smem:$0x7F2]  }
0x2dc: {  	[tilespmem:s7], [sflag:$0x2] =	stream.indirect.gather [hbm4b:s3+s6], $0x20, s21, s6, $0xb8;
	[tilespmem:$0x10900] =	vst v63  }
0x2dd: {  	s21 =	sld [smem:$0x7F3]  }
0x2de: {  	[tilespmem:s13], [sflag:$0x2] =	stream.indirect.gather [hbm4b:s3+s6], $0x20, s2, s6, $0xb8;
	[tilespmem:$0x10900] =	vst v63  }
0x2df: {  	_ = 	snop  }
0x2e0: {  	[tilespmem:s14], [sflag:$0x2] =	stream.indirect.gather [hbm4b:s3+s6], $0x20, s21, s6, $0xb8;
	[tilespmem:$0x10900] =	vst v63  }
0x2e1: {  	s2 =	sadd.s32 $0x64, s0  }
0x2e2: {  	[hbm4b:s2+s24] =	stream.strided.scatter [tilespmem:s15], [sflag:$0x6], $0x1000, s25, s24, $0x38;
	[tilespmem:$0x10900] =	vst v63  }
0x2e3: {  	s21 =	sadd.s32 $0x68, s0  }
0x2e4: {  	[hbm4b:s21+s24] =	stream.strided.scatter [tilespmem:s16], [sflag:$0x6], $0x1000, s25, s24, $0x38;
	[tilespmem:$0x10900] =	vst v63  }
0x2e5: {  	s2 =	sadd.s32 $0x6C, s0  }
0x2e6: {  	[hbm4b:s2+s24] =	stream.strided.scatter [tilespmem:s17], [sflag:$0x6], $0x1000, s25, s24, $0x38;
	[tilespmem:$0x10900] =	vst v63  }
0x2e7: {  	s21 =	sadd.s32 $0x70, s0  }
0x2e8: {  	[hbm4b:s21+s24] =	stream.strided.scatter [tilespmem:s19], [sflag:$0x6], $0x1000, s25, s24, $0x38;
	[tilespmem:$0x10900] =	vst v63  }
0x2e9: {  	s2 =	sadd.s32 $0x74, s0  }
0x2ea: {  	[hbm4b:s2+s24] =	stream.strided.scatter [tilespmem:s20], [sflag:$0x6], $0x1000, s25, s24, $0x38;
	[tilespmem:$0x10900] =	vst v63  }
0x2eb: {  	_ =	swait.ge [sflag:s18], $0x5000  }
0x2ec: {  	[sflag:s18] =	ssyncset.done $0x0  }
0x2ed: {  	[sflag:s18] =	ssyncadd.s32 $0xFFFFB000  }
0x2ee: {  	_ =	swait.ge [sflag:s31], $0x5000  }
0x2ef: {  	s21 =	sld [smem:$0x7F4]  }
0x2f0: {  	[sflag:s31] =	ssyncset.done $0x0  }
0x2f1: {  	s2 =	sld [smem:$0x7F5];
	[sflag:s31] =	ssyncadd.s32 $0xFFFFB000  }
0x2f2: {  	[tilespmem:s15], [sflag:$0x3] =	stream.indirect.gather [hbm4b:s3+s6], $0x20, s21, s6, $0xb8;
	[tilespmem:$0x10900] =	vst v63  }
0x2f3: {  	s21 =	sld [smem:$0x7F6]  }
0x2f4: {  	[tilespmem:s16], [sflag:$0x3] =	stream.indirect.gather [hbm4b:s3+s6], $0x20, s2, s6, $0xb8;
	[tilespmem:$0x10900] =	vst v63  }
0x2f5: {  	s2 =	sld [smem:$0x7F7]  }
0x2f6: {  	[tilespmem:s17], [sflag:$0x3] =	stream.indirect.gather [hbm4b:s3+s6], $0x20, s21, s6, $0xb8;
	[tilespmem:$0x10900] =	vst v63  }
0x2f7: {  	s21 =	sld [smem:$0x7F8]  }
0x2f8: {  	[tilespmem:s19], [sflag:$0x3] =	stream.indirect.gather [hbm4b:s3+s6], $0x20, s2, s6, $0xb8;
	[tilespmem:$0x10900] =	vst v63  }
0x2f9: {  	_ = 	snop  }
0x2fa: {  	[tilespmem:s20], [sflag:$0x3] =	stream.indirect.gather [hbm4b:s3+s6], $0x20, s21, s6, $0xb8;
	[tilespmem:$0x10900] =	vst v63  }
0x2fb: {  	s2 =	sadd.s32 $0x78, s0  }
0x2fc: {  	[hbm4b:s2+s24] =	stream.strided.scatter [tilespmem:s8], [sflag:$0x4], $0x1000, s25, s24, $0x38;
	[tilespmem:$0x10900] =	vst v63  }
0x2fd: {  	s21 =	sadd.s32 $0x7C, s0  }
0x2fe: {  	[hbm4b:s21+s24] =	stream.strided.scatter [tilespmem:s9], [sflag:$0x4], $0x1000, s25, s24, $0x38;
	[tilespmem:$0x10900] =	vst v63  }
0x2ff: {  	s2 =	sadd.s32 $0x80, s0  }
0x300: {  	[hbm4b:s2+s24] =	stream.strided.scatter [tilespmem:s10], [sflag:$0x4], $0x1000, s25, s24, $0x38;
	[tilespmem:$0x10900] =	vst v63  }
0x301: {  	s21 =	sadd.s32 $0x84, s0  }
0x302: {  	[hbm4b:s21+s24] =	stream.strided.scatter [tilespmem:s11], [sflag:$0x4], $0x1000, s25, s24, $0x38;
	[tilespmem:$0x10900] =	vst v63  }
0x303: {  	s2 =	sadd.s32 $0x88, s0  }
0x304: {  	[hbm4b:s2+s24] =	stream.strided.scatter [tilespmem:s12], [sflag:$0x4], $0x1000, s25, s24, $0x38;
	[tilespmem:$0x10900] =	vst v63  }
0x305: {  	_ =	swait.ge [sflag:s26], $0x5000  }
0x306: {  	[sflag:s26] =	ssyncset.done $0x0  }
0x307: {  	[sflag:s26] =	ssyncadd.s32 $0xFFFFB000  }
0x308: {  	_ =	swait.ge [sflag:s28], $0x5000  }
0x309: {  	s21 =	sld [smem:$0x7F9]  }
0x30a: {  	[sflag:s28] =	ssyncset.done $0x0  }
0x30b: {  	s2 =	sld [smem:$0x7FA];
	[sflag:s28] =	ssyncadd.s32 $0xFFFFB000  }
0x30c: {  	[tilespmem:s8], [sflag:$0x1] =	stream.indirect.gather [hbm4b:s3+s6], $0x20, s21, s6, $0xb8;
	[tilespmem:$0x10900] =	vst v63  }
0x30d: {  	s21 =	sld [smem:$0x7FB]  }
0x30e: {  	[tilespmem:s9], [sflag:$0x1] =	stream.indirect.gather [hbm4b:s3+s6], $0x20, s2, s6, $0xb8;
	[tilespmem:$0x10900] =	vst v63  }
0x30f: {  	s2 =	sld [smem:$0x7FC]  }
0x310: {  	[tilespmem:s10], [sflag:$0x1] =	stream.indirect.gather [hbm4b:s3+s6], $0x20, s21, s6, $0xb8;
	[tilespmem:$0x10900] =	vst v63  }
0x311: {  	s21 =	sld [smem:$0x7FD]  }
0x312: {  	[tilespmem:s11], [sflag:$0x1] =	stream.indirect.gather [hbm4b:s3+s6], $0x20, s2, s6, $0xb8;
	[tilespmem:$0x10900] =	vst v63  }
0x313: {  	_ = 	snop  }
0x314: {  	[tilespmem:s12], [sflag:$0x1] =	stream.indirect.gather [hbm4b:s3+s6], $0x20, s21, s6, $0xb8;
	[tilespmem:$0x10900] =	vst v63  }
0x315: {  	s2 =	sadd.s32 $0x8C, s0  }
0x316: {  	[hbm4b:s2+s24] =	stream.strided.scatter [tilespmem:s4], [sflag:$0x5], $0x1000, s25, s24, $0x38;
	[tilespmem:$0x10900] =	vst v63  }
0x317: {  	s4 =	sadd.s32 $0x90, s0  }
0x318: {  	[hbm4b:s4+s24] =	stream.strided.scatter [tilespmem:s5], [sflag:$0x5], $0x1000, s25, s24, $0x38;
	[tilespmem:$0x10900] =	vst v63  }
0x319: {  	s5 =	sadd.s32 $0x94, s0  }
0x31a: {  	[hbm4b:s5+s24] =	stream.strided.scatter [tilespmem:s7], [sflag:$0x5], $0x1000, s25, s24, $0x38;
	[tilespmem:$0x10900] =	vst v63  }
0x31b: {  	s21 =	sadd.s32 $0x98, s0  }
0x31c: {  	[hbm4b:s21+s24] =	stream.strided.scatter [tilespmem:s13], [sflag:$0x5], $0x1000, s25, s24, $0x38;
	[tilespmem:$0x10900] =	vst v63  }
0x31d: {  	s2 =	sadd.s32 $0x9C, s0  }
0x31e: {  	[hbm4b:s2+s24] =	stream.strided.scatter [tilespmem:s14], [sflag:$0x5], $0x1000, s25, s24, $0x38;
	[tilespmem:$0x10900] =	vst v63  }
0x31f: {  	_ =	swait.ge [sflag:s29], $0x5000  }
0x320: {  	[sflag:s29] =	ssyncset.done $0x0  }
0x321: {  	s4 =	sadd.s32 $0xA0, s0;
	[sflag:s29] =	ssyncadd.s32 $0xFFFFB000  }
0x322: {  	[hbm4b:s4+s24] =	stream.strided.scatter [tilespmem:s15], [sflag:$0x6], $0x1000, s25, s24, $0x38;
	[tilespmem:$0x10900] =	vst v63  }
0x323: {  	s5 =	sadd.s32 $0xA4, s0  }
0x324: {  	[hbm4b:s5+s24] =	stream.strided.scatter [tilespmem:s16], [sflag:$0x6], $0x1000, s25, s24, $0x38;
	[tilespmem:$0x10900] =	vst v63  }
0x325: {  	s7 =	sadd.s32 $0xA8, s0  }
0x326: {  	[hbm4b:s7+s24] =	stream.strided.scatter [tilespmem:s17], [sflag:$0x6], $0x1000, s25, s24, $0x38;
	[tilespmem:$0x10900] =	vst v63  }
0x327: {  	s13 =	sadd.s32 $0xAC, s0  }
0x328: {  	[hbm4b:s13+s24] =	stream.strided.scatter [tilespmem:s19], [sflag:$0x6], $0x1000, s25, s24, $0x38;
	[tilespmem:$0x10900] =	vst v63  }
0x329: {  	s14 =	sadd.s32 $0xB0, s0  }
0x32a: {  	[hbm4b:s14+s24] =	stream.strided.scatter [tilespmem:s20], [sflag:$0x6], $0x1000, s25, s24, $0x38;
	[tilespmem:$0x10900] =	vst v63  }
0x32b: {  	_ =	swait.ge [sflag:s18], $0x5000  }
0x32c: {  	[sflag:s18] =	ssyncset.done $0x0  }
0x32d: {  	s15 =	sadd.s32 $0xB4, s0;
	[sflag:s18] =	ssyncadd.s32 $0xFFFFB000  }
0x32e: {  	[hbm4b:s15+s24] =	stream.strided.scatter [tilespmem:s8], [sflag:$0x4], $0x1000, s25, s24, $0x38;
	[tilespmem:$0x10900] =	vst v63  }
0x32f: {  	s16 =	sadd.s32 $0xB8, s0  }
0x330: {  	[hbm4b:s16+s24] =	stream.strided.scatter [tilespmem:s9], [sflag:$0x4], $0x1000, s25, s24, $0x38;
	[tilespmem:$0x10900] =	vst v63  }
0x331: {  	s17 =	sadd.s32 $0xBC, s0  }
0x332: {  	[hbm4b:s17+s24] =	stream.strided.scatter [tilespmem:s10], [sflag:$0x4], $0x1000, s25, s24, $0x38;
	[tilespmem:$0x10900] =	vst v63  }
0x333: {  	s19 =	sadd.s32 $0xC0, s0  }
0x334: {  	[hbm4b:s19+s24] =	stream.strided.scatter [tilespmem:s11], [sflag:$0x4], $0x1000, s25, s24, $0x38;
	[tilespmem:$0x10900] =	vst v63  }
0x335: {  	s0 =	sadd.s32 $0xC4, s0  }
0x336: {  	[hbm4b:s0+s24] =	stream.strided.scatter [tilespmem:s12], [sflag:$0x4], $0x1000, s25, s24, $0x38;
	[tilespmem:$0x10900] =	vst v63  }
0x337: {  	_ =	swait.ge [sflag:s28], $0x5000  }
0x338: {  	[sflag:s28] =	ssyncset.done $0x0  }
0x339: {  	[sflag:s28] =	ssyncadd.s32 $0xFFFFB000  }
0x33a: {  	_ =	swait.ge [sflag:s30], $0x5000  }
0x33b: {  	[sflag:s30] =	ssyncset.done $0x0  }
0x33c: {  	[sflag:s30] =	ssyncadd.s32 $0xFFFFB000  }
0x33d: {  	_ =	swait.ge [sflag:s31], $0x5000  }
0x33e: {  	s20 =	sld [smem:$0x7E6]  }
0x33f: {  	s21 =	sld [smem:$0x7E7];
	_ =	sdelay $0x1  }
0x340: {  	s1 =	sadd.s32 $0x1, s20  }
0x341: {  	p0 =	sne.s32 s1, s21  }
.Ltmp1:
0x342: {  	_ = 	snop;
	(pc) =	sbr.rel @p0 .LBB2_1-.Ltmp1, $3  }
0x343: {  	_ =	sdelay $0x1  }
0x344: {  	[sflag:s31] =	ssyncset.done $0x0  }
0x345: {  	[sflag:s31] =	ssyncadd.s32 $0xFFFFB000  }
0x346: {  	_ =	sfence.sel $0x180000  }
0x347: {  	[bflag:$0x0] =	sbarrier.arrive $0xFFFF  }
0x348: {  	_ =	strace $0x90000047  }
0x349: {  	s0 =	stileid.u32;
	[bflag:$0x2] =	sbarrier.arrive $0xFFFF  }
0x34a: {  	p0 =	sne.s32 s0, $0x0;
	s0 =	rddreg [dreg:$0x2]  }
0x34b: {  	s0 =	sadd.s32 @!p0 $0x100000, s0  }
0x34c: {  	[sflag:s0] =	ssyncadd.tile.s32 @!p0 $0x1;
	_ =	shalt  }
.Lfunc_end2:
_tile_overlayer_lowered:
.L_overlay_start_2:
0x34d: {  	(tag) =	ssettag $0x2  }
0x34e: {  	s0 =	rddreg [dreg:$0x0];
	s2 =	stileid.u32  }
0x34f: {  	s1 =	rddreg [dreg:$0x1];
	p0 =	sne.s32 s2, $0x0  }
0x350: {  	s3 =	rddreg [dreg:$0x2];
	[bflag:$0x3] =	sbarrier.arrive $0xFFFF;
	s2 =	simm.s32 @!p0 $0x1C07  }
0x351: {  	[timem:s3], [sflag:s2] =	dma.local @!p0 [hbm:s0], s1  }
0x352: {  	s0 =	simm.s32 @!p0 $0x7  }
0x353: {  	_ =	swait.ge @!p0 [sflag:s0], s1  }
0x354: {  	s1 =	ssub.s32 @!p0 $0x0, s1;
	[sflag:s0] =	ssyncset.done @!p0 $0x0  }
0x355: {  	[sflag:s0] =	ssyncadd.s32 @!p0 s1  }
0x356: {  	[bflag:$0x3] =	sbarrier.arrive $0xFFFF  }
0x357: {  	_ =	shalt  }

// kernel: sparse-core-data-format-call.cloned.1.call-start
scs
called_computation_lowered:
.L_overlay_start_0:
0x0: {  	s2 =	sld [smem:$0x3FD9]  }
0x1: {  	s3 =	sld [smem:$0x3FFE];
	_ =	sdelay $0x1  }
0x2: {  	s1 =	srdreg.scid  }
0x3: {  	s0 =	sand.u32 $0x1, s1  }
0x4: {  	s18 =	sshll.u32 s0, $0xA;
	s2 =	sadd.s32 s3, s2  }
0x5: {  	s2 =	sadd.s32 s2, s18  }
0x6: {  	[smem:$0x3FC6] =	sst s2  }
0x7: {  	_ = 	snop  }
0x8: {  	s2 =	sld [smem:$0x3FD0];
	(tm) =	ssettm $0x1  }
0x9: {  	s19 =	sld [smem:$0x3FFB];
	_ =	sdelay $0x3  }
0xa: {  	_ =	strace s19  }
0xb: {  	s3 =	sld [smem:$0x3FFC];
	_ =	sdelay $0x3  }
0xc: {  	_ =	strace s3  }
0xd: {  	s3 =	sld [smem:$0x3FFD];
	_ =	sdelay $0x3  }
0xe: {  	_ =	strace s3  }
0xf: {  	_ =	strace $0x8FFFFFFF  }
0x10: {  	s20 =	sld [smem:$0x3FDB];
	_ =	sdelay $0x1  }
0x11: {  	s4 =	simm.s32 $_scs_section_size  }
0x12: {  	s5 =	simm.s32 $_size__tile_overlayer_lowered;
	s6 =	simm.s32 $_tile_overlayer_lowered  }
0x13: {  	s23 =	simm.s32 $0x1BFF;
	s22 =	sshll.u32 s6, $0x1;
	s3 =	sadd.s32 s4, s20  }
0x14: {  	s7 =	simm.s32 $0x0;
	s21 =	sshll.u32 s5, $0x1;
	s5 =	sadd.s32 s22, s3  }
0x15: {  	[timem:s7], [sflag:s23] =	dma.local [hbm:s5], s21  }
0x16: {  	_ =	swait.ge [sflag:s23], s21  }
0x17: {  	s4 =	ssub.s32 $0x0, s21;
	[sflag:s23] =	ssyncset.done $0x0  }
0x18: {  	[sflag:s23] =	ssyncadd.s32 s4;
	_ =	sdelay $0x1  }
0x19: {  	s24 =	simm.s32 $0x1B8B  }
0x1a: {  	_ =	swait.ge [sflag:s24], $0x1  }
0x1b: {  	[sflag:s24] =	ssyncset.done $0x0  }
0x1c: {  	s26 =	simm.s32 $0x1B8E;
	s25 =	sld [smem:$0x3FFE];
	[sflag:s24] =	ssyncadd.s32 $0xFFFFFFFF  }
0x1d: {  	s27 =	simm.s32 $execute0_lowered;
	[smem:$0x3FD2] =	sst s26  }
0x1e: {  	s5 =	sshll.u32 s27, $0x1;
	_ =	strace $0x80000049;
	[dreg:$0x1] =	wrdreg $0xFFFFFFFF  }
0x1f: {  	s28 =	simm.s32 $_size_execute0_lowered;
	s3 =	sadd.s32 s3, s5;
	[dreg:$0x0] =	wrdreg $0x0  }
0x20: {  	s5 =	sshll.u32 s28, $0x1;
	[dreg:$0x2] =	wrdreg s3  }
0x21: {  	[dreg:$0x3] =	wrdreg s5  }
0x22: {  	[dreg:$0x4] =	wrdreg $0xC0  }
0x23: {  	_ =	task [dreg:s7], $0x5FFFF  }
0x24: {  	[dreg:$0x1] =	wrdreg $0xFFFFFFFF  }
0x25: {  	[dreg:$0x0] =	wrdreg $0x60  }
0x26: {  	[dreg:$0x2] =	wrdreg s25  }
0x27: {  	[dreg:$0x3] =	wrdreg s2  }
0x28: {  	[dreg:$0x4] =	wrdreg $0x9  }
0x29: {  	_ =	task.clear_ibuf [dreg:s7], $0x5FFFF;
	_ =	strace $0x90000049  }
0x2a: {  	s29 =	simm.s32 $0x9;
	_ =	strace $0x8000004B  }
0x2b: {  	_ =	swait.ge [sflag:s29], $0x1  }
0x2c: {  	[sflag:s29] =	ssyncadd.s32 $0xFFFFFFFF  }
0x2d: {  	_ =	strace $0x9000004B  }
0x2e: {  	_ =	sfence  }
0x2f: {  	s30 =	sld [smem:$0x0];
	_ =	sdelay $0x2  }
0x30: {  	s31 =	sshll.u32 s1, $0xD;
	s1 =	sshrl.u32 s1, $0x2  }
0x31: {  	s3 =	sand.u32 $0x4000, s31;
	s1 =	sadd.s32 s1, s30  }
0x32: {  	s0 =	sor.u32 s3, s0;
	s1 =	sshll.u32 s1, $0x11  }
0x33: {  	s0 =	sor.u32 s1, s0  }
0x34: {  	s0 =	sadd.s32 $0x8F2B, s0  }
0x35: {  	[sflag:s0] =	ssyncadd.remote.s32 $0x1  }
0x36: {  	_ =	sfence.sel $0xFFFF  }
0x37: {  	[dreg:$0x0] =	wrdreg $0xFFFFFFFF;
	(pc) =	sbr.abs _section_cstart, $3  }
0x38: {  	[dreg:$0x1] =	wrdreg $0xFFFFFFFF  }
0x39: {  	_ =	task.clear_ibuf [dreg:s7], $0x2FFFF;
	_ =	strace $0x9FFFFFFF  }
0x3a: {  	(tm) =	ssettm $0x7FFFFFFF  }
0x3b: {  	_ =	shalt  }
tec
execute0_lowered:
.L_overlay_start_1:
0x0: {  	(tag) =	ssettag $0x1  }
0x1: {  	s0 =	srdreg.scid  }
0x2: {  	s1 =	sshll.u32 s0, $0x4  }
0x3: {  	s6 =	rddreg [dreg:$0x0];
	s0 =	stileid.u32;
	s1 =	sand.u32 $0x10, s1  }
0x4: {  	s3 =	rddreg [dreg:$0x1];
	s1 =	sor.u32 s0, s1  }
0x5: {  	s5 =	simm.s32 $0x1;
	s31 =	simm.s32 $0x2;
	s2 =	sshll.u32 s1, $0x7  }
0x6: {  	s15 =	simm.s32 $0x0;
	s8 =	simm.s32 $0x20000;
	s4 =	ssub.s32 $0x4000, s2  }
0x7: {  	s14 =	simm.s32 $0x0;
	s9 =	simm.s32 $0x0;
	s30 =	sand.u32 $0xF80, s4  }
0x8: {  	s10 =	simm.s32 $0x0;
	s11 =	simm.s32 $0x0;
	p0 =	sne.s32 s30, $0x0  }
.Ltmp0:
0x9: {  	s7 =	sshrl.u32 s4, $0xC;
	s5 =	simm.s32 @!p0 $0x0;
	(pc) =	sbr.rel .LBB1_1-.Ltmp0, $4  }
0xa: {  	s13 =	simm.s32 $0x0;
	s1 =	rddreg [dreg:$0x2];
	s5 =	sadd.s32 s5, s7  }
0xb: {  	_ =	strace $0x8000004A;
	s4 =	simm.s32 $0x1;
	s5 =	smul.u32 $0xD, s5  }
0xc: {  	s6 =	sadd.s32 $0xA00, s6;
	s12 =	smov.u32 s2;
	[sflag:s4] =	ssyncpa.u1 $0x0  }
0xd: {  	[sflag:s31] =	ssyncpa.u1 $0x0;
	p0 =	por $0x0, $0x0;
	s7 =	sadd.s32 $0x1, s5  }
.LBB1_4:
0xe: {  	s20 =	sshra.s32 s20, $0x2  }
0xf: {  	s28 =	sand.u32 $0x78, s10;
	s21 =	sshll.u32 s9, $0xE;
	s22 =	sshll.u32 s10, $0x3  }
0x10: {  	s24 =	sshll.u32 s9, $0x7;
	p1 =	sgt.s32 s9, $0x5C0;
	s30 =	sshra.s32 s9, $0x1F  }
0x11: {  	s26 =	sshra.s32 s10, $0x1F;
	s19 =	sadd.s32 s20, s19;
	s21 =	sand.u32 $0xFFFE0000, s21  }
0x12: {  	v5 =	vld [tilespmem:s17+$0xFFFFFFD0];
	[tilespmem:s18+$0x2040 ss:$0x81] =	vst.msk $0xffff, v4;
	s23 =	sand.u32 $0xFFFFFC00, s22;
	s29 =	sand.u32 $0x380, s24;
	s22 =	sand.u32 $0x3C00, s22  }
0x13: {  	v58 =	vld [tilespmem:s17+$0xFFFFFFE0];
	[tilespmem:s18+$0x2850 ss:$0x81] =	vst.msk $0xffff, v3;
	s21 =	sadd.s32 s23, s21;
	s20 =	sor.u32 s28, s22;
	s22 =	smov.u32 s9  }
0x14: {  	v59 =	vld [tilespmem:s17+$0xFFFFFFF0];
	[tilespmem:s18+$0x3060 ss:$0x81] =	vst.msk $0xffff, v2;
	s24 =	sand.u32 s30, s9;
	s21 =	sshrl.u32 s21, $0xE;
	s22 =	simm.s32 @!p1 $0x5C0  }
0x15: {  	v60 =	vld [tilespmem:s17+$0x0];
	[tilespmem:s18+$0x0 ss:$0x81] =	vst.msk $0xffff, v1;
	p1 =	sgt.s32 s10, $0x3F80;
	s31 =	ssub.s32 s22, s24;
	s22 =	smov.u32 s10  }
0x16: {  	v61 =	vld [tilespmem:s17+$0x10];
	[tilespmem:s19+$0x3870 ss:$0x81] =	vst.msk $0xffff, v0;
	s25 =	smulhi.u32 $0x28F5C3, s21;
	s24 =	sand.u32 s26, s10;
	s22 =	simm.s32 @!p1 $0x3F80  }
0x17: {  	v62 =	vld [tilespmem:s17+$0x20];
	s20 =	sor.u32 s29, s20;
	[tilespmem:s19+$0x810 ss:$0x81] =	vst.msk $0xffff, v5;
	s27 =	sadd.s32 $0xFFFFFA40, s31;
	s22 =	ssub.s32 s22, s24  }
0x18: {  	v63 =	vld [tilespmem:s17+$0xFFFFFFC0];
	[tilespmem:s19+$0x1020 ss:$0x81] =	vst.msk $0xffff, v58;
	s18 =	ssub.s32 $0x640, s31;
	s28 =	smul.u32 $0x640, s25;
	s29 =	sadd.s32 $0xFFFFC080, s22  }
0x19: {  	[tilespmem:s19+$0x1830 ss:$0x81] =	vst.msk $0xffff, v59;
	p1 =	sgt.s32 s27, $0x7F;
	s22 =	ssub.s32 $0x4000, s22;
	p2 =	sgt.s32 s29, $0x7F  }
0x1a: {  	s30 =	sand.u32 $0x7, s10;
	[tilespmem:s19+$0x2040 ss:$0x81] =	vst.msk $0xffff, v60;
	s18 =	simm.s32 @p1 $0x0;
	s22 =	simm.s32 @p2 $0x0  }
0x1b: {  	s20 =	sshrl.u32 s20, $0x3;
	[tilespmem:s19+$0x2850 ss:$0x81] =	vst.msk $0xffff, v61;
	s17 =	ssub.s32 s21, s28;
	s18 =	smul.u32 s22, s18  }
0x1c: {  	[tilespmem:s19+$0x3060 ss:$0x81] =	vst.msk $0xffff, v62;
	s20 =	sadd.s32 s3, s20;
	s21 =	sshll.u32 s30, $0x12;
	s17 =	sshll.u32 s17, $0xB  }
0x1d: {  	[tilespmem:s19+$0x0 ss:$0x81] =	vst.msk $0xffff, v63;
	s31 =	sor.u32 $0x400, s21;
	s17 =	sadd.s32 s17, s20;
	s18 =	sand.u32 $0x3FFFFFFF, s18  }
0x1e: {  	[hbm4b:s17+s31] =	stream.strided.scatter [tilespmem:s16], [sflag:$0x2], s18, s8, s31, $0x20;
	[tilespmem:$0x10100] =	vst v63  }
.LBB1_5:
0x1f: {  	p1 =	slt.u32 s13, $0x2  }
0x20: {  	s17 =	smov.u32 s15;
	p2 =	sgt.s32 @!p1 s15, $0x5C0;
	s16 =	sshra.s32 @!p1 s15, $0x1F  }
0x21: {  	p3 =	sgt.s32 @!p1 s14, $0x3F80;
	s18 =	sshra.s32 @!p1 s14, $0x1F;
	p2 =	por !p2, p1  }
0x22: {  	s15 =	sand.u32 @!p1 s16, s15;
	p3 =	por !p3, p1;
	s16 =	smov.u32 s14  }
0x23: {  	s14 =	sand.u32 @!p1 s18, s14;
	s17 =	simm.s32 @p2 $0x5C0;
	s16 =	simm.s32 @p3 $0x3F80  }
0x24: {  	s15 =	ssub.s32 @!p1 s17, s15;
	s14 =	ssub.s32 @!p1 s16, s14  }
0x25: {  	s18 =	smov.u32 s12;
	s16 =	sadd.s32 @!p1 $0xFFFFFA40, s15;
	s17 =	sadd.s32 @!p1 $0xFFFFC080, s14  }
0x26: {  	s15 =	ssub.s32 @!p1 $0x640, s15;
	p2 =	sgt.s32 @!p1 s16, $0x7F;
	p3 =	sgt.s32 @!p1 s17, $0x7F  }
0x27: {  	s14 =	ssub.s32 @!p1 $0x4000, s14;
	p2 =	por !p2, p1;
	p3 =	por !p3, p1  }
0x28: {  	s16 =	sadd.s32 $0x80, s11;
	s15 =	simm.s32 @!p2 $0x0;
	s14 =	simm.s32 @!p3 $0x0  }
0x29: {  	p2 =	sgt.s32 s16, $0x63F;
	s14 =	smul.u32 @!p1 s14, s15;
	s15 =	sadd.s32 $0x1000, s12  }
0x2a: {  	s18 =	smov.u32 @p2 s15  }
0x2b: {  	s16 =	simm.s32 @p2 $0x0;
	p2 =	sgt.s32 s18, $0x3FFF  }
0x2c: {  	s18 =	smov.u32 @p2 s2;
	p2 =	sne.s32 s13, s7  }
.Ltmp1:
0x2d: {  	p0 =	por !p0, !p0;
	s17 =	simm.s32 @!p1 $0x2;
	(pc) =	sbr.rel @!p2 .LBB1_6-.Ltmp1, $4  }
0x2e: {  	s15 =	smov.u32 s9;
	s9 =	smov.u32 s11;
	s14 =	sand.u32 @!p1 $0x3FFFFFFF, s14  }
0x2f: {  	s11 =	smov.u32 s16;
	_ =	swait.ge @!p1 [sflag:s17], s14;
	s19 =	ssub.s32 @!p1 $0x0, s14  }
0x30: {  	s14 =	smov.u32 s10;
	s13 =	sadd.s32 $0x1, s13;
	[sflag:s17] =	ssyncset.done @!p1 $0x0  }
0x31: {  	s10 =	smov.u32 s12;
	s12 =	smov.u32 s18;
	[sflag:s17] =	ssyncadd.s32 @!p1 s19  }
.LBB1_1:
0x32: {  	p1 =	sge.u32 s13, s5  }
0x33: {  	s16 =	sshrl.u32 @!p1 s12, $0x3  }
0x34: {  	s17 =	sshll.u32 @!p1 s11, $0x3;
	s16 =	smul.u32 @!p1 $0x3400, s16  }
0x35: {  	s18 =	sshll.u32 @!p1 s12, $0x7;
	s17 =	sand.u32 @!p1 $0xFFFFFC00, s17  }
0x36: {  	s16 =	sadd.s32 @!p1 s16, s17;
	s17 =	sand.u32 @!p1 $0x380, s18  }
0x37: {  	s18 =	sand.u32 @!p1 $0x7F, s11;
	s16 =	sor.u32 @!p1 s17, s16  }
0x38: {  	s17 =	sor.u32 @!p1 s18, s16  }
0x39: {  	s18 =	smulhi.u32 @!p1 $0x4EC4EC4F, s17;
	_ =	sdelay $0x1  }
0x3a: {  	s16 =	smulhi.u32 @!p1 $0x4EC4EC4F, s16;
	s18 =	sshrl.u32 @!p1 s18, $0x9  }
0x3b: {  	s18 =	smul.u32 @!p1 $0x680, s18  }
0x3c: {  	s31 =	sadd.s32 $0xFFFFFFFF, s13;
	s19 =	sxor.u32 @!p1 $0xFFFFFFFF, s13;
	s16 =	sshrl.u32 @!p1 s16, $0x9  }
0x3d: {  	s19 =	sshll.u32 @!p1 s19, $0xE;
	s16 =	sand.u32 @!p1 $0x3FFF, s16;
	s17 =	ssub.s32 @!p1 s17, s18  }
0x3e: {  	s16 =	smul.u32 @!p1 $0xD0, s16;
	s18 =	sshrl.u32 @!p1 s17, $0x3;
	s17 =	sand.u32 @!p1 $0x7, s17  }
0x3f: {  	s19 =	sand.u32 @!p1 $0x4000, s19;
	s18 =	sadd.s32 @!p1 s6, s18;
	s17 =	sshll.u32 @!p1 s17, $0x12  }
0x40: {  	s16 =	sadd.s32 @!p1 s16, s18;
	s17 =	sor.u32 @!p1 $0x400, s17;
	s18 =	simm.s32 @!p1 $0x3400  }
0x41: {  	[tilespmem:s19], [sflag:$0x1] =	stream.strided.gather @!p1 [hbm4b:s16+s17], $0x4000, s18, s17, $0x38;
	[tilespmem:$0x10100] =	vst v63  }
0x42: {  	p1 =	sge.u32 s31, s5  }
.Ltmp2:
0x43: {  	_ = 	snop;
	(pc) =	sbr.rel @p1 .LBB1_5-.Ltmp2, $1  }
0x44: {  	_ =	sdelay $0x3  }
0x45: {  	s16 =	simm.s32 $0x1  }
0x46: {  	_ =	swait.ge [sflag:s4], $0x4000;
	s16 =	simm.s32 @!p0 $0x0  }
0x47: {  	[sflag:s4] =	ssyncset.done $0x0;
	s17 =	sshll.u32 s16, $0xE  }
0x48: {  	[sflag:s4] =	ssyncadd.s32 $0xFFFFC000;
	s17 =	sor.u32 $0x40, s17  }
0x49: {  	s16 =	smul.u32 $0x10200, s16;
	v0 =	vld [tilespmem:s17+$0x30]  }
0x4a: {  	v1 =	vld [tilespmem:s17+$0xFFFFFFD0]  }
0x4b: {  	s16 =	sshrl.u32 s16, $0x2;
	v5 =	vld [tilespmem:s17+$0xFFFFFFE0]  }
0x4c: {  	v6 =	vld [tilespmem:s17+$0xFFFFFFF0];
	s19 =	sor.u32 $0x8000, s16  }
0x4d: {  	s31 =	sand.u32 $0x1, s13;
	v4 =	vld [tilespmem:s17+$0x0];
	s18 =	sadd.s32 $0x0, s19  }
0x4e: {  	v3 =	vld [tilespmem:s17+$0x10];
	s16 =	smul.u32 $0x10200, s31;
	[tilespmem:s18+$0x3870 ss:$0x81] =	vst.msk $0xffff, v0  }
0x4f: {  	v2 =	vld [tilespmem:s17+$0x20];
	[tilespmem:s18+$0x810 ss:$0x81] =	vst.msk $0xffff, v1  }
0x50: {  	s16 =	sshrl.u32 s16, $0x2;
	v1 =	vld [tilespmem:s17+$0xFFFFFFC0];
	[tilespmem:s18+$0x1020 ss:$0x81] =	vst.msk $0xffff, v5;
	s17 =	sadd.s32 $0x80, s17  }
0x51: {  	s20 =	simm.s32 $0x4;
	s21 =	simm.s32 $0x8;
	s16 =	sor.u32 $0x8000, s16;
	[tilespmem:s18+$0x1830 ss:$0x81] =	vst.msk $0xffff, v6;
	v0 =	vld [tilespmem:s17+$0x30]  }
.LBB1_3:
0x52: {  	p1 =	sne.s32 s21, $0x1FC;
	v5 =	vld [tilespmem:s17+$0xFFFFFFD0];
	[tilespmem:s18+$0x2040 ss:$0x81] =	vst.msk $0xffff, v4  }
0x53: {  	v6 =	vld [tilespmem:s17+$0xFFFFFFE0];
	[tilespmem:s18+$0x2850 ss:$0x81] =	vst.msk $0xffff, v3  }
0x54: {  	s22 =	sshra.s32 s20, $0x2;
	s20 =	smov.u32 s21;
	v7 =	vld [tilespmem:s17+$0xFFFFFFF0];
	[tilespmem:s18+$0x3060 ss:$0x81] =	vst.msk $0xffff, v2  }
.Ltmp3:
0x55: {  	v4 =	vld [tilespmem:s17+$0x0];
	[tilespmem:s18+$0x0 ss:$0x81] =	vst.msk $0xffff, v1;
	s18 =	sadd.s32 s22, s19;
	(pc) =	sbr.rel @p1 .LBB1_3-.Ltmp3, $4  }
0x56: {  	v3 =	vld [tilespmem:s17+$0x10];
	[tilespmem:s18+$0x3870 ss:$0x81] =	vst.msk $0xffff, v0  }
0x57: {  	[tilespmem:s18+$0x810 ss:$0x81] =	vst.msk $0xffff, v5;
	v2 =	vld [tilespmem:s17+$0x20]  }
0x58: {  	v1 =	vld [tilespmem:s17+$0xFFFFFFC0];
	[tilespmem:s18+$0x1020 ss:$0x81] =	vst.msk $0xffff, v6;
	s17 =	sadd.s32 $0x80, s17  }
0x59: {  	s21 =	sadd.s32 $0x4, s21;
	v0 =	vld [tilespmem:s17+$0x30];
	[tilespmem:s18+$0x1830 ss:$0x81] =	vst.msk $0xffff, v7  }
.Ltmp4:
0x5a: {  	_ = 	snop;
	(pc) =	sbr.rel .LBB1_4-.Ltmp4, $1  }
0x5b: {  	_ =	sdelay $0x3  }
.LBB1_6:
0x5c: {  	_ =	sfence.sel $0x180000  }
0x5d: {  	s2 =	simm.s32 $0x1;
	[bflag:$0x0] =	sbarrier.arrive $0xFFFF  }
0x5e: {  	s31 =	simm.s32 $0x2;
	[sflag:s2] =	ssyncpa.u1 $0x1  }
0x5f: {  	[sflag:s31] =	ssyncpa.u1 $0x1  }
0x60: {  	p0 =	sne.s32 s0, $0x0;
	_ =	strace $0x9000004A  }
0x61: {  	s0 =	sadd.s32 @!p0 $0x100000, s1;
	[bflag:$0x2] =	sbarrier.arrive $0xFFFF  }
0x62: {  	[sflag:s0] =	ssyncadd.tile.s32 @!p0 $0x1;
	_ =	shalt  }
.Lfunc_end1:
_tile_overlayer_lowered:
.L_overlay_start_2:
0x63: {  	(tag) =	ssettag $0x2  }
0x64: {  	s0 =	rddreg [dreg:$0x0];
	s2 =	stileid.u32  }
0x65: {  	s1 =	rddreg [dreg:$0x1];
	p0 =	sne.s32 s2, $0x0  }
0x66: {  	s3 =	rddreg [dreg:$0x2];
	[bflag:$0x3] =	sbarrier.arrive $0xFFFF;
	s2 =	simm.s32 @!p0 $0x1C01  }
0x67: {  	[timem:s3], [sflag:s2] =	dma.local @!p0 [hbm:s0], s1  }
0x68: {  	s0 =	simm.s32 @!p0 $0x1  }
0x69: {  	_ =	swait.ge @!p0 [sflag:s0], s1  }
0x6a: {  	s1 =	ssub.s32 @!p0 $0x0, s1;
	[sflag:s0] =	ssyncset.done @!p0 $0x0  }
0x6b: {  	[sflag:s0] =	ssyncadd.s32 @!p0 s1  }
0x6c: {  	[bflag:$0x3] =	sbarrier.arrive $0xFFFF  }
0x6d: {  	_ =	shalt  }

</sc_bundles>
